<compile_context>
chip_gen: v7x
topology: tpu7x:2x2x1
jax: 0.10.2.dev20260603
libtpu: 0.0.44.dev20260713+nightly
codegen_flags: <defaults>
</compile_context>

<pallas_src>
import functools

import jax
import jax.numpy as jnp
from jax import lax
from jax.experimental import pallas as pl
from jax.experimental.pallas import tpu as pltpu
from jax.experimental.pallas import tpu_sc as plsc

N = 10000
E = 320000
D = 132
DP = 144
EH = 32

NC = 2
NS = 16
NW = NC * NS
CHUNK = 128
EPW = 10240
NCHUNK = EPW // CHUNK
IG = 4
NIG = NCHUNK // IG
TGRP = NCHUNK // 8
E_PAD = NW * EPW
ROWS_PER_TILE = 632
N_STRIPED = NS * ROWS_PER_TILE
JUNK_ROW = N_STRIPED
AGG_ROWS = N_STRIPED + 8


def _edge_net_kernel(e_ref, We1_ref, be1_ref, We2_ref, be2_ref, out_ref):
    eh = jnp.maximum(
        jnp.dot(e_ref[...], We1_ref[...], preferred_element_type=jnp.float32)
        + be1_ref[...], 0.0)
    out_ref[...] = (
        jnp.dot(eh, We2_ref[...], preferred_element_type=jnp.float32)
        + be2_ref[...])


def _edge_net(e0, We1, be1, We2, be2):
    out = pl.pallas_call(
        _edge_net_kernel,
        out_shape=jax.ShapeDtypeStruct((1, D * D), jnp.float32),
    )(e0, We1, be1.reshape(1, EH), We2, be2.reshape(1, D * D))
    return out.reshape(D, D)


def _node_proj_kernel(x_ref, Wp_ref, bp_ref, At_ref, h_ref, proj_ref):
    h = jnp.maximum(
        jnp.dot(x_ref[...], Wp_ref[...], preferred_element_type=jnp.float32)
        + bp_ref[...], 0.0)
    h_ref[...] = h
    proj = jnp.dot(h, At_ref[...], preferred_element_type=jnp.float32)
    proj_ref[...] = jnp.concatenate(
        [proj, jnp.zeros((proj.shape[0], DP - D), jnp.float32)], axis=1)


def _node_proj(x, W_proj, b_proj, A_t):
    blk = 2000
    grid = (N // blk,)
    return pl.pallas_call(
        _node_proj_kernel,
        grid=grid,
        in_specs=[
            pl.BlockSpec((blk, D), lambda i: (i, 0)),
            pl.BlockSpec((D, D), lambda i: (0, 0)),
            pl.BlockSpec((1, D), lambda i: (0, 0)),
            pl.BlockSpec((D, D), lambda i: (0, 0)),
        ],
        out_specs=[
            pl.BlockSpec((blk, D), lambda i: (i, 0)),
            pl.BlockSpec((blk, DP), lambda i: (i, 0)),
        ],
        out_shape=[
            jax.ShapeDtypeStruct((N, D), jnp.float32),
            jax.ShapeDtypeStruct((N, DP), jnp.float32),
        ],
    )(x, W_proj, b_proj.reshape(1, D), A_t)


NBUF = 2


def _sc_body(proj_hbm, src_hbm, dst_hbm, zeros_hbm, out_hbm,
             sg0, sg1, dg0, dg1, r0, r1, agg_sh,
             is0, is1, id0, id1, g0, g1, h0, h1):
    c = lax.axis_index("c")
    s = lax.axis_index("s")
    w = c * NS + s
    rows = [r0, r1]
    sgb = [sg0, sg1]
    dgb = [dg0, dg1]
    isem = [is0, is1]
    jsem = [id0, id1]
    gsem = [g0, g1]
    hsem = [h0, h1]

    pltpu.sync_copy(zeros_hbm.at[pl.ds(s * ROWS_PER_TILE, ROWS_PER_TILE)],
                    agg_sh.at[pl.ds(s * ROWS_PER_TILE, ROWS_PER_TILE)])
    @pl.when(s == 0)
    def _():
        pltpu.sync_copy(zeros_hbm.at[pl.ds(0, AGG_ROWS - N_STRIPED)],
                        agg_sh.at[pl.ds(N_STRIPED, AGG_ROWS - N_STRIPED)])

    def idx_off(g, j):
        return w * CHUNK + (g * IG + j) * NW * CHUNK

    def idx_fetch(g, q):
        for j in range(IG):
            pltpu.async_copy(src_hbm.at[pl.ds(idx_off(g, j), CHUNK)],
                             sgb[q].at[j], isem[q])
            pltpu.async_copy(dst_hbm.at[pl.ds(idx_off(g, j), CHUNK)],
                             dgb[q].at[j], jsem[q])

    def idx_wait(g, q):
        for j in range(IG):
            pltpu.make_async_copy(src_hbm.at[pl.ds(idx_off(g, j), CHUNK)],
                                  sgb[q].at[j], isem[q]).wait()
            pltpu.make_async_copy(dst_hbm.at[pl.ds(idx_off(g, j), CHUNK)],
                                  dgb[q].at[j], jsem[q]).wait()

    def gather_start(t, k):
        q = (k // 4) % 2
        r = k % 4
        g = 2 * t + k // 4
        if r == 0:
            idx_wait(g, q)
        if r == 1:
            @pl.when(g + 1 < NIG)
            def _():
                idx_fetch(g + 1, 1 - q)
        pltpu.async_copy(proj_hbm.at[sgb[q].at[r, pl.ds(0, 64)]],
                         rows[k % 2].at[pl.ds(0, 64)], gsem[k % 2])
        pltpu.async_copy(proj_hbm.at[sgb[q].at[r, pl.ds(64, 64)]],
                         rows[k % 2].at[pl.ds(64, 64)], hsem[k % 2])

    def gather_wait(k):
        q = (k // 4) % 2
        r = k % 4
        pltpu.make_async_copy(proj_hbm.at[sgb[q].at[r, pl.ds(0, 64)]],
                              rows[k % 2].at[pl.ds(0, 64)],
                              gsem[k % 2]).wait()
        pltpu.make_async_copy(proj_hbm.at[sgb[q].at[r, pl.ds(64, 64)]],
                              rows[k % 2].at[pl.ds(64, 64)],
                              hsem[k % 2]).wait()

    idx_fetch(0, 0)
    plsc.subcore_barrier()
    gather_start(0, 0)
    gather_start(0, 1)

    def octet(t, carry):
        for k in range(8):
            gather_wait(k)
            pltpu.sync_copy(rows[k % 2],
                            agg_sh.at[dgb[(k // 4) % 2].at[k % 4]], add=True)
            if k < 6:
                gather_start(t, k + 2)
            else:
                @pl.when(t < TGRP - 1)
                def _():
                    gather_start(t + 1, k - 6)
        return carry

    lax.fori_loop(0, TGRP, octet, 0)
    plsc.subcore_barrier()

    pltpu.sync_copy(agg_sh.at[pl.ds(s * ROWS_PER_TILE, ROWS_PER_TILE)],
                    out_hbm.at[c].at[pl.ds(s * ROWS_PER_TILE, ROWS_PER_TILE)])


def _sc_aggregate(proj_pad, src_pad, dst_pad, zeros_hbm):
    mesh = plsc.VectorSubcoreMesh(core_axis_name="c", subcore_axis_name="s")
    k = pl.kernel(
        _sc_body,
        out_type=jax.ShapeDtypeStruct((NC, N_STRIPED, DP), jnp.float32),
        mesh=mesh,
        scratch_types=(
            [pltpu.VMEM((IG, CHUNK), jnp.int32)] * 4
            + [pltpu.VMEM((CHUNK, DP), jnp.float32)] * NBUF
            + [pltpu.VMEM_SHARED((AGG_ROWS, DP), jnp.float32)]
            + [pltpu.SemaphoreType.DMA] * 8
        ),
        compiler_params=pltpu.CompilerParams(use_tc_tiling_on_sc=False),
    )
    return k(proj_pad, src_pad, dst_pad, zeros_hbm)


def _gru_kernel(p_ref, h_ref,
                Wir_ref, Wiz_ref, Win_ref, bi_ref,
                Whr_ref, Whz_ref, Whn_ref, bh_ref, out_ref):
    m = jnp.maximum(p_ref[0, :, :D] + p_ref[1, :, :D], 0.0)
    h = h_ref[...]
    dot = lambda a, b: jnp.dot(a, b, preferred_element_type=jnp.float32)
    r = jax.nn.sigmoid(dot(m, Wir_ref[...]) + bi_ref[0:1, :]
                       + dot(h, Whr_ref[...]) + bh_ref[0:1, :])
    z = jax.nn.sigmoid(dot(m, Wiz_ref[...]) + bi_ref[1:2, :]
                       + dot(h, Whz_ref[...]) + bh_ref[1:2, :])
    n = jnp.tanh(dot(m, Win_ref[...]) + bi_ref[2:3, :]
                 + r * (dot(h, Whn_ref[...]) + bh_ref[2:3, :]))
    out_ref[...] = (1.0 - z) * n + z * h


def _gru(partials, h, W_ih, b_ih, W_hh, b_hh):
    blk = 2000
    grid = (N // blk,)
    Wir, Wiz, Win = W_ih[:, :D], W_ih[:, D:2 * D], W_ih[:, 2 * D:]
    Whr, Whz, Whn = W_hh[:, :D], W_hh[:, D:2 * D], W_hh[:, 2 * D:]
    bi = b_ih.reshape(3, D)
    bh = b_hh.reshape(3, D)
    full = lambda shape: pl.BlockSpec(shape, lambda i: tuple(0 for _ in shape))
    return pl.pallas_call(
        _gru_kernel,
        grid=grid,
        in_specs=[
            pl.BlockSpec((2, blk, DP), lambda i: (0, i, 0)),
            pl.BlockSpec((blk, D), lambda i: (i, 0)),
            full((D, D)), full((D, D)), full((D, D)), full((3, D)),
            full((D, D)), full((D, D)), full((D, D)), full((3, D)),
        ],
        out_specs=pl.BlockSpec((blk, D), lambda i: (i, 0)),
        out_shape=jax.ShapeDtypeStruct((N, D), jnp.float32),
    )(partials, h, Wir, Wiz, Win, bi, Whr, Whz, Whn, bh)


@jax.jit
def kernel(x, edge_index, edge_attr, W_proj, b_proj, We1, be1, We2, be2,
           W_ih, b_ih, W_hh, b_hh):
    A = _edge_net(edge_attr[:1], We1, be1, We2, be2)
    h, proj_pad = _node_proj(x, W_proj, b_proj, A.T)

    pad = E_PAD - E
    src_pad = jnp.concatenate([edge_index[0], jnp.zeros((pad,), jnp.int32)])
    dst_pad = jnp.concatenate(
        [edge_index[1], jnp.full((pad,), JUNK_ROW, jnp.int32)])
    zeros_hbm = jnp.zeros((N_STRIPED, DP), jnp.float32)

    partials = _sc_aggregate(proj_pad, src_pad, dst_pad, zeros_hbm)
    return _gru(partials, h, W_ih, b_ih, W_hh, b_hh)

# --- scband reference (transcript-rebuilt; emitter-appended) ---
"""Pipeline reference for scband-model-11355893530674 (READ-ONLY COPY).

The authoritative reference and input builder live on the scoring server;
editing this copy changes nothing except your own understanding.
"""

import jax, jax.numpy as jnp
import numpy as np

N = 10000      # n_nodes
E = 320000     # n_edges = N * avg_degree(32)
D = 132        # node_in_feats = node_out_feats (fixed by module)
EH = 32        # edge_hidden_feats
NUM_STEPS = 1  # num_step_message_passing


def setup_inputs(seed: int = 0) -> dict:
    key = jax.random.key(seed)
    ks = jax.random.split(key, 12)
    x = jax.random.normal(ks[0], (N, D), dtype=jnp.float32)
    # int64 per spec; jax may silently hold as int32 without x64 enabled, which is fine for indexing
    edge_index = jax.random.randint(ks[1], (2, E), 0, N, dtype=jnp.int32)
    # original forward hardcodes g.edata['e'] = torch.ones(num_edges, 1)
    edge_attr = jnp.ones((E, 1), dtype=jnp.float32)
    s = 0.05
    # project_node_feats: Linear(132 -> 132) + ReLU
    W_proj = s * jax.random.normal(ks[2], (D, D), dtype=jnp.float32)
    b_proj = jnp.zeros((D,), dtype=jnp.float32)
    # edge network: Linear(1 -> 32) + ReLU + Linear(32 -> 132*132)
    We1 = s * jax.random.normal(ks[3], (1, EH), dtype=jnp.float32)
    be1 = jnp.zeros((EH,), dtype=jnp.float32)
    We2 = s * jax.random.normal(ks[4], (EH, D * D), dtype=jnp.float32)
    be2 = jnp.zeros((D * D,), dtype=jnp.float32)
    # GRU cell (input 132, hidden 132), gate order r|z|n as in torch
    W_ih = s * jax.random.normal(ks[5], (D, 3 * D), dtype=jnp.float32)
    b_ih = jnp.zeros((3 * D,), dtype=jnp.float32)
    W_hh = s * jax.random.normal(ks[6], (D, 3 * D), dtype=jnp.float32)
    b_hh = jnp.zeros((3 * D,), dtype=jnp.float32)
    return {"x": x, "edge_index": edge_index, "edge_attr": edge_attr,
            "W_proj": W_proj, "b_proj": b_proj,
            "We1": We1, "be1": be1, "We2": We2, "be2": be2,
            "W_ih": W_ih, "b_ih": b_ih, "W_hh": W_hh, "b_hh": b_hh}


def reference(x, edge_index, edge_attr, W_proj, b_proj, We1, be1, We2, be2, W_ih, b_ih, W_hh, b_hh):
    # Faithful jax translation of the MPNNconv (dgllife-style NNConv + GRU) core
    # of Model.forward: global_conv(batch, h, e) with e == ones(E, 1).
    src = edge_index[0]
    dst = edge_index[1]
    # project_node_feats
    h = jax.nn.relu(x @ W_proj + b_proj)
    hidden = h
    # NNConv edge network produces a [D, D] matrix per edge. Since the original
    # forward sets all edge features to ones, the per-edge matrix is identical
    # across edges; compute it once and apply as a dense projection before the
    # gather/scatter (mathematically identical to per-edge einsum + sum-aggregation).
    eh = jax.nn.relu(edge_attr[:1] @ We1 + be1)          # [1, EH]
    A = (eh @ We2 + be2).reshape(D, D)                    # [D, D]
    for _ in range(NUM_STEPS):
        proj = hidden @ A.T                               # [N, D]
        msgs = jnp.take(proj, src, axis=0)                # gather  [E, D]
        agg = jax.ops.segment_sum(msgs, dst, num_segments=N)  # scatter-add [N, D]
        m = jax.nn.relu(agg)
        # GRU update (torch GRUCell math)
        gi = m @ W_ih + b_ih
        gh = hidden @ W_hh + b_hh
        i_r, i_z, i_n = jnp.split(gi, 3, axis=-1)
        h_r, h_z, h_n = jnp.split(gh, 3, axis=-1)
        r = jax.nn.sigmoid(i_r + h_r)
        z = jax.nn.sigmoid(i_z + h_z)
        n = jnp.tanh(i_n + r * h_n)
        hidden = (1.0 - z) * n + z * hidden
    return hidden

if __name__ == "__main__":
    import jax
    _d = setup_inputs()
    print(jax.jit(kernel)(*tuple(_d.values())))

</pallas_src>

<mosaic_0001>
#map = affine_map<(d0, d1) -> (0, 0)>
#map1 = affine_map<(d0, d1) -> (0)>
#map2 = affine_map<(d0, d1) -> (0, 0, 0)>
module attributes {stable_mosaic.version = 14 : i64} {
  func.func @_sc_body(%arg0: i32, %arg1: i32, %arg2: memref<10000x144xf32, #tpu.memory_space<hbm>>, %arg3: memref<327680xi32, #tpu.memory_space<hbm>>, %arg4: memref<327680xi32, #tpu.memory_space<hbm>>, %arg5: memref<10112x144xf32, #tpu.memory_space<hbm>>, %arg6: memref<2x10112x144xf32, #tpu.memory_space<hbm>>, %arg7: memref<4x128xi32, #tpu.memory_space<vmem>>, %arg8: memref<4x128xi32, #tpu.memory_space<vmem>>, %arg9: memref<4x128xi32, #tpu.memory_space<vmem>>, %arg10: memref<4x128xi32, #tpu.memory_space<vmem>>, %arg11: memref<128x144xf32, #tpu.memory_space<vmem>>, %arg12: memref<128x144xf32, #tpu.memory_space<vmem>>, %arg13: memref<10120x144xf32, #tpu.memory_space<vmem_shared>>, %arg14: memref<!tpu.dma_semaphore, #tpu.memory_space<semaphore_mem>>, %arg15: memref<!tpu.dma_semaphore, #tpu.memory_space<semaphore_mem>>, %arg16: memref<!tpu.dma_semaphore, #tpu.memory_space<semaphore_mem>>, %arg17: memref<!tpu.dma_semaphore, #tpu.memory_space<semaphore_mem>>, %arg18: memref<!tpu.dma_semaphore, #tpu.memory_space<semaphore_mem>>, %arg19: memref<!tpu.dma_semaphore, #tpu.memory_space<semaphore_mem>>, %arg20: memref<!tpu.dma_semaphore, #tpu.memory_space<semaphore_mem>>, %arg21: memref<!tpu.dma_semaphore, #tpu.memory_space<semaphore_mem>>) attributes {dimension_semantics = [#tpu.dimension_semantics<core_parallel>, #tpu.dimension_semantics<subcore_parallel>], iteration_bounds = array<i64: 2, 16>, scalar_prefetch = 0 : i64, scratch_operands = 15 : i64, tpu.core_type = #tpu.core_type<sc_vector_subcore>, window_params = [{transform_indices = #map}, {transform_indices = #map1}, {transform_indices = #map1}, {transform_indices = #map}, {transform_indices = #map2}]} {
    %mul3A = arith.constant 16 : i32
    %mul3A_0 = arith.muli %arg0, %mul3A : i32
    %add3A = arith.addi %mul3A_0, %arg1 : i32
    %mul3A_1 = arith.constant 632 : i32
    %mul3A_2 = arith.muli %arg1, %mul3A_1 : i32
    %mul3A_3 = arith.constant 632 : i32
    %mul3A_4 = arith.muli %arg1, %mul3A_3 : i32
    "tpu.region"() ({
      %run_scoped3A = tpu.sem_alloc : memref<!tpu.dma_semaphore, #tpu.memory_space<semaphore_mem>>
      %dma_start3A_367 = arith.constant 0 : i32
      %dma_start3A_368 = tpu.memref_slice %arg13[%mul3A_4, %dma_start3A_367] : memref<10120x144xf32, #tpu.memory_space<vmem_shared>> -> memref<632x144xf32, #tpu.memory_space<vmem_shared>>
      %dma_start3A_369 = arith.constant 0 : i32
      %dma_start3A_370 = tpu.memref_slice %arg5[%mul3A_2, %dma_start3A_369] : memref<10112x144xf32, #tpu.memory_space<hbm>> -> memref<632x144xf32, #tpu.memory_space<hbm>>
      tpu.enqueue_dma source(%dma_start3A_370 : memref<632x144xf32, #tpu.memory_space<hbm>>) target(%dma_start3A_368 : memref<632x144xf32, #tpu.memory_space<vmem_shared>>) target_semaphore(%run_scoped3A : memref<!tpu.dma_semaphore, #tpu.memory_space<semaphore_mem>>)
      %dma_wait3A_371 = arith.constant 0 : i32
      %dma_wait3A_372 = tpu.memref_slice %arg13[%mul3A_4, %dma_wait3A_371] : memref<10120x144xf32, #tpu.memory_space<vmem_shared>> -> memref<632x144xf32, #tpu.memory_space<vmem_shared>>
      %dma_wait3A_373 = arith.constant 0 : i32
      %dma_wait3A_374 = tpu.memref_slice %arg5[%mul3A_2, %dma_wait3A_373] : memref<10112x144xf32, #tpu.memory_space<hbm>> -> memref<632x144xf32, #tpu.memory_space<hbm>>
      tpu.wait_dma2 semaphore(%run_scoped3A : memref<!tpu.dma_semaphore, #tpu.memory_space<semaphore_mem>>) src(%dma_wait3A_374 : memref<632x144xf32, #tpu.memory_space<hbm>>) dst(%dma_wait3A_372 : memref<632x144xf32, #tpu.memory_space<vmem_shared>>)
      tpu.yield
    }) : () -> ()
    %eq3A = arith.constant 0 : i32
    %eq3A_5 = arith.cmpi eq, %arg1, %eq3A : i32
    %convert_element_type3A = arith.extui %eq3A_5 : i1 to i32
    %cond3A = arith.constant 0 : i32
    %cond3A_6 = arith.cmpi ne, %convert_element_type3A, %cond3A : i32
    scf.if %cond3A_6 {
      "tpu.region"() ({
        %run_scoped3A = tpu.sem_alloc : memref<!tpu.dma_semaphore, #tpu.memory_space<semaphore_mem>>
        %dma_start3A_367 = arith.constant 10112 : i32
        %dma_start3A_368 = arith.constant 0 : i32
        %dma_start3A_369 = tpu.memref_slice %arg13[%dma_start3A_367, %dma_start3A_368] : memref<10120x144xf32, #tpu.memory_space<vmem_shared>> -> memref<8x144xf32, #tpu.memory_space<vmem_shared>>
        %dma_start3A_370 = arith.constant 0 : i32
        %dma_start3A_371 = arith.constant 0 : i32
        %dma_start3A_372 = tpu.memref_slice %arg5[%dma_start3A_370, %dma_start3A_371] : memref<10112x144xf32, #tpu.memory_space<hbm>> -> memref<8x144xf32, #tpu.memory_space<hbm>>
        tpu.enqueue_dma source(%dma_start3A_372 : memref<8x144xf32, #tpu.memory_space<hbm>>) target(%dma_start3A_369 : memref<8x144xf32, #tpu.memory_space<vmem_shared>>) target_semaphore(%run_scoped3A : memref<!tpu.dma_semaphore, #tpu.memory_space<semaphore_mem>>)
        %dma_wait3A_373 = arith.constant 10112 : i32
        %dma_wait3A_374 = arith.constant 0 : i32
        %dma_wait3A_375 = tpu.memref_slice %arg13[%dma_wait3A_373, %dma_wait3A_374] : memref<10120x144xf32, #tpu.memory_space<vmem_shared>> -> memref<8x144xf32, #tpu.memory_space<vmem_shared>>
        %dma_wait3A_376 = arith.constant 0 : i32
        %dma_wait3A_377 = arith.constant 0 : i32
        %dma_wait3A_378 = tpu.memref_slice %arg5[%dma_wait3A_376, %dma_wait3A_377] : memref<10112x144xf32, #tpu.memory_space<hbm>> -> memref<8x144xf32, #tpu.memory_space<hbm>>
        tpu.wait_dma2 semaphore(%run_scoped3A : memref<!tpu.dma_semaphore, #tpu.memory_space<semaphore_mem>>) src(%dma_wait3A_378 : memref<8x144xf32, #tpu.memory_space<hbm>>) dst(%dma_wait3A_375 : memref<8x144xf32, #tpu.memory_space<vmem_shared>>)
        tpu.yield
      }) : () -> ()
    } else {
    }
    %mul3A_7 = arith.constant 128 : i32
    %mul3A_8 = arith.muli %add3A, %mul3A_7 : i32
    %add3A_9 = arith.constant 0 : i32
    %add3A_10 = arith.addi %mul3A_8, %add3A_9 : i32
    %dma_start3A = arith.constant 0 : i32
    %dma_start3A_11 = arith.constant 0 : i32
    %dma_start3A_12 = tpu.memref_slice %arg7[%dma_start3A, %dma_start3A_11] : memref<4x128xi32, #tpu.memory_space<vmem>> -> memref<1x128xi32, #tpu.memory_space<vmem>>
    %dma_start3A_13 = tpu.memref_squeeze %dma_start3A_12 : memref<1x128xi32, #tpu.memory_space<vmem>> -> memref<128xi32, #tpu.memory_space<vmem>>
    %dma_start3A_14 = tpu.memref_slice %arg3[%add3A_10] : memref<327680xi32, #tpu.memory_space<hbm>> -> memref<128xi32, #tpu.memory_space<hbm>>
    %dma_start3A_15 = arith.constant 0 : i32
    %dma_start3A_16 = tpu.memref_slice %arg7[%dma_start3A, %dma_start3A_15] : memref<4x128xi32, #tpu.memory_space<vmem>> -> memref<1x128xi32, #tpu.memory_space<vmem>>
    %dma_start3A_17 = tpu.memref_squeeze %dma_start3A_16 : memref<1x128xi32, #tpu.memory_space<vmem>> -> memref<128xi32, #tpu.memory_space<vmem>>
    %dma_start3A_18 = tpu.memref_slice %arg3[%add3A_10] : memref<327680xi32, #tpu.memory_space<hbm>> -> memref<128xi32, #tpu.memory_space<hbm>>
    tpu.enqueue_dma source(%dma_start3A_18 : memref<128xi32, #tpu.memory_space<hbm>>) target(%dma_start3A_17 : memref<128xi32, #tpu.memory_space<vmem>>) target_semaphore(%arg14 : memref<!tpu.dma_semaphore, #tpu.memory_space<semaphore_mem>>)
    %mul3A_19 = arith.constant 128 : i32
    %mul3A_20 = arith.muli %add3A, %mul3A_19 : i32
    %add3A_21 = arith.constant 0 : i32
    %add3A_22 = arith.addi %mul3A_20, %add3A_21 : i32
    %dma_start3A_23 = arith.constant 0 : i32
    %dma_start3A_24 = arith.constant 0 : i32
    %dma_start3A_25 = tpu.memref_slice %arg9[%dma_start3A_23, %dma_start3A_24] : memref<4x128xi32, #tpu.memory_space<vmem>> -> memref<1x128xi32, #tpu.memory_space<vmem>>
    %dma_start3A_26 = tpu.memref_squeeze %dma_start3A_25 : memref<1x128xi32, #tpu.memory_space<vmem>> -> memref<128xi32, #tpu.memory_space<vmem>>
    %dma_start3A_27 = tpu.memref_slice %arg4[%add3A_22] : memref<327680xi32, #tpu.memory_space<hbm>> -> memref<128xi32, #tpu.memory_space<hbm>>
    %dma_start3A_28 = arith.constant 0 : i32
    %dma_start3A_29 = tpu.memref_slice %arg9[%dma_start3A_23, %dma_start3A_28] : memref<4x128xi32, #tpu.memory_space<vmem>> -> memref<1x128xi32, #tpu.memory_space<vmem>>
    %dma_start3A_30 = tpu.memref_squeeze %dma_start3A_29 : memref<1x128xi32, #tpu.memory_space<vmem>> -> memref<128xi32, #tpu.memory_space<vmem>>
    %dma_start3A_31 = tpu.memref_slice %arg4[%add3A_22] : memref<327680xi32, #tpu.memory_space<hbm>> -> memref<128xi32, #tpu.memory_space<hbm>>
    tpu.enqueue_dma source(%dma_start3A_31 : memref<128xi32, #tpu.memory_space<hbm>>) target(%dma_start3A_30 : memref<128xi32, #tpu.memory_space<vmem>>) target_semaphore(%arg16 : memref<!tpu.dma_semaphore, #tpu.memory_space<semaphore_mem>>)
    %mul3A_32 = arith.constant 128 : i32
    %mul3A_33 = arith.muli %add3A, %mul3A_32 : i32
    %add3A_34 = arith.constant 4096 : i32
    %add3A_35 = arith.addi %mul3A_33, %add3A_34 : i32
    %dma_start3A_36 = arith.constant 1 : i32
    %dma_start3A_37 = arith.constant 0 : i32
    %dma_start3A_38 = tpu.memref_slice %arg7[%dma_start3A_36, %dma_start3A_37] : memref<4x128xi32, #tpu.memory_space<vmem>> -> memref<1x128xi32, #tpu.memory_space<vmem>>
    %dma_start3A_39 = tpu.memref_squeeze %dma_start3A_38 : memref<1x128xi32, #tpu.memory_space<vmem>> -> memref<128xi32, #tpu.memory_space<vmem>>
    %dma_start3A_40 = tpu.memref_slice %arg3[%add3A_35] : memref<327680xi32, #tpu.memory_space<hbm>> -> memref<128xi32, #tpu.memory_space<hbm>>
    %dma_start3A_41 = arith.constant 0 : i32
    %dma_start3A_42 = tpu.memref_slice %arg7[%dma_start3A_36, %dma_start3A_41] : memref<4x128xi32, #tpu.memory_space<vmem>> -> memref<1x128xi32, #tpu.memory_space<vmem>>
    %dma_start3A_43 = tpu.memref_squeeze %dma_start3A_42 : memref<1x128xi32, #tpu.memory_space<vmem>> -> memref<128xi32, #tpu.memory_space<vmem>>
    %dma_start3A_44 = tpu.memref_slice %arg3[%add3A_35] : memref<327680xi32, #tpu.memory_space<hbm>> -> memref<128xi32, #tpu.memory_space<hbm>>
    tpu.enqueue_dma source(%dma_start3A_44 : memref<128xi32, #tpu.memory_space<hbm>>) target(%dma_start3A_43 : memref<128xi32, #tpu.memory_space<vmem>>) target_semaphore(%arg14 : memref<!tpu.dma_semaphore, #tpu.memory_space<semaphore_mem>>)
    %mul3A_45 = arith.constant 128 : i32
    %mul3A_46 = arith.muli %add3A, %mul3A_45 : i32
    %add3A_47 = arith.constant 4096 : i32
    %add3A_48 = arith.addi %mul3A_46, %add3A_47 : i32
    %dma_start3A_49 = arith.constant 1 : i32
    %dma_start3A_50 = arith.constant 0 : i32
    %dma_start3A_51 = tpu.memref_slice %arg9[%dma_start3A_49, %dma_start3A_50] : memref<4x128xi32, #tpu.memory_space<vmem>> -> memref<1x128xi32, #tpu.memory_space<vmem>>
    %dma_start3A_52 = tpu.memref_squeeze %dma_start3A_51 : memref<1x128xi32, #tpu.memory_space<vmem>> -> memref<128xi32, #tpu.memory_space<vmem>>
    %dma_start3A_53 = tpu.memref_slice %arg4[%add3A_48] : memref<327680xi32, #tpu.memory_space<hbm>> -> memref<128xi32, #tpu.memory_space<hbm>>
    %dma_start3A_54 = arith.constant 0 : i32
    %dma_start3A_55 = tpu.memref_slice %arg9[%dma_start3A_49, %dma_start3A_54] : memref<4x128xi32, #tpu.memory_space<vmem>> -> memref<1x128xi32, #tpu.memory_space<vmem>>
    %dma_start3A_56 = tpu.memref_squeeze %dma_start3A_55 : memref<1x128xi32, #tpu.memory_space<vmem>> -> memref<128xi32, #tpu.memory_space<vmem>>
    %dma_start3A_57 = tpu.memref_slice %arg4[%add3A_48] : memref<327680xi32, #tpu.memory_space<hbm>> -> memref<128xi32, #tpu.memory_space<hbm>>
    tpu.enqueue_dma source(%dma_start3A_57 : memref<128xi32, #tpu.memory_space<hbm>>) target(%dma_start3A_56 : memref<128xi32, #tpu.memory_space<vmem>>) target_semaphore(%arg16 : memref<!tpu.dma_semaphore, #tpu.memory_space<semaphore_mem>>)
    %mul3A_58 = arith.constant 128 : i32
    %mul3A_59 = arith.muli %add3A, %mul3A_58 : i32
    %add3A_60 = arith.constant 8192 : i32
    %add3A_61 = arith.addi %mul3A_59, %add3A_60 : i32
    %dma_start3A_62 = arith.constant 2 : i32
    %dma_start3A_63 = arith.constant 0 : i32
    %dma_start3A_64 = tpu.memref_slice %arg7[%dma_start3A_62, %dma_start3A_63] : memref<4x128xi32, #tpu.memory_space<vmem>> -> memref<1x128xi32, #tpu.memory_space<vmem>>
    %dma_start3A_65 = tpu.memref_squeeze %dma_start3A_64 : memref<1x128xi32, #tpu.memory_space<vmem>> -> memref<128xi32, #tpu.memory_space<vmem>>
    %dma_start3A_66 = tpu.memref_slice %arg3[%add3A_61] : memref<327680xi32, #tpu.memory_space<hbm>> -> memref<128xi32, #tpu.memory_space<hbm>>
    %dma_start3A_67 = arith.constant 0 : i32
    %dma_start3A_68 = tpu.memref_slice %arg7[%dma_start3A_62, %dma_start3A_67] : memref<4x128xi32, #tpu.memory_space<vmem>> -> memref<1x128xi32, #tpu.memory_space<vmem>>
    %dma_start3A_69 = tpu.memref_squeeze %dma_start3A_68 : memref<1x128xi32, #tpu.memory_space<vmem>> -> memref<128xi32, #tpu.memory_space<vmem>>
    %dma_start3A_70 = tpu.memref_slice %arg3[%add3A_61] : memref<327680xi32, #tpu.memory_space<hbm>> -> memref<128xi32, #tpu.memory_space<hbm>>
    tpu.enqueue_dma source(%dma_start3A_70 : memref<128xi32, #tpu.memory_space<hbm>>) target(%dma_start3A_69 : memref<128xi32, #tpu.memory_space<vmem>>) target_semaphore(%arg14 : memref<!tpu.dma_semaphore, #tpu.memory_space<semaphore_mem>>)
    %mul3A_71 = arith.constant 128 : i32
    %mul3A_72 = arith.muli %add3A, %mul3A_71 : i32
    %add3A_73 = arith.constant 8192 : i32
    %add3A_74 = arith.addi %mul3A_72, %add3A_73 : i32
    %dma_start3A_75 = arith.constant 2 : i32
    %dma_start3A_76 = arith.constant 0 : i32
    %dma_start3A_77 = tpu.memref_slice %arg9[%dma_start3A_75, %dma_start3A_76] : memref<4x128xi32, #tpu.memory_space<vmem>> -> memref<1x128xi32, #tpu.memory_space<vmem>>
    %dma_start3A_78 = tpu.memref_squeeze %dma_start3A_77 : memref<1x128xi32, #tpu.memory_space<vmem>> -> memref<128xi32, #tpu.memory_space<vmem>>
    %dma_start3A_79 = tpu.memref_slice %arg4[%add3A_74] : memref<327680xi32, #tpu.memory_space<hbm>> -> memref<128xi32, #tpu.memory_space<hbm>>
    %dma_start3A_80 = arith.constant 0 : i32
    %dma_start3A_81 = tpu.memref_slice %arg9[%dma_start3A_75, %dma_start3A_80] : memref<4x128xi32, #tpu.memory_space<vmem>> -> memref<1x128xi32, #tpu.memory_space<vmem>>
    %dma_start3A_82 = tpu.memref_squeeze %dma_start3A_81 : memref<1x128xi32, #tpu.memory_space<vmem>> -> memref<128xi32, #tpu.memory_space<vmem>>
    %dma_start3A_83 = tpu.memref_slice %arg4[%add3A_74] : memref<327680xi32, #tpu.memory_space<hbm>> -> memref<128xi32, #tpu.memory_space<hbm>>
    tpu.enqueue_dma source(%dma_start3A_83 : memref<128xi32, #tpu.memory_space<hbm>>) target(%dma_start3A_82 : memref<128xi32, #tpu.memory_space<vmem>>) target_semaphore(%arg16 : memref<!tpu.dma_semaphore, #tpu.memory_space<semaphore_mem>>)
    %mul3A_84 = arith.constant 128 : i32
    %mul3A_85 = arith.muli %add3A, %mul3A_84 : i32
    %add3A_86 = arith.constant 12288 : i32
    %add3A_87 = arith.addi %mul3A_85, %add3A_86 : i32
    %dma_start3A_88 = arith.constant 3 : i32
    %dma_start3A_89 = arith.constant 0 : i32
    %dma_start3A_90 = tpu.memref_slice %arg7[%dma_start3A_88, %dma_start3A_89] : memref<4x128xi32, #tpu.memory_space<vmem>> -> memref<1x128xi32, #tpu.memory_space<vmem>>
    %dma_start3A_91 = tpu.memref_squeeze %dma_start3A_90 : memref<1x128xi32, #tpu.memory_space<vmem>> -> memref<128xi32, #tpu.memory_space<vmem>>
    %dma_start3A_92 = tpu.memref_slice %arg3[%add3A_87] : memref<327680xi32, #tpu.memory_space<hbm>> -> memref<128xi32, #tpu.memory_space<hbm>>
    %dma_start3A_93 = arith.constant 0 : i32
    %dma_start3A_94 = tpu.memref_slice %arg7[%dma_start3A_88, %dma_start3A_93] : memref<4x128xi32, #tpu.memory_space<vmem>> -> memref<1x128xi32, #tpu.memory_space<vmem>>
    %dma_start3A_95 = tpu.memref_squeeze %dma_start3A_94 : memref<1x128xi32, #tpu.memory_space<vmem>> -> memref<128xi32, #tpu.memory_space<vmem>>
    %dma_start3A_96 = tpu.memref_slice %arg3[%add3A_87] : memref<327680xi32, #tpu.memory_space<hbm>> -> memref<128xi32, #tpu.memory_space<hbm>>
    tpu.enqueue_dma source(%dma_start3A_96 : memref<128xi32, #tpu.memory_space<hbm>>) target(%dma_start3A_95 : memref<128xi32, #tpu.memory_space<vmem>>) target_semaphore(%arg14 : memref<!tpu.dma_semaphore, #tpu.memory_space<semaphore_mem>>)
    %mul3A_97 = arith.constant 128 : i32
    %mul3A_98 = arith.muli %add3A, %mul3A_97 : i32
    %add3A_99 = arith.constant 12288 : i32
    %add3A_100 = arith.addi %mul3A_98, %add3A_99 : i32
    %dma_start3A_101 = arith.constant 3 : i32
    %dma_start3A_102 = arith.constant 0 : i32
    %dma_start3A_103 = tpu.memref_slice %arg9[%dma_start3A_101, %dma_start3A_102] : memref<4x128xi32, #tpu.memory_space<vmem>> -> memref<1x128xi32, #tpu.memory_space<vmem>>
    %dma_start3A_104 = tpu.memref_squeeze %dma_start3A_103 : memref<1x128xi32, #tpu.memory_space<vmem>> -> memref<128xi32, #tpu.memory_space<vmem>>
    %dma_start3A_105 = tpu.memref_slice %arg4[%add3A_100] : memref<327680xi32, #tpu.memory_space<hbm>> -> memref<128xi32, #tpu.memory_space<hbm>>
    %dma_start3A_106 = arith.constant 0 : i32
    %dma_start3A_107 = tpu.memref_slice %arg9[%dma_start3A_101, %dma_start3A_106] : memref<4x128xi32, #tpu.memory_space<vmem>> -> memref<1x128xi32, #tpu.memory_space<vmem>>
    %dma_start3A_108 = tpu.memref_squeeze %dma_start3A_107 : memref<1x128xi32, #tpu.memory_space<vmem>> -> memref<128xi32, #tpu.memory_space<vmem>>
    %dma_start3A_109 = tpu.memref_slice %arg4[%add3A_100] : memref<327680xi32, #tpu.memory_space<hbm>> -> memref<128xi32, #tpu.memory_space<hbm>>
    tpu.enqueue_dma source(%dma_start3A_109 : memref<128xi32, #tpu.memory_space<hbm>>) target(%dma_start3A_108 : memref<128xi32, #tpu.memory_space<vmem>>) target_semaphore(%arg16 : memref<!tpu.dma_semaphore, #tpu.memory_space<semaphore_mem>>)
    %barrier3A = arith.constant 0 : index
    tpu.barrier barrier_id(%barrier3A)
    %mul3A_110 = arith.constant 128 : i32
    %mul3A_111 = arith.muli %add3A, %mul3A_110 : i32
    %add3A_112 = arith.constant 0 : i32
    %add3A_113 = arith.addi %mul3A_111, %add3A_112 : i32
    %dma_wait3A = arith.constant 0 : i32
    %dma_wait3A_114 = arith.constant 0 : i32
    %dma_wait3A_115 = tpu.memref_slice %arg7[%dma_wait3A, %dma_wait3A_114] : memref<4x128xi32, #tpu.memory_space<vmem>> -> memref<1x128xi32, #tpu.memory_space<vmem>>
    %dma_wait3A_116 = tpu.memref_squeeze %dma_wait3A_115 : memref<1x128xi32, #tpu.memory_space<vmem>> -> memref<128xi32, #tpu.memory_space<vmem>>
    %dma_wait3A_117 = tpu.memref_slice %arg3[%add3A_113] : memref<327680xi32, #tpu.memory_space<hbm>> -> memref<128xi32, #tpu.memory_space<hbm>>
    %dma_wait3A_118 = arith.constant 0 : i32
    %dma_wait3A_119 = tpu.memref_slice %arg7[%dma_wait3A, %dma_wait3A_118] : memref<4x128xi32, #tpu.memory_space<vmem>> -> memref<1x128xi32, #tpu.memory_space<vmem>>
    %dma_wait3A_120 = tpu.memref_squeeze %dma_wait3A_119 : memref<1x128xi32, #tpu.memory_space<vmem>> -> memref<128xi32, #tpu.memory_space<vmem>>
    %dma_wait3A_121 = tpu.memref_slice %arg3[%add3A_113] : memref<327680xi32, #tpu.memory_space<hbm>> -> memref<128xi32, #tpu.memory_space<hbm>>
    tpu.wait_dma2 semaphore(%arg14 : memref<!tpu.dma_semaphore, #tpu.memory_space<semaphore_mem>>) src(%dma_wait3A_121 : memref<128xi32, #tpu.memory_space<hbm>>) dst(%dma_wait3A_120 : memref<128xi32, #tpu.memory_space<vmem>>)
    %mul3A_122 = arith.constant 128 : i32
    %mul3A_123 = arith.muli %add3A, %mul3A_122 : i32
    %add3A_124 = arith.constant 0 : i32
    %add3A_125 = arith.addi %mul3A_123, %add3A_124 : i32
    %dma_wait3A_126 = arith.constant 0 : i32
    %dma_wait3A_127 = arith.constant 0 : i32
    %dma_wait3A_128 = tpu.memref_slice %arg9[%dma_wait3A_126, %dma_wait3A_127] : memref<4x128xi32, #tpu.memory_space<vmem>> -> memref<1x128xi32, #tpu.memory_space<vmem>>
    %dma_wait3A_129 = tpu.memref_squeeze %dma_wait3A_128 : memref<1x128xi32, #tpu.memory_space<vmem>> -> memref<128xi32, #tpu.memory_space<vmem>>
    %dma_wait3A_130 = tpu.memref_slice %arg4[%add3A_125] : memref<327680xi32, #tpu.memory_space<hbm>> -> memref<128xi32, #tpu.memory_space<hbm>>
    %dma_wait3A_131 = arith.constant 0 : i32
    %dma_wait3A_132 = tpu.memref_slice %arg9[%dma_wait3A_126, %dma_wait3A_131] : memref<4x128xi32, #tpu.memory_space<vmem>> -> memref<1x128xi32, #tpu.memory_space<vmem>>
    %dma_wait3A_133 = tpu.memref_squeeze %dma_wait3A_132 : memref<1x128xi32, #tpu.memory_space<vmem>> -> memref<128xi32, #tpu.memory_space<vmem>>
    %dma_wait3A_134 = tpu.memref_slice %arg4[%add3A_125] : memref<327680xi32, #tpu.memory_space<hbm>> -> memref<128xi32, #tpu.memory_space<hbm>>
    tpu.wait_dma2 semaphore(%arg16 : memref<!tpu.dma_semaphore, #tpu.memory_space<semaphore_mem>>) src(%dma_wait3A_134 : memref<128xi32, #tpu.memory_space<hbm>>) dst(%dma_wait3A_133 : memref<128xi32, #tpu.memory_space<vmem>>)
    %mul3A_135 = arith.constant 128 : i32
    %mul3A_136 = arith.muli %add3A, %mul3A_135 : i32
    %add3A_137 = arith.constant 4096 : i32
    %add3A_138 = arith.addi %mul3A_136, %add3A_137 : i32
    %dma_wait3A_139 = arith.constant 1 : i32
    %dma_wait3A_140 = arith.constant 0 : i32
    %dma_wait3A_141 = tpu.memref_slice %arg7[%dma_wait3A_139, %dma_wait3A_140] : memref<4x128xi32, #tpu.memory_space<vmem>> -> memref<1x128xi32, #tpu.memory_space<vmem>>
    %dma_wait3A_142 = tpu.memref_squeeze %dma_wait3A_141 : memref<1x128xi32, #tpu.memory_space<vmem>> -> memref<128xi32, #tpu.memory_space<vmem>>
    %dma_wait3A_143 = tpu.memref_slice %arg3[%add3A_138] : memref<327680xi32, #tpu.memory_space<hbm>> -> memref<128xi32, #tpu.memory_space<hbm>>
    %dma_wait3A_144 = arith.constant 0 : i32
    %dma_wait3A_145 = tpu.memref_slice %arg7[%dma_wait3A_139, %dma_wait3A_144] : memref<4x128xi32, #tpu.memory_space<vmem>> -> memref<1x128xi32, #tpu.memory_space<vmem>>
    %dma_wait3A_146 = tpu.memref_squeeze %dma_wait3A_145 : memref<1x128xi32, #tpu.memory_space<vmem>> -> memref<128xi32, #tpu.memory_space<vmem>>
    %dma_wait3A_147 = tpu.memref_slice %arg3[%add3A_138] : memref<327680xi32, #tpu.memory_space<hbm>> -> memref<128xi32, #tpu.memory_space<hbm>>
    tpu.wait_dma2 semaphore(%arg14 : memref<!tpu.dma_semaphore, #tpu.memory_space<semaphore_mem>>) src(%dma_wait3A_147 : memref<128xi32, #tpu.memory_space<hbm>>) dst(%dma_wait3A_146 : memref<128xi32, #tpu.memory_space<vmem>>)
    %mul3A_148 = arith.constant 128 : i32
    %mul3A_149 = arith.muli %add3A, %mul3A_148 : i32
    %add3A_150 = arith.constant 4096 : i32
    %add3A_151 = arith.addi %mul3A_149, %add3A_150 : i32
    %dma_wait3A_152 = arith.constant 1 : i32
    %dma_wait3A_153 = arith.constant 0 : i32
    %dma_wait3A_154 = tpu.memref_slice %arg9[%dma_wait3A_152, %dma_wait3A_153] : memref<4x128xi32, #tpu.memory_space<vmem>> -> memref<1x128xi32, #tpu.memory_space<vmem>>
    %dma_wait3A_155 = tpu.memref_squeeze %dma_wait3A_154 : memref<1x128xi32, #tpu.memory_space<vmem>> -> memref<128xi32, #tpu.memory_space<vmem>>
    %dma_wait3A_156 = tpu.memref_slice %arg4[%add3A_151] : memref<327680xi32, #tpu.memory_space<hbm>> -> memref<128xi32, #tpu.memory_space<hbm>>
    %dma_wait3A_157 = arith.constant 0 : i32
    %dma_wait3A_158 = tpu.memref_slice %arg9[%dma_wait3A_152, %dma_wait3A_157] : memref<4x128xi32, #tpu.memory_space<vmem>> -> memref<1x128xi32, #tpu.memory_space<vmem>>
    %dma_wait3A_159 = tpu.memref_squeeze %dma_wait3A_158 : memref<1x128xi32, #tpu.memory_space<vmem>> -> memref<128xi32, #tpu.memory_space<vmem>>
    %dma_wait3A_160 = tpu.memref_slice %arg4[%add3A_151] : memref<327680xi32, #tpu.memory_space<hbm>> -> memref<128xi32, #tpu.memory_space<hbm>>
    tpu.wait_dma2 semaphore(%arg16 : memref<!tpu.dma_semaphore, #tpu.memory_space<semaphore_mem>>) src(%dma_wait3A_160 : memref<128xi32, #tpu.memory_space<hbm>>) dst(%dma_wait3A_159 : memref<128xi32, #tpu.memory_space<vmem>>)
    %mul3A_161 = arith.constant 128 : i32
    %mul3A_162 = arith.muli %add3A, %mul3A_161 : i32
    %add3A_163 = arith.constant 8192 : i32
    %add3A_164 = arith.addi %mul3A_162, %add3A_163 : i32
    %dma_wait3A_165 = arith.constant 2 : i32
    %dma_wait3A_166 = arith.constant 0 : i32
    %dma_wait3A_167 = tpu.memref_slice %arg7[%dma_wait3A_165, %dma_wait3A_166] : memref<4x128xi32, #tpu.memory_space<vmem>> -> memref<1x128xi32, #tpu.memory_space<vmem>>
    %dma_wait3A_168 = tpu.memref_squeeze %dma_wait3A_167 : memref<1x128xi32, #tpu.memory_space<vmem>> -> memref<128xi32, #tpu.memory_space<vmem>>
    %dma_wait3A_169 = tpu.memref_slice %arg3[%add3A_164] : memref<327680xi32, #tpu.memory_space<hbm>> -> memref<128xi32, #tpu.memory_space<hbm>>
    %dma_wait3A_170 = arith.constant 0 : i32
    %dma_wait3A_171 = tpu.memref_slice %arg7[%dma_wait3A_165, %dma_wait3A_170] : memref<4x128xi32, #tpu.memory_space<vmem>> -> memref<1x128xi32, #tpu.memory_space<vmem>>
    %dma_wait3A_172 = tpu.memref_squeeze %dma_wait3A_171 : memref<1x128xi32, #tpu.memory_space<vmem>> -> memref<128xi32, #tpu.memory_space<vmem>>
    %dma_wait3A_173 = tpu.memref_slice %arg3[%add3A_164] : memref<327680xi32, #tpu.memory_space<hbm>> -> memref<128xi32, #tpu.memory_space<hbm>>
    tpu.wait_dma2 semaphore(%arg14 : memref<!tpu.dma_semaphore, #tpu.memory_space<semaphore_mem>>) src(%dma_wait3A_173 : memref<128xi32, #tpu.memory_space<hbm>>) dst(%dma_wait3A_172 : memref<128xi32, #tpu.memory_space<vmem>>)
    %mul3A_174 = arith.constant 128 : i32
    %mul3A_175 = arith.muli %add3A, %mul3A_174 : i32
    %add3A_176 = arith.constant 8192 : i32
    %add3A_177 = arith.addi %mul3A_175, %add3A_176 : i32
    %dma_wait3A_178 = arith.constant 2 : i32
    %dma_wait3A_179 = arith.constant 0 : i32
    %dma_wait3A_180 = tpu.memref_slice %arg9[%dma_wait3A_178, %dma_wait3A_179] : memref<4x128xi32, #tpu.memory_space<vmem>> -> memref<1x128xi32, #tpu.memory_space<vmem>>
    %dma_wait3A_181 = tpu.memref_squeeze %dma_wait3A_180 : memref<1x128xi32, #tpu.memory_space<vmem>> -> memref<128xi32, #tpu.memory_space<vmem>>
    %dma_wait3A_182 = tpu.memref_slice %arg4[%add3A_177] : memref<327680xi32, #tpu.memory_space<hbm>> -> memref<128xi32, #tpu.memory_space<hbm>>
    %dma_wait3A_183 = arith.constant 0 : i32
    %dma_wait3A_184 = tpu.memref_slice %arg9[%dma_wait3A_178, %dma_wait3A_183] : memref<4x128xi32, #tpu.memory_space<vmem>> -> memref<1x128xi32, #tpu.memory_space<vmem>>
    %dma_wait3A_185 = tpu.memref_squeeze %dma_wait3A_184 : memref<1x128xi32, #tpu.memory_space<vmem>> -> memref<128xi32, #tpu.memory_space<vmem>>
    %dma_wait3A_186 = tpu.memref_slice %arg4[%add3A_177] : memref<327680xi32, #tpu.memory_space<hbm>> -> memref<128xi32, #tpu.memory_space<hbm>>
    tpu.wait_dma2 semaphore(%arg16 : memref<!tpu.dma_semaphore, #tpu.memory_space<semaphore_mem>>) src(%dma_wait3A_186 : memref<128xi32, #tpu.memory_space<hbm>>) dst(%dma_wait3A_185 : memref<128xi32, #tpu.memory_space<vmem>>)
    %mul3A_187 = arith.constant 128 : i32
    %mul3A_188 = arith.muli %add3A, %mul3A_187 : i32
    %add3A_189 = arith.constant 12288 : i32
    %add3A_190 = arith.addi %mul3A_188, %add3A_189 : i32
    %dma_wait3A_191 = arith.constant 3 : i32
    %dma_wait3A_192 = arith.constant 0 : i32
    %dma_wait3A_193 = tpu.memref_slice %arg7[%dma_wait3A_191, %dma_wait3A_192] : memref<4x128xi32, #tpu.memory_space<vmem>> -> memref<1x128xi32, #tpu.memory_space<vmem>>
    %dma_wait3A_194 = tpu.memref_squeeze %dma_wait3A_193 : memref<1x128xi32, #tpu.memory_space<vmem>> -> memref<128xi32, #tpu.memory_space<vmem>>
    %dma_wait3A_195 = tpu.memref_slice %arg3[%add3A_190] : memref<327680xi32, #tpu.memory_space<hbm>> -> memref<128xi32, #tpu.memory_space<hbm>>
    %dma_wait3A_196 = arith.constant 0 : i32
    %dma_wait3A_197 = tpu.memref_slice %arg7[%dma_wait3A_191, %dma_wait3A_196] : memref<4x128xi32, #tpu.memory_space<vmem>> -> memref<1x128xi32, #tpu.memory_space<vmem>>
    %dma_wait3A_198 = tpu.memref_squeeze %dma_wait3A_197 : memref<1x128xi32, #tpu.memory_space<vmem>> -> memref<128xi32, #tpu.memory_space<vmem>>
    %dma_wait3A_199 = tpu.memref_slice %arg3[%add3A_190] : memref<327680xi32, #tpu.memory_space<hbm>> -> memref<128xi32, #tpu.memory_space<hbm>>
    tpu.wait_dma2 semaphore(%arg14 : memref<!tpu.dma_semaphore, #tpu.memory_space<semaphore_mem>>) src(%dma_wait3A_199 : memref<128xi32, #tpu.memory_space<hbm>>) dst(%dma_wait3A_198 : memref<128xi32, #tpu.memory_space<vmem>>)
    %mul3A_200 = arith.constant 128 : i32
    %mul3A_201 = arith.muli %add3A, %mul3A_200 : i32
    %add3A_202 = arith.constant 12288 : i32
    %add3A_203 = arith.addi %mul3A_201, %add3A_202 : i32
    %dma_wait3A_204 = arith.constant 3 : i32
    %dma_wait3A_205 = arith.constant 0 : i32
    %dma_wait3A_206 = tpu.memref_slice %arg9[%dma_wait3A_204, %dma_wait3A_205] : memref<4x128xi32, #tpu.memory_space<vmem>> -> memref<1x128xi32, #tpu.memory_space<vmem>>
    %dma_wait3A_207 = tpu.memref_squeeze %dma_wait3A_206 : memref<1x128xi32, #tpu.memory_space<vmem>> -> memref<128xi32, #tpu.memory_space<vmem>>
    %dma_wait3A_208 = tpu.memref_slice %arg4[%add3A_203] : memref<327680xi32, #tpu.memory_space<hbm>> -> memref<128xi32, #tpu.memory_space<hbm>>
    %dma_wait3A_209 = arith.constant 0 : i32
    %dma_wait3A_210 = tpu.memref_slice %arg9[%dma_wait3A_204, %dma_wait3A_209] : memref<4x128xi32, #tpu.memory_space<vmem>> -> memref<1x128xi32, #tpu.memory_space<vmem>>
    %dma_wait3A_211 = tpu.memref_squeeze %dma_wait3A_210 : memref<1x128xi32, #tpu.memory_space<vmem>> -> memref<128xi32, #tpu.memory_space<vmem>>
    %dma_wait3A_212 = tpu.memref_slice %arg4[%add3A_203] : memref<327680xi32, #tpu.memory_space<hbm>> -> memref<128xi32, #tpu.memory_space<hbm>>
    tpu.wait_dma2 semaphore(%arg16 : memref<!tpu.dma_semaphore, #tpu.memory_space<semaphore_mem>>) src(%dma_wait3A_212 : memref<128xi32, #tpu.memory_space<hbm>>) dst(%dma_wait3A_211 : memref<128xi32, #tpu.memory_space<vmem>>)
    %dma_start3A_213 = arith.constant 0 : i32
    %dma_start3A_214 = arith.constant 0 : i32
    %dma_start3A_215 = arith.constant 0 : i32
    %dma_start3A_216 = tpu.memref_slice %arg11[%dma_start3A_214, %dma_start3A_215] : memref<128x144xf32, #tpu.memory_space<vmem>> -> memref<64x144xf32, #tpu.memory_space<vmem>>
    %dma_start3A_217 = arith.constant 0 : i32
    %dma_start3A_218 = tpu.memref_slice %arg7[%dma_start3A_213, %dma_start3A_217] : memref<4x128xi32, #tpu.memory_space<vmem>> -> memref<1x64xi32, #tpu.memory_space<vmem>>
    %dma_start3A_219 = tpu.memref_squeeze %dma_start3A_218 : memref<1x64xi32, #tpu.memory_space<vmem>> -> memref<64xi32, #tpu.memory_space<vmem>>
    %dma_start3A_220 = arith.constant 0 : i32
    %dma_start3A_221 = arith.constant 0 : i32
    %dma_start3A_222 = tpu.memref_slice %arg2[%dma_start3A_220, %dma_start3A_221] : memref<10000x144xf32, #tpu.memory_space<hbm>> -> memref<10000x144xf32, #tpu.memory_space<hbm>>
    tpu.enqueue_indirect_dma source(%dma_start3A_222 : memref<10000x144xf32, #tpu.memory_space<hbm>>) target(%dma_start3A_216 : memref<64x144xf32, #tpu.memory_space<vmem>>) offsets(%dma_start3A_219 : memref<64xi32, #tpu.memory_space<vmem>>) semaphore(%arg18 : memref<!tpu.dma_semaphore, #tpu.memory_space<semaphore_mem>>)
    %dma_start3A_223 = arith.constant 0 : i32
    %dma_start3A_224 = arith.constant 64 : i32
    %dma_start3A_225 = arith.constant 0 : i32
    %dma_start3A_226 = tpu.memref_slice %arg11[%dma_start3A_224, %dma_start3A_225] : memref<128x144xf32, #tpu.memory_space<vmem>> -> memref<64x144xf32, #tpu.memory_space<vmem>>
    %dma_start3A_227 = arith.constant 64 : i32
    %dma_start3A_228 = tpu.memref_slice %arg7[%dma_start3A_223, %dma_start3A_227] : memref<4x128xi32, #tpu.memory_space<vmem>> -> memref<1x64xi32, #tpu.memory_space<vmem>>
    %dma_start3A_229 = tpu.memref_squeeze %dma_start3A_228 : memref<1x64xi32, #tpu.memory_space<vmem>> -> memref<64xi32, #tpu.memory_space<vmem>>
    %dma_start3A_230 = arith.constant 0 : i32
    %dma_start3A_231 = arith.constant 0 : i32
    %dma_start3A_232 = tpu.memref_slice %arg2[%dma_start3A_230, %dma_start3A_231] : memref<10000x144xf32, #tpu.memory_space<hbm>> -> memref<10000x144xf32, #tpu.memory_space<hbm>>
    tpu.enqueue_indirect_dma source(%dma_start3A_232 : memref<10000x144xf32, #tpu.memory_space<hbm>>) target(%dma_start3A_226 : memref<64x144xf32, #tpu.memory_space<vmem>>) offsets(%dma_start3A_229 : memref<64xi32, #tpu.memory_space<vmem>>) semaphore(%arg20 : memref<!tpu.dma_semaphore, #tpu.memory_space<semaphore_mem>>)
    %mul3A_233 = arith.constant 128 : i32
    %mul3A_234 = arith.muli %add3A, %mul3A_233 : i32
    %add3A_235 = arith.constant 16384 : i32
    %add3A_236 = arith.addi %mul3A_234, %add3A_235 : i32
    %dma_start3A_237 = arith.constant 0 : i32
    %dma_start3A_238 = arith.constant 0 : i32
    %dma_start3A_239 = tpu.memref_slice %arg8[%dma_start3A_237, %dma_start3A_238] : memref<4x128xi32, #tpu.memory_space<vmem>> -> memref<1x128xi32, #tpu.memory_space<vmem>>
    %dma_start3A_240 = tpu.memref_squeeze %dma_start3A_239 : memref<1x128xi32, #tpu.memory_space<vmem>> -> memref<128xi32, #tpu.memory_space<vmem>>
    %dma_start3A_241 = tpu.memref_slice %arg3[%add3A_236] : memref<327680xi32, #tpu.memory_space<hbm>> -> memref<128xi32, #tpu.memory_space<hbm>>
    %dma_start3A_242 = arith.constant 0 : i32
    %dma_start3A_243 = tpu.memref_slice %arg8[%dma_start3A_237, %dma_start3A_242] : memref<4x128xi32, #tpu.memory_space<vmem>> -> memref<1x128xi32, #tpu.memory_space<vmem>>
    %dma_start3A_244 = tpu.memref_squeeze %dma_start3A_243 : memref<1x128xi32, #tpu.memory_space<vmem>> -> memref<128xi32, #tpu.memory_space<vmem>>
    %dma_start3A_245 = tpu.memref_slice %arg3[%add3A_236] : memref<327680xi32, #tpu.memory_space<hbm>> -> memref<128xi32, #tpu.memory_space<hbm>>
    tpu.enqueue_dma source(%dma_start3A_245 : memref<128xi32, #tpu.memory_space<hbm>>) target(%dma_start3A_244 : memref<128xi32, #tpu.memory_space<vmem>>) target_semaphore(%arg15 : memref<!tpu.dma_semaphore, #tpu.memory_space<semaphore_mem>>)
    %mul3A_246 = arith.constant 128 : i32
    %mul3A_247 = arith.muli %add3A, %mul3A_246 : i32
    %add3A_248 = arith.constant 16384 : i32
    %add3A_249 = arith.addi %mul3A_247, %add3A_248 : i32
    %dma_start3A_250 = arith.constant 0 : i32
    %dma_start3A_251 = arith.constant 0 : i32
    %dma_start3A_252 = tpu.memref_slice %arg10[%dma_start3A_250, %dma_start3A_251] : memref<4x128xi32, #tpu.memory_space<vmem>> -> memref<1x128xi32, #tpu.memory_space<vmem>>
    %dma_start3A_253 = tpu.memref_squeeze %dma_start3A_252 : memref<1x128xi32, #tpu.memory_space<vmem>> -> memref<128xi32, #tpu.memory_space<vmem>>
    %dma_start3A_254 = tpu.memref_slice %arg4[%add3A_249] : memref<327680xi32, #tpu.memory_space<hbm>> -> memref<128xi32, #tpu.memory_space<hbm>>
    %dma_start3A_255 = arith.constant 0 : i32
    %dma_start3A_256 = tpu.memref_slice %arg10[%dma_start3A_250, %dma_start3A_255] : memref<4x128xi32, #tpu.memory_space<vmem>> -> memref<1x128xi32, #tpu.memory_space<vmem>>
    %dma_start3A_257 = tpu.memref_squeeze %dma_start3A_256 : memref<1x128xi32, #tpu.memory_space<vmem>> -> memref<128xi32, #tpu.memory_space<vmem>>
    %dma_start3A_258 = tpu.memref_slice %arg4[%add3A_249] : memref<327680xi32, #tpu.memory_space<hbm>> -> memref<128xi32, #tpu.memory_space<hbm>>
    tpu.enqueue_dma source(%dma_start3A_258 : memref<128xi32, #tpu.memory_space<hbm>>) target(%dma_start3A_257 : memref<128xi32, #tpu.memory_space<vmem>>) target_semaphore(%arg17 : memref<!tpu.dma_semaphore, #tpu.memory_space<semaphore_mem>>)
    %mul3A_259 = arith.constant 128 : i32
    %mul3A_260 = arith.muli %add3A, %mul3A_259 : i32
    %add3A_261 = arith.constant 20480 : i32
    %add3A_262 = arith.addi %mul3A_260, %add3A_261 : i32
    %dma_start3A_263 = arith.constant 1 : i32
    %dma_start3A_264 = arith.constant 0 : i32
    %dma_start3A_265 = tpu.memref_slice %arg8[%dma_start3A_263, %dma_start3A_264] : memref<4x128xi32, #tpu.memory_space<vmem>> -> memref<1x128xi32, #tpu.memory_space<vmem>>
    %dma_start3A_266 = tpu.memref_squeeze %dma_start3A_265 : memref<1x128xi32, #tpu.memory_space<vmem>> -> memref<128xi32, #tpu.memory_space<vmem>>
    %dma_start3A_267 = tpu.memref_slice %arg3[%add3A_262] : memref<327680xi32, #tpu.memory_space<hbm>> -> memref<128xi32, #tpu.memory_space<hbm>>
    %dma_start3A_268 = arith.constant 0 : i32
    %dma_start3A_269 = tpu.memref_slice %arg8[%dma_start3A_263, %dma_start3A_268] : memref<4x128xi32, #tpu.memory_space<vmem>> -> memref<1x128xi32, #tpu.memory_space<vmem>>
    %dma_start3A_270 = tpu.memref_squeeze %dma_start3A_269 : memref<1x128xi32, #tpu.memory_space<vmem>> -> memref<128xi32, #tpu.memory_space<vmem>>
    %dma_start3A_271 = tpu.memref_slice %arg3[%add3A_262] : memref<327680xi32, #tpu.memory_space<hbm>> -> memref<128xi32, #tpu.memory_space<hbm>>
    tpu.enqueue_dma source(%dma_start3A_271 : memref<128xi32, #tpu.memory_space<hbm>>) target(%dma_start3A_270 : memref<128xi32, #tpu.memory_space<vmem>>) target_semaphore(%arg15 : memref<!tpu.dma_semaphore, #tpu.memory_space<semaphore_mem>>)
    %mul3A_272 = arith.constant 128 : i32
    %mul3A_273 = arith.muli %add3A, %mul3A_272 : i32
    %add3A_274 = arith.constant 20480 : i32
    %add3A_275 = arith.addi %mul3A_273, %add3A_274 : i32
    %dma_start3A_276 = arith.constant 1 : i32
    %dma_start3A_277 = arith.constant 0 : i32
    %dma_start3A_278 = tpu.memref_slice %arg10[%dma_start3A_276, %dma_start3A_277] : memref<4x128xi32, #tpu.memory_space<vmem>> -> memref<1x128xi32, #tpu.memory_space<vmem>>
    %dma_start3A_279 = tpu.memref_squeeze %dma_start3A_278 : memref<1x128xi32, #tpu.memory_space<vmem>> -> memref<128xi32, #tpu.memory_space<vmem>>
    %dma_start3A_280 = tpu.memref_slice %arg4[%add3A_275] : memref<327680xi32, #tpu.memory_space<hbm>> -> memref<128xi32, #tpu.memory_space<hbm>>
    %dma_start3A_281 = arith.constant 0 : i32
    %dma_start3A_282 = tpu.memref_slice %arg10[%dma_start3A_276, %dma_start3A_281] : memref<4x128xi32, #tpu.memory_space<vmem>> -> memref<1x128xi32, #tpu.memory_space<vmem>>
    %dma_start3A_283 = tpu.memref_squeeze %dma_start3A_282 : memref<1x128xi32, #tpu.memory_space<vmem>> -> memref<128xi32, #tpu.memory_space<vmem>>
    %dma_start3A_284 = tpu.memref_slice %arg4[%add3A_275] : memref<327680xi32, #tpu.memory_space<hbm>> -> memref<128xi32, #tpu.memory_space<hbm>>
    tpu.enqueue_dma source(%dma_start3A_284 : memref<128xi32, #tpu.memory_space<hbm>>) target(%dma_start3A_283 : memref<128xi32, #tpu.memory_space<vmem>>) target_semaphore(%arg17 : memref<!tpu.dma_semaphore, #tpu.memory_space<semaphore_mem>>)
    %mul3A_285 = arith.constant 128 : i32
    %mul3A_286 = arith.muli %add3A, %mul3A_285 : i32
    %add3A_287 = arith.constant 24576 : i32
    %add3A_288 = arith.addi %mul3A_286, %add3A_287 : i32
    %dma_start3A_289 = arith.constant 2 : i32
    %dma_start3A_290 = arith.constant 0 : i32
    %dma_start3A_291 = tpu.memref_slice %arg8[%dma_start3A_289, %dma_start3A_290] : memref<4x128xi32, #tpu.memory_space<vmem>> -> memref<1x128xi32, #tpu.memory_space<vmem>>
    %dma_start3A_292 = tpu.memref_squeeze %dma_start3A_291 : memref<1x128xi32, #tpu.memory_space<vmem>> -> memref<128xi32, #tpu.memory_space<vmem>>
    %dma_start3A_293 = tpu.memref_slice %arg3[%add3A_288] : memref<327680xi32, #tpu.memory_space<hbm>> -> memref<128xi32, #tpu.memory_space<hbm>>
    %dma_start3A_294 = arith.constant 0 : i32
    %dma_start3A_295 = tpu.memref_slice %arg8[%dma_start3A_289, %dma_start3A_294] : memref<4x128xi32, #tpu.memory_space<vmem>> -> memref<1x128xi32, #tpu.memory_space<vmem>>
    %dma_start3A_296 = tpu.memref_squeeze %dma_start3A_295 : memref<1x128xi32, #tpu.memory_space<vmem>> -> memref<128xi32, #tpu.memory_space<vmem>>
    %dma_start3A_297 = tpu.memref_slice %arg3[%add3A_288] : memref<327680xi32, #tpu.memory_space<hbm>> -> memref<128xi32, #tpu.memory_space<hbm>>
    tpu.enqueue_dma source(%dma_start3A_297 : memref<128xi32, #tpu.memory_space<hbm>>) target(%dma_start3A_296 : memref<128xi32, #tpu.memory_space<vmem>>) target_semaphore(%arg15 : memref<!tpu.dma_semaphore, #tpu.memory_space<semaphore_mem>>)
    %mul3A_298 = arith.constant 128 : i32
    %mul3A_299 = arith.muli %add3A, %mul3A_298 : i32
    %add3A_300 = arith.constant 24576 : i32
    %add3A_301 = arith.addi %mul3A_299, %add3A_300 : i32
    %dma_start3A_302 = arith.constant 2 : i32
    %dma_start3A_303 = arith.constant 0 : i32
    %dma_start3A_304 = tpu.memref_slice %arg10[%dma_start3A_302, %dma_start3A_303] : memref<4x128xi32, #tpu.memory_space<vmem>> -> memref<1x128xi32, #tpu.memory_space<vmem>>
    %dma_start3A_305 = tpu.memref_squeeze %dma_start3A_304 : memref<1x128xi32, #tpu.memory_space<vmem>> -> memref<128xi32, #tpu.memory_space<vmem>>
    %dma_start3A_306 = tpu.memref_slice %arg4[%add3A_301] : memref<327680xi32, #tpu.memory_space<hbm>> -> memref<128xi32, #tpu.memory_space<hbm>>
    %dma_start3A_307 = arith.constant 0 : i32
    %dma_start3A_308 = tpu.memref_slice %arg10[%dma_start3A_302, %dma_start3A_307] : memref<4x128xi32, #tpu.memory_space<vmem>> -> memref<1x128xi32, #tpu.memory_space<vmem>>
    %dma_start3A_309 = tpu.memref_squeeze %dma_start3A_308 : memref<1x128xi32, #tpu.memory_space<vmem>> -> memref<128xi32, #tpu.memory_space<vmem>>
    %dma_start3A_310 = tpu.memref_slice %arg4[%add3A_301] : memref<327680xi32, #tpu.memory_space<hbm>> -> memref<128xi32, #tpu.memory_space<hbm>>
    tpu.enqueue_dma source(%dma_start3A_310 : memref<128xi32, #tpu.memory_space<hbm>>) target(%dma_start3A_309 : memref<128xi32, #tpu.memory_space<vmem>>) target_semaphore(%arg17 : memref<!tpu.dma_semaphore, #tpu.memory_space<semaphore_mem>>)
    %mul3A_311 = arith.constant 128 : i32
    %mul3A_312 = arith.muli %add3A, %mul3A_311 : i32
    %add3A_313 = arith.constant 28672 : i32
    %add3A_314 = arith.addi %mul3A_312, %add3A_313 : i32
    %dma_start3A_315 = arith.constant 3 : i32
    %dma_start3A_316 = arith.constant 0 : i32
    %dma_start3A_317 = tpu.memref_slice %arg8[%dma_start3A_315, %dma_start3A_316] : memref<4x128xi32, #tpu.memory_space<vmem>> -> memref<1x128xi32, #tpu.memory_space<vmem>>
    %dma_start3A_318 = tpu.memref_squeeze %dma_start3A_317 : memref<1x128xi32, #tpu.memory_space<vmem>> -> memref<128xi32, #tpu.memory_space<vmem>>
    %dma_start3A_319 = tpu.memref_slice %arg3[%add3A_314] : memref<327680xi32, #tpu.memory_space<hbm>> -> memref<128xi32, #tpu.memory_space<hbm>>
    %dma_start3A_320 = arith.constant 0 : i32
    %dma_start3A_321 = tpu.memref_slice %arg8[%dma_start3A_315, %dma_start3A_320] : memref<4x128xi32, #tpu.memory_space<vmem>> -> memref<1x128xi32, #tpu.memory_space<vmem>>
    %dma_start3A_322 = tpu.memref_squeeze %dma_start3A_321 : memref<1x128xi32, #tpu.memory_space<vmem>> -> memref<128xi32, #tpu.memory_space<vmem>>
    %dma_start3A_323 = tpu.memref_slice %arg3[%add3A_314] : memref<327680xi32, #tpu.memory_space<hbm>> -> memref<128xi32, #tpu.memory_space<hbm>>
    tpu.enqueue_dma source(%dma_start3A_323 : memref<128xi32, #tpu.memory_space<hbm>>) target(%dma_start3A_322 : memref<128xi32, #tpu.memory_space<vmem>>) target_semaphore(%arg15 : memref<!tpu.dma_semaphore, #tpu.memory_space<semaphore_mem>>)
    %mul3A_324 = arith.constant 128 : i32
    %mul3A_325 = arith.muli %add3A, %mul3A_324 : i32
    %add3A_326 = arith.constant 28672 : i32
    %add3A_327 = arith.addi %mul3A_325, %add3A_326 : i32
    %dma_start3A_328 = arith.constant 3 : i32
    %dma_start3A_329 = arith.constant 0 : i32
    %dma_start3A_330 = tpu.memref_slice %arg10[%dma_start3A_328, %dma_start3A_329] : memref<4x128xi32, #tpu.memory_space<vmem>> -> memref<1x128xi32, #tpu.memory_space<vmem>>
    %dma_start3A_331 = tpu.memref_squeeze %dma_start3A_330 : memref<1x128xi32, #tpu.memory_space<vmem>> -> memref<128xi32, #tpu.memory_space<vmem>>
    %dma_start3A_332 = tpu.memref_slice %arg4[%add3A_327] : memref<327680xi32, #tpu.memory_space<hbm>> -> memref<128xi32, #tpu.memory_space<hbm>>
    %dma_start3A_333 = arith.constant 0 : i32
    %dma_start3A_334 = tpu.memref_slice %arg10[%dma_start3A_328, %dma_start3A_333] : memref<4x128xi32, #tpu.memory_space<vmem>> -> memref<1x128xi32, #tpu.memory_space<vmem>>
    %dma_start3A_335 = tpu.memref_squeeze %dma_start3A_334 : memref<1x128xi32, #tpu.memory_space<vmem>> -> memref<128xi32, #tpu.memory_space<vmem>>
    %dma_start3A_336 = tpu.memref_slice %arg4[%add3A_327] : memref<327680xi32, #tpu.memory_space<hbm>> -> memref<128xi32, #tpu.memory_space<hbm>>
    tpu.enqueue_dma source(%dma_start3A_336 : memref<128xi32, #tpu.memory_space<hbm>>) target(%dma_start3A_335 : memref<128xi32, #tpu.memory_space<vmem>>) target_semaphore(%arg17 : memref<!tpu.dma_semaphore, #tpu.memory_space<semaphore_mem>>)
    %dma_start3A_337 = arith.constant 1 : i32
    %dma_start3A_338 = arith.constant 0 : i32
    %dma_start3A_339 = arith.constant 0 : i32
    %dma_start3A_340 = tpu.memref_slice %arg12[%dma_start3A_338, %dma_start3A_339] : memref<128x144xf32, #tpu.memory_space<vmem>> -> memref<64x144xf32, #tpu.memory_space<vmem>>
    %dma_start3A_341 = arith.constant 0 : i32
    %dma_start3A_342 = tpu.memref_slice %arg7[%dma_start3A_337, %dma_start3A_341] : memref<4x128xi32, #tpu.memory_space<vmem>> -> memref<1x64xi32, #tpu.memory_space<vmem>>
    %dma_start3A_343 = tpu.memref_squeeze %dma_start3A_342 : memref<1x64xi32, #tpu.memory_space<vmem>> -> memref<64xi32, #tpu.memory_space<vmem>>
    %dma_start3A_344 = arith.constant 0 : i32
    %dma_start3A_345 = arith.constant 0 : i32
    %dma_start3A_346 = tpu.memref_slice %arg2[%dma_start3A_344, %dma_start3A_345] : memref<10000x144xf32, #tpu.memory_space<hbm>> -> memref<10000x144xf32, #tpu.memory_space<hbm>>
    tpu.enqueue_indirect_dma source(%dma_start3A_346 : memref<10000x144xf32, #tpu.memory_space<hbm>>) target(%dma_start3A_340 : memref<64x144xf32, #tpu.memory_space<vmem>>) offsets(%dma_start3A_343 : memref<64xi32, #tpu.memory_space<vmem>>) semaphore(%arg19 : memref<!tpu.dma_semaphore, #tpu.memory_space<semaphore_mem>>)
    %dma_start3A_347 = arith.constant 1 : i32
    %dma_start3A_348 = arith.constant 64 : i32
    %dma_start3A_349 = arith.constant 0 : i32
    %dma_start3A_350 = tpu.memref_slice %arg12[%dma_start3A_348, %dma_start3A_349] : memref<128x144xf32, #tpu.memory_space<vmem>> -> memref<64x144xf32, #tpu.memory_space<vmem>>
    %dma_start3A_351 = arith.constant 64 : i32
    %dma_start3A_352 = tpu.memref_slice %arg7[%dma_start3A_347, %dma_start3A_351] : memref<4x128xi32, #tpu.memory_space<vmem>> -> memref<1x64xi32, #tpu.memory_space<vmem>>
    %dma_start3A_353 = tpu.memref_squeeze %dma_start3A_352 : memref<1x64xi32, #tpu.memory_space<vmem>> -> memref<64xi32, #tpu.memory_space<vmem>>
    %dma_start3A_354 = arith.constant 0 : i32
    %dma_start3A_355 = arith.constant 0 : i32
    %dma_start3A_356 = tpu.memref_slice %arg2[%dma_start3A_354, %dma_start3A_355] : memref<10000x144xf32, #tpu.memory_space<hbm>> -> memref<10000x144xf32, #tpu.memory_space<hbm>>
    tpu.enqueue_indirect_dma source(%dma_start3A_356 : memref<10000x144xf32, #tpu.memory_space<hbm>>) target(%dma_start3A_350 : memref<64x144xf32, #tpu.memory_space<vmem>>) offsets(%dma_start3A_353 : memref<64xi32, #tpu.memory_space<vmem>>) semaphore(%arg21 : memref<!tpu.dma_semaphore, #tpu.memory_space<semaphore_mem>>)
    %scan3A = arith.constant 0 : i32
    %scan3A_357 = arith.constant 0 : i32
    %scan3A_358 = arith.constant 10 : i32
    %scan3A_359 = arith.addi %scan3A_357, %scan3A_358 : i32
    %scan3A_360 = arith.constant 1 : i32
    scf.for %scan3A_367 = %scan3A_357 to %scan3A_359 step %scan3A_360  : i32 {
      %dma_wait3A_368 = arith.constant 0 : i32
      %dma_wait3A_369 = arith.constant 0 : i32
      %dma_wait3A_370 = arith.constant 0 : i32
      %dma_wait3A_371 = tpu.memref_slice %arg11[%dma_wait3A_369, %dma_wait3A_370] : memref<128x144xf32, #tpu.memory_space<vmem>> -> memref<64x144xf32, #tpu.memory_space<vmem>>
      %dma_wait3A_372 = arith.constant 0 : i32
      %dma_wait3A_373 = tpu.memref_slice %arg7[%dma_wait3A_368, %dma_wait3A_372] : memref<4x128xi32, #tpu.memory_space<vmem>> -> memref<1x64xi32, #tpu.memory_space<vmem>>
      %dma_wait3A_374 = tpu.memref_squeeze %dma_wait3A_373 : memref<1x64xi32, #tpu.memory_space<vmem>> -> memref<64xi32, #tpu.memory_space<vmem>>
      %dma_wait3A_375 = arith.constant 0 : i32
      %dma_wait3A_376 = arith.constant 0 : i32
      %dma_wait3A_377 = tpu.memref_slice %arg2[%dma_wait3A_375, %dma_wait3A_376] : memref<10000x144xf32, #tpu.memory_space<hbm>> -> memref<10000x144xf32, #tpu.memory_space<hbm>>
      tpu.wait_indirect_dma semaphore(%arg18 : memref<!tpu.dma_semaphore, #tpu.memory_space<semaphore_mem>>) src(%dma_wait3A_377 : memref<10000x144xf32, #tpu.memory_space<hbm>>) dst(%dma_wait3A_371 : memref<64x144xf32, #tpu.memory_space<vmem>>)
      %dma_wait3A_378 = arith.constant 0 : i32
      %dma_wait3A_379 = arith.constant 64 : i32
      %dma_wait3A_380 = arith.constant 0 : i32
      %dma_wait3A_381 = tpu.memref_slice %arg11[%dma_wait3A_379, %dma_wait3A_380] : memref<128x144xf32, #tpu.memory_space<vmem>> -> memref<64x144xf32, #tpu.memory_space<vmem>>
      %dma_wait3A_382 = arith.constant 64 : i32
      %dma_wait3A_383 = tpu.memref_slice %arg7[%dma_wait3A_378, %dma_wait3A_382] : memref<4x128xi32, #tpu.memory_space<vmem>> -> memref<1x64xi32, #tpu.memory_space<vmem>>
      %dma_wait3A_384 = tpu.memref_squeeze %dma_wait3A_383 : memref<1x64xi32, #tpu.memory_space<vmem>> -> memref<64xi32, #tpu.memory_space<vmem>>
      %dma_wait3A_385 = arith.constant 0 : i32
      %dma_wait3A_386 = arith.constant 0 : i32
      %dma_wait3A_387 = tpu.memref_slice %arg2[%dma_wait3A_385, %dma_wait3A_386] : memref<10000x144xf32, #tpu.memory_space<hbm>> -> memref<10000x144xf32, #tpu.memory_space<hbm>>
      tpu.wait_indirect_dma semaphore(%arg20 : memref<!tpu.dma_semaphore, #tpu.memory_space<semaphore_mem>>) src(%dma_wait3A_387 : memref<10000x144xf32, #tpu.memory_space<hbm>>) dst(%dma_wait3A_381 : memref<64x144xf32, #tpu.memory_space<vmem>>)
      %run_scoped3A = arith.constant 0 : i32
      "tpu.region"() ({
        %run_scoped3A_855 = tpu.sem_alloc : memref<!tpu.dma_semaphore, #tpu.memory_space<semaphore_mem>>
        %dma_start3A_856 = arith.constant 0 : i32
        %dma_start3A_857 = tpu.memref_slice %arg9[%run_scoped3A, %dma_start3A_856] : memref<4x128xi32, #tpu.memory_space<vmem>> -> memref<1x128xi32, #tpu.memory_space<vmem>>
        %dma_start3A_858 = tpu.memref_squeeze %dma_start3A_857 : memref<1x128xi32, #tpu.memory_space<vmem>> -> memref<128xi32, #tpu.memory_space<vmem>>
        %dma_start3A_859 = arith.constant 0 : i32
        %dma_start3A_860 = arith.constant 0 : i32
        %dma_start3A_861 = tpu.memref_slice %arg13[%dma_start3A_859, %dma_start3A_860] : memref<10120x144xf32, #tpu.memory_space<vmem_shared>> -> memref<10120x144xf32, #tpu.memory_space<vmem_shared>>
        tpu.enqueue_indirect_dma source(%arg11 : memref<128x144xf32, #tpu.memory_space<vmem>>) target(%dma_start3A_861 : memref<10120x144xf32, #tpu.memory_space<vmem_shared>>) offsets(%dma_start3A_858 : memref<128xi32, #tpu.memory_space<vmem>>) semaphore(%run_scoped3A_855 : memref<!tpu.dma_semaphore, #tpu.memory_space<semaphore_mem>>) {add = true}
        %dma_wait3A_862 = arith.constant 0 : i32
        %dma_wait3A_863 = tpu.memref_slice %arg9[%run_scoped3A, %dma_wait3A_862] : memref<4x128xi32, #tpu.memory_space<vmem>> -> memref<1x128xi32, #tpu.memory_space<vmem>>
        %dma_wait3A_864 = tpu.memref_squeeze %dma_wait3A_863 : memref<1x128xi32, #tpu.memory_space<vmem>> -> memref<128xi32, #tpu.memory_space<vmem>>
        %dma_wait3A_865 = arith.constant 0 : i32
        %dma_wait3A_866 = arith.constant 0 : i32
        %dma_wait3A_867 = tpu.memref_slice %arg13[%dma_wait3A_865, %dma_wait3A_866] : memref<10120x144xf32, #tpu.memory_space<vmem_shared>> -> memref<10120x144xf32, #tpu.memory_space<vmem_shared>>
        tpu.wait_indirect_dma semaphore(%run_scoped3A_855 : memref<!tpu.dma_semaphore, #tpu.memory_space<semaphore_mem>>) src(%arg11 : memref<128x144xf32, #tpu.memory_space<vmem>>) dst(%dma_wait3A_867 : memref<10120x144xf32, #tpu.memory_space<vmem_shared>>)
        tpu.yield
      }) : () -> ()
      %mul3A_388 = arith.constant 2 : i32
      %mul3A_389 = arith.muli %mul3A_388, %scan3A_367 : i32
      %add3A_390 = arith.constant 0 : i32
      %add3A_391 = arith.addi %mul3A_389, %add3A_390 : i32
      %dma_start3A_392 = arith.constant 2 : i32
      %dma_start3A_393 = arith.constant 0 : i32
      %dma_start3A_394 = arith.constant 0 : i32
      %dma_start3A_395 = tpu.memref_slice %arg11[%dma_start3A_393, %dma_start3A_394] : memref<128x144xf32, #tpu.memory_space<vmem>> -> memref<64x144xf32, #tpu.memory_space<vmem>>
      %dma_start3A_396 = arith.constant 0 : i32
      %dma_start3A_397 = tpu.memref_slice %arg7[%dma_start3A_392, %dma_start3A_396] : memref<4x128xi32, #tpu.memory_space<vmem>> -> memref<1x64xi32, #tpu.memory_space<vmem>>
      %dma_start3A_398 = tpu.memref_squeeze %dma_start3A_397 : memref<1x64xi32, #tpu.memory_space<vmem>> -> memref<64xi32, #tpu.memory_space<vmem>>
      %dma_start3A_399 = arith.constant 0 : i32
      %dma_start3A_400 = arith.constant 0 : i32
      %dma_start3A_401 = tpu.memref_slice %arg2[%dma_start3A_399, %dma_start3A_400] : memref<10000x144xf32, #tpu.memory_space<hbm>> -> memref<10000x144xf32, #tpu.memory_space<hbm>>
      tpu.enqueue_indirect_dma source(%dma_start3A_401 : memref<10000x144xf32, #tpu.memory_space<hbm>>) target(%dma_start3A_395 : memref<64x144xf32, #tpu.memory_space<vmem>>) offsets(%dma_start3A_398 : memref<64xi32, #tpu.memory_space<vmem>>) semaphore(%arg18 : memref<!tpu.dma_semaphore, #tpu.memory_space<semaphore_mem>>)
      %dma_start3A_402 = arith.constant 2 : i32
      %dma_start3A_403 = arith.constant 64 : i32
      %dma_start3A_404 = arith.constant 0 : i32
      %dma_start3A_405 = tpu.memref_slice %arg11[%dma_start3A_403, %dma_start3A_404] : memref<128x144xf32, #tpu.memory_space<vmem>> -> memref<64x144xf32, #tpu.memory_space<vmem>>
      %dma_start3A_406 = arith.constant 64 : i32
      %dma_start3A_407 = tpu.memref_slice %arg7[%dma_start3A_402, %dma_start3A_406] : memref<4x128xi32, #tpu.memory_space<vmem>> -> memref<1x64xi32, #tpu.memory_space<vmem>>
      %dma_start3A_408 = tpu.memref_squeeze %dma_start3A_407 : memref<1x64xi32, #tpu.memory_space<vmem>> -> memref<64xi32, #tpu.memory_space<vmem>>
      %dma_start3A_409 = arith.constant 0 : i32
      %dma_start3A_410 = arith.constant 0 : i32
      %dma_start3A_411 = tpu.memref_slice %arg2[%dma_start3A_409, %dma_start3A_410] : memref<10000x144xf32, #tpu.memory_space<hbm>> -> memref<10000x144xf32, #tpu.memory_space<hbm>>
      tpu.enqueue_indirect_dma source(%dma_start3A_411 : memref<10000x144xf32, #tpu.memory_space<hbm>>) target(%dma_start3A_405 : memref<64x144xf32, #tpu.memory_space<vmem>>) offsets(%dma_start3A_408 : memref<64xi32, #tpu.memory_space<vmem>>) semaphore(%arg20 : memref<!tpu.dma_semaphore, #tpu.memory_space<semaphore_mem>>)
      %dma_wait3A_412 = arith.constant 1 : i32
      %dma_wait3A_413 = arith.constant 0 : i32
      %dma_wait3A_414 = arith.constant 0 : i32
      %dma_wait3A_415 = tpu.memref_slice %arg12[%dma_wait3A_413, %dma_wait3A_414] : memref<128x144xf32, #tpu.memory_space<vmem>> -> memref<64x144xf32, #tpu.memory_space<vmem>>
      %dma_wait3A_416 = arith.constant 0 : i32
      %dma_wait3A_417 = tpu.memref_slice %arg7[%dma_wait3A_412, %dma_wait3A_416] : memref<4x128xi32, #tpu.memory_space<vmem>> -> memref<1x64xi32, #tpu.memory_space<vmem>>
      %dma_wait3A_418 = tpu.memref_squeeze %dma_wait3A_417 : memref<1x64xi32, #tpu.memory_space<vmem>> -> memref<64xi32, #tpu.memory_space<vmem>>
      %dma_wait3A_419 = arith.constant 0 : i32
      %dma_wait3A_420 = arith.constant 0 : i32
      %dma_wait3A_421 = tpu.memref_slice %arg2[%dma_wait3A_419, %dma_wait3A_420] : memref<10000x144xf32, #tpu.memory_space<hbm>> -> memref<10000x144xf32, #tpu.memory_space<hbm>>
      tpu.wait_indirect_dma semaphore(%arg19 : memref<!tpu.dma_semaphore, #tpu.memory_space<semaphore_mem>>) src(%dma_wait3A_421 : memref<10000x144xf32, #tpu.memory_space<hbm>>) dst(%dma_wait3A_415 : memref<64x144xf32, #tpu.memory_space<vmem>>)
      %dma_wait3A_422 = arith.constant 1 : i32
      %dma_wait3A_423 = arith.constant 64 : i32
      %dma_wait3A_424 = arith.constant 0 : i32
      %dma_wait3A_425 = tpu.memref_slice %arg12[%dma_wait3A_423, %dma_wait3A_424] : memref<128x144xf32, #tpu.memory_space<vmem>> -> memref<64x144xf32, #tpu.memory_space<vmem>>
      %dma_wait3A_426 = arith.constant 64 : i32
      %dma_wait3A_427 = tpu.memref_slice %arg7[%dma_wait3A_422, %dma_wait3A_426] : memref<4x128xi32, #tpu.memory_space<vmem>> -> memref<1x64xi32, #tpu.memory_space<vmem>>
      %dma_wait3A_428 = tpu.memref_squeeze %dma_wait3A_427 : memref<1x64xi32, #tpu.memory_space<vmem>> -> memref<64xi32, #tpu.memory_space<vmem>>
      %dma_wait3A_429 = arith.constant 0 : i32
      %dma_wait3A_430 = arith.constant 0 : i32
      %dma_wait3A_431 = tpu.memref_slice %arg2[%dma_wait3A_429, %dma_wait3A_430] : memref<10000x144xf32, #tpu.memory_space<hbm>> -> memref<10000x144xf32, #tpu.memory_space<hbm>>
      tpu.wait_indirect_dma semaphore(%arg21 : memref<!tpu.dma_semaphore, #tpu.memory_space<semaphore_mem>>) src(%dma_wait3A_431 : memref<10000x144xf32, #tpu.memory_space<hbm>>) dst(%dma_wait3A_425 : memref<64x144xf32, #tpu.memory_space<vmem>>)
      %run_scoped3A_432 = arith.constant 1 : i32
      "tpu.region"() ({
        %run_scoped3A_855 = tpu.sem_alloc : memref<!tpu.dma_semaphore, #tpu.memory_space<semaphore_mem>>
        %dma_start3A_856 = arith.constant 0 : i32
        %dma_start3A_857 = tpu.memref_slice %arg9[%run_scoped3A_432, %dma_start3A_856] : memref<4x128xi32, #tpu.memory_space<vmem>> -> memref<1x128xi32, #tpu.memory_space<vmem>>
        %dma_start3A_858 = tpu.memref_squeeze %dma_start3A_857 : memref<1x128xi32, #tpu.memory_space<vmem>> -> memref<128xi32, #tpu.memory_space<vmem>>
        %dma_start3A_859 = arith.constant 0 : i32
        %dma_start3A_860 = arith.constant 0 : i32
        %dma_start3A_861 = tpu.memref_slice %arg13[%dma_start3A_859, %dma_start3A_860] : memref<10120x144xf32, #tpu.memory_space<vmem_shared>> -> memref<10120x144xf32, #tpu.memory_space<vmem_shared>>
        tpu.enqueue_indirect_dma source(%arg12 : memref<128x144xf32, #tpu.memory_space<vmem>>) target(%dma_start3A_861 : memref<10120x144xf32, #tpu.memory_space<vmem_shared>>) offsets(%dma_start3A_858 : memref<128xi32, #tpu.memory_space<vmem>>) semaphore(%run_scoped3A_855 : memref<!tpu.dma_semaphore, #tpu.memory_space<semaphore_mem>>) {add = true}
        %dma_wait3A_862 = arith.constant 0 : i32
        %dma_wait3A_863 = tpu.memref_slice %arg9[%run_scoped3A_432, %dma_wait3A_862] : memref<4x128xi32, #tpu.memory_space<vmem>> -> memref<1x128xi32, #tpu.memory_space<vmem>>
        %dma_wait3A_864 = tpu.memref_squeeze %dma_wait3A_863 : memref<1x128xi32, #tpu.memory_space<vmem>> -> memref<128xi32, #tpu.memory_space<vmem>>
        %dma_wait3A_865 = arith.constant 0 : i32
        %dma_wait3A_866 = arith.constant 0 : i32
        %dma_wait3A_867 = tpu.memref_slice %arg13[%dma_wait3A_865, %dma_wait3A_866] : memref<10120x144xf32, #tpu.memory_space<vmem_shared>> -> memref<10120x144xf32, #tpu.memory_space<vmem_shared>>
        tpu.wait_indirect_dma semaphore(%run_scoped3A_855 : memref<!tpu.dma_semaphore, #tpu.memory_space<semaphore_mem>>) src(%arg12 : memref<128x144xf32, #tpu.memory_space<vmem>>) dst(%dma_wait3A_867 : memref<10120x144xf32, #tpu.memory_space<vmem_shared>>)
        tpu.yield
      }) : () -> ()
      %mul3A_433 = arith.constant 2 : i32
      %mul3A_434 = arith.muli %mul3A_433, %scan3A_367 : i32
      %add3A_435 = arith.constant 0 : i32
      %add3A_436 = arith.addi %mul3A_434, %add3A_435 : i32
      %dma_start3A_437 = arith.constant 3 : i32
      %dma_start3A_438 = arith.constant 0 : i32
      %dma_start3A_439 = arith.constant 0 : i32
      %dma_start3A_440 = tpu.memref_slice %arg12[%dma_start3A_438, %dma_start3A_439] : memref<128x144xf32, #tpu.memory_space<vmem>> -> memref<64x144xf32, #tpu.memory_space<vmem>>
      %dma_start3A_441 = arith.constant 0 : i32
      %dma_start3A_442 = tpu.memref_slice %arg7[%dma_start3A_437, %dma_start3A_441] : memref<4x128xi32, #tpu.memory_space<vmem>> -> memref<1x64xi32, #tpu.memory_space<vmem>>
      %dma_start3A_443 = tpu.memref_squeeze %dma_start3A_442 : memref<1x64xi32, #tpu.memory_space<vmem>> -> memref<64xi32, #tpu.memory_space<vmem>>
      %dma_start3A_444 = arith.constant 0 : i32
      %dma_start3A_445 = arith.constant 0 : i32
      %dma_start3A_446 = tpu.memref_slice %arg2[%dma_start3A_444, %dma_start3A_445] : memref<10000x144xf32, #tpu.memory_space<hbm>> -> memref<10000x144xf32, #tpu.memory_space<hbm>>
      tpu.enqueue_indirect_dma source(%dma_start3A_446 : memref<10000x144xf32, #tpu.memory_space<hbm>>) target(%dma_start3A_440 : memref<64x144xf32, #tpu.memory_space<vmem>>) offsets(%dma_start3A_443 : memref<64xi32, #tpu.memory_space<vmem>>) semaphore(%arg19 : memref<!tpu.dma_semaphore, #tpu.memory_space<semaphore_mem>>)
      %dma_start3A_447 = arith.constant 3 : i32
      %dma_start3A_448 = arith.constant 64 : i32
      %dma_start3A_449 = arith.constant 0 : i32
      %dma_start3A_450 = tpu.memref_slice %arg12[%dma_start3A_448, %dma_start3A_449] : memref<128x144xf32, #tpu.memory_space<vmem>> -> memref<64x144xf32, #tpu.memory_space<vmem>>
      %dma_start3A_451 = arith.constant 64 : i32
      %dma_start3A_452 = tpu.memref_slice %arg7[%dma_start3A_447, %dma_start3A_451] : memref<4x128xi32, #tpu.memory_space<vmem>> -> memref<1x64xi32, #tpu.memory_space<vmem>>
      %dma_start3A_453 = tpu.memref_squeeze %dma_start3A_452 : memref<1x64xi32, #tpu.memory_space<vmem>> -> memref<64xi32, #tpu.memory_space<vmem>>
      %dma_start3A_454 = arith.constant 0 : i32
      %dma_start3A_455 = arith.constant 0 : i32
      %dma_start3A_456 = tpu.memref_slice %arg2[%dma_start3A_454, %dma_start3A_455] : memref<10000x144xf32, #tpu.memory_space<hbm>> -> memref<10000x144xf32, #tpu.memory_space<hbm>>
      tpu.enqueue_indirect_dma source(%dma_start3A_456 : memref<10000x144xf32, #tpu.memory_space<hbm>>) target(%dma_start3A_450 : memref<64x144xf32, #tpu.memory_space<vmem>>) offsets(%dma_start3A_453 : memref<64xi32, #tpu.memory_space<vmem>>) semaphore(%arg21 : memref<!tpu.dma_semaphore, #tpu.memory_space<semaphore_mem>>)
      %dma_wait3A_457 = arith.constant 2 : i32
      %dma_wait3A_458 = arith.constant 0 : i32
      %dma_wait3A_459 = arith.constant 0 : i32
      %dma_wait3A_460 = tpu.memref_slice %arg11[%dma_wait3A_458, %dma_wait3A_459] : memref<128x144xf32, #tpu.memory_space<vmem>> -> memref<64x144xf32, #tpu.memory_space<vmem>>
      %dma_wait3A_461 = arith.constant 0 : i32
      %dma_wait3A_462 = tpu.memref_slice %arg7[%dma_wait3A_457, %dma_wait3A_461] : memref<4x128xi32, #tpu.memory_space<vmem>> -> memref<1x64xi32, #tpu.memory_space<vmem>>
      %dma_wait3A_463 = tpu.memref_squeeze %dma_wait3A_462 : memref<1x64xi32, #tpu.memory_space<vmem>> -> memref<64xi32, #tpu.memory_space<vmem>>
      %dma_wait3A_464 = arith.constant 0 : i32
      %dma_wait3A_465 = arith.constant 0 : i32
      %dma_wait3A_466 = tpu.memref_slice %arg2[%dma_wait3A_464, %dma_wait3A_465] : memref<10000x144xf32, #tpu.memory_space<hbm>> -> memref<10000x144xf32, #tpu.memory_space<hbm>>
      tpu.wait_indirect_dma semaphore(%arg18 : memref<!tpu.dma_semaphore, #tpu.memory_space<semaphore_mem>>) src(%dma_wait3A_466 : memref<10000x144xf32, #tpu.memory_space<hbm>>) dst(%dma_wait3A_460 : memref<64x144xf32, #tpu.memory_space<vmem>>)
      %dma_wait3A_467 = arith.constant 2 : i32
      %dma_wait3A_468 = arith.constant 64 : i32
      %dma_wait3A_469 = arith.constant 0 : i32
      %dma_wait3A_470 = tpu.memref_slice %arg11[%dma_wait3A_468, %dma_wait3A_469] : memref<128x144xf32, #tpu.memory_space<vmem>> -> memref<64x144xf32, #tpu.memory_space<vmem>>
      %dma_wait3A_471 = arith.constant 64 : i32
      %dma_wait3A_472 = tpu.memref_slice %arg7[%dma_wait3A_467, %dma_wait3A_471] : memref<4x128xi32, #tpu.memory_space<vmem>> -> memref<1x64xi32, #tpu.memory_space<vmem>>
      %dma_wait3A_473 = tpu.memref_squeeze %dma_wait3A_472 : memref<1x64xi32, #tpu.memory_space<vmem>> -> memref<64xi32, #tpu.memory_space<vmem>>
      %dma_wait3A_474 = arith.constant 0 : i32
      %dma_wait3A_475 = arith.constant 0 : i32
      %dma_wait3A_476 = tpu.memref_slice %arg2[%dma_wait3A_474, %dma_wait3A_475] : memref<10000x144xf32, #tpu.memory_space<hbm>> -> memref<10000x144xf32, #tpu.memory_space<hbm>>
      tpu.wait_indirect_dma semaphore(%arg20 : memref<!tpu.dma_semaphore, #tpu.memory_space<semaphore_mem>>) src(%dma_wait3A_476 : memref<10000x144xf32, #tpu.memory_space<hbm>>) dst(%dma_wait3A_470 : memref<64x144xf32, #tpu.memory_space<vmem>>)
      %run_scoped3A_477 = arith.constant 2 : i32
      "tpu.region"() ({
        %run_scoped3A_855 = tpu.sem_alloc : memref<!tpu.dma_semaphore, #tpu.memory_space<semaphore_mem>>
        %dma_start3A_856 = arith.constant 0 : i32
        %dma_start3A_857 = tpu.memref_slice %arg9[%run_scoped3A_477, %dma_start3A_856] : memref<4x128xi32, #tpu.memory_space<vmem>> -> memref<1x128xi32, #tpu.memory_space<vmem>>
        %dma_start3A_858 = tpu.memref_squeeze %dma_start3A_857 : memref<1x128xi32, #tpu.memory_space<vmem>> -> memref<128xi32, #tpu.memory_space<vmem>>
        %dma_start3A_859 = arith.constant 0 : i32
        %dma_start3A_860 = arith.constant 0 : i32
        %dma_start3A_861 = tpu.memref_slice %arg13[%dma_start3A_859, %dma_start3A_860] : memref<10120x144xf32, #tpu.memory_space<vmem_shared>> -> memref<10120x144xf32, #tpu.memory_space<vmem_shared>>
        tpu.enqueue_indirect_dma source(%arg11 : memref<128x144xf32, #tpu.memory_space<vmem>>) target(%dma_start3A_861 : memref<10120x144xf32, #tpu.memory_space<vmem_shared>>) offsets(%dma_start3A_858 : memref<128xi32, #tpu.memory_space<vmem>>) semaphore(%run_scoped3A_855 : memref<!tpu.dma_semaphore, #tpu.memory_space<semaphore_mem>>) {add = true}
        %dma_wait3A_862 = arith.constant 0 : i32
        %dma_wait3A_863 = tpu.memref_slice %arg9[%run_scoped3A_477, %dma_wait3A_862] : memref<4x128xi32, #tpu.memory_space<vmem>> -> memref<1x128xi32, #tpu.memory_space<vmem>>
        %dma_wait3A_864 = tpu.memref_squeeze %dma_wait3A_863 : memref<1x128xi32, #tpu.memory_space<vmem>> -> memref<128xi32, #tpu.memory_space<vmem>>
        %dma_wait3A_865 = arith.constant 0 : i32
        %dma_wait3A_866 = arith.constant 0 : i32
        %dma_wait3A_867 = tpu.memref_slice %arg13[%dma_wait3A_865, %dma_wait3A_866] : memref<10120x144xf32, #tpu.memory_space<vmem_shared>> -> memref<10120x144xf32, #tpu.memory_space<vmem_shared>>
        tpu.wait_indirect_dma semaphore(%run_scoped3A_855 : memref<!tpu.dma_semaphore, #tpu.memory_space<semaphore_mem>>) src(%arg11 : memref<128x144xf32, #tpu.memory_space<vmem>>) dst(%dma_wait3A_867 : memref<10120x144xf32, #tpu.memory_space<vmem_shared>>)
        tpu.yield
      }) : () -> ()
      %mul3A_478 = arith.constant 2 : i32
      %mul3A_479 = arith.muli %mul3A_478, %scan3A_367 : i32
      %add3A_480 = arith.constant 1 : i32
      %add3A_481 = arith.addi %mul3A_479, %add3A_480 : i32
      %mul3A_482 = arith.constant 128 : i32
      %mul3A_483 = arith.muli %add3A, %mul3A_482 : i32
      %mul3A_484 = arith.constant 4 : i32
      %mul3A_485 = arith.muli %add3A_481, %mul3A_484 : i32
      %add3A_486 = arith.constant 0 : i32
      %add3A_487 = arith.addi %mul3A_485, %add3A_486 : i32
      %mul3A_488 = arith.constant 32 : i32
      %mul3A_489 = arith.muli %add3A_487, %mul3A_488 : i32
      %mul3A_490 = arith.constant 128 : i32
      %mul3A_491 = arith.muli %mul3A_489, %mul3A_490 : i32
      %add3A_492 = arith.addi %mul3A_483, %mul3A_491 : i32
      %dma_wait3A_493 = arith.constant 0 : i32
      %dma_wait3A_494 = arith.constant 0 : i32
      %dma_wait3A_495 = tpu.memref_slice %arg8[%dma_wait3A_493, %dma_wait3A_494] : memref<4x128xi32, #tpu.memory_space<vmem>> -> memref<1x128xi32, #tpu.memory_space<vmem>>
      %dma_wait3A_496 = tpu.memref_squeeze %dma_wait3A_495 : memref<1x128xi32, #tpu.memory_space<vmem>> -> memref<128xi32, #tpu.memory_space<vmem>>
      %dma_wait3A_497 = tpu.memref_slice %arg3[%add3A_492] : memref<327680xi32, #tpu.memory_space<hbm>> -> memref<128xi32, #tpu.memory_space<hbm>>
      %dma_wait3A_498 = arith.constant 0 : i32
      %dma_wait3A_499 = tpu.memref_slice %arg8[%dma_wait3A_493, %dma_wait3A_498] : memref<4x128xi32, #tpu.memory_space<vmem>> -> memref<1x128xi32, #tpu.memory_space<vmem>>
      %dma_wait3A_500 = tpu.memref_squeeze %dma_wait3A_499 : memref<1x128xi32, #tpu.memory_space<vmem>> -> memref<128xi32, #tpu.memory_space<vmem>>
      %dma_wait3A_501 = tpu.memref_slice %arg3[%add3A_492] : memref<327680xi32, #tpu.memory_space<hbm>> -> memref<128xi32, #tpu.memory_space<hbm>>
      tpu.wait_dma2 semaphore(%arg15 : memref<!tpu.dma_semaphore, #tpu.memory_space<semaphore_mem>>) src(%dma_wait3A_501 : memref<128xi32, #tpu.memory_space<hbm>>) dst(%dma_wait3A_500 : memref<128xi32, #tpu.memory_space<vmem>>)
      %mul3A_502 = arith.constant 128 : i32
      %mul3A_503 = arith.muli %add3A, %mul3A_502 : i32
      %mul3A_504 = arith.constant 4 : i32
      %mul3A_505 = arith.muli %add3A_481, %mul3A_504 : i32
      %add3A_506 = arith.constant 0 : i32
      %add3A_507 = arith.addi %mul3A_505, %add3A_506 : i32
      %mul3A_508 = arith.constant 32 : i32
      %mul3A_509 = arith.muli %add3A_507, %mul3A_508 : i32
      %mul3A_510 = arith.constant 128 : i32
      %mul3A_511 = arith.muli %mul3A_509, %mul3A_510 : i32
      %add3A_512 = arith.addi %mul3A_503, %mul3A_511 : i32
      %dma_wait3A_513 = arith.constant 0 : i32
      %dma_wait3A_514 = arith.constant 0 : i32
      %dma_wait3A_515 = tpu.memref_slice %arg10[%dma_wait3A_513, %dma_wait3A_514] : memref<4x128xi32, #tpu.memory_space<vmem>> -> memref<1x128xi32, #tpu.memory_space<vmem>>
      %dma_wait3A_516 = tpu.memref_squeeze %dma_wait3A_515 : memref<1x128xi32, #tpu.memory_space<vmem>> -> memref<128xi32, #tpu.memory_space<vmem>>
      %dma_wait3A_517 = tpu.memref_slice %arg4[%add3A_512] : memref<327680xi32, #tpu.memory_space<hbm>> -> memref<128xi32, #tpu.memory_space<hbm>>
      %dma_wait3A_518 = arith.constant 0 : i32
      %dma_wait3A_519 = tpu.memref_slice %arg10[%dma_wait3A_513, %dma_wait3A_518] : memref<4x128xi32, #tpu.memory_space<vmem>> -> memref<1x128xi32, #tpu.memory_space<vmem>>
      %dma_wait3A_520 = tpu.memref_squeeze %dma_wait3A_519 : memref<1x128xi32, #tpu.memory_space<vmem>> -> memref<128xi32, #tpu.memory_space<vmem>>
      %dma_wait3A_521 = tpu.memref_slice %arg4[%add3A_512] : memref<327680xi32, #tpu.memory_space<hbm>> -> memref<128xi32, #tpu.memory_space<hbm>>
      tpu.wait_dma2 semaphore(%arg17 : memref<!tpu.dma_semaphore, #tpu.memory_space<semaphore_mem>>) src(%dma_wait3A_521 : memref<128xi32, #tpu.memory_space<hbm>>) dst(%dma_wait3A_520 : memref<128xi32, #tpu.memory_space<vmem>>)
      %mul3A_522 = arith.constant 128 : i32
      %mul3A_523 = arith.muli %add3A, %mul3A_522 : i32
      %mul3A_524 = arith.constant 4 : i32
      %mul3A_525 = arith.muli %add3A_481, %mul3A_524 : i32
      %add3A_526 = arith.constant 1 : i32
      %add3A_527 = arith.addi %mul3A_525, %add3A_526 : i32
      %mul3A_528 = arith.constant 32 : i32
      %mul3A_529 = arith.muli %add3A_527, %mul3A_528 : i32
      %mul3A_530 = arith.constant 128 : i32
      %mul3A_531 = arith.muli %mul3A_529, %mul3A_530 : i32
      %add3A_532 = arith.addi %mul3A_523, %mul3A_531 : i32
      %dma_wait3A_533 = arith.constant 1 : i32
      %dma_wait3A_534 = arith.constant 0 : i32
      %dma_wait3A_535 = tpu.memref_slice %arg8[%dma_wait3A_533, %dma_wait3A_534] : memref<4x128xi32, #tpu.memory_space<vmem>> -> memref<1x128xi32, #tpu.memory_space<vmem>>
      %dma_wait3A_536 = tpu.memref_squeeze %dma_wait3A_535 : memref<1x128xi32, #tpu.memory_space<vmem>> -> memref<128xi32, #tpu.memory_space<vmem>>
      %dma_wait3A_537 = tpu.memref_slice %arg3[%add3A_532] : memref<327680xi32, #tpu.memory_space<hbm>> -> memref<128xi32, #tpu.memory_space<hbm>>
      %dma_wait3A_538 = arith.constant 0 : i32
      %dma_wait3A_539 = tpu.memref_slice %arg8[%dma_wait3A_533, %dma_wait3A_538] : memref<4x128xi32, #tpu.memory_space<vmem>> -> memref<1x128xi32, #tpu.memory_space<vmem>>
      %dma_wait3A_540 = tpu.memref_squeeze %dma_wait3A_539 : memref<1x128xi32, #tpu.memory_space<vmem>> -> memref<128xi32, #tpu.memory_space<vmem>>
      %dma_wait3A_541 = tpu.memref_slice %arg3[%add3A_532] : memref<327680xi32, #tpu.memory_space<hbm>> -> memref<128xi32, #tpu.memory_space<hbm>>
      tpu.wait_dma2 semaphore(%arg15 : memref<!tpu.dma_semaphore, #tpu.memory_space<semaphore_mem>>) src(%dma_wait3A_541 : memref<128xi32, #tpu.memory_space<hbm>>) dst(%dma_wait3A_540 : memref<128xi32, #tpu.memory_space<vmem>>)
      %mul3A_542 = arith.constant 128 : i32
      %mul3A_543 = arith.muli %add3A, %mul3A_542 : i32
      %mul3A_544 = arith.constant 4 : i32
      %mul3A_545 = arith.muli %add3A_481, %mul3A_544 : i32
      %add3A_546 = arith.constant 1 : i32
      %add3A_547 = arith.addi %mul3A_545, %add3A_546 : i32
      %mul3A_548 = arith.constant 32 : i32
      %mul3A_549 = arith.muli %add3A_547, %mul3A_548 : i32
      %mul3A_550 = arith.constant 128 : i32
      %mul3A_551 = arith.muli %mul3A_549, %mul3A_550 : i32
      %add3A_552 = arith.addi %mul3A_543, %mul3A_551 : i32
      %dma_wait3A_553 = arith.constant 1 : i32
      %dma_wait3A_554 = arith.constant 0 : i32
      %dma_wait3A_555 = tpu.memref_slice %arg10[%dma_wait3A_553, %dma_wait3A_554] : memref<4x128xi32, #tpu.memory_space<vmem>> -> memref<1x128xi32, #tpu.memory_space<vmem>>
      %dma_wait3A_556 = tpu.memref_squeeze %dma_wait3A_555 : memref<1x128xi32, #tpu.memory_space<vmem>> -> memref<128xi32, #tpu.memory_space<vmem>>
      %dma_wait3A_557 = tpu.memref_slice %arg4[%add3A_552] : memref<327680xi32, #tpu.memory_space<hbm>> -> memref<128xi32, #tpu.memory_space<hbm>>
      %dma_wait3A_558 = arith.constant 0 : i32
      %dma_wait3A_559 = tpu.memref_slice %arg10[%dma_wait3A_553, %dma_wait3A_558] : memref<4x128xi32, #tpu.memory_space<vmem>> -> memref<1x128xi32, #tpu.memory_space<vmem>>
      %dma_wait3A_560 = tpu.memref_squeeze %dma_wait3A_559 : memref<1x128xi32, #tpu.memory_space<vmem>> -> memref<128xi32, #tpu.memory_space<vmem>>
      %dma_wait3A_561 = tpu.memref_slice %arg4[%add3A_552] : memref<327680xi32, #tpu.memory_space<hbm>> -> memref<128xi32, #tpu.memory_space<hbm>>
      tpu.wait_dma2 semaphore(%arg17 : memref<!tpu.dma_semaphore, #tpu.memory_space<semaphore_mem>>) src(%dma_wait3A_561 : memref<128xi32, #tpu.memory_space<hbm>>) dst(%dma_wait3A_560 : memref<128xi32, #tpu.memory_space<vmem>>)
      %mul3A_562 = arith.constant 128 : i32
      %mul3A_563 = arith.muli %add3A, %mul3A_562 : i32
      %mul3A_564 = arith.constant 4 : i32
      %mul3A_565 = arith.muli %add3A_481, %mul3A_564 : i32
      %add3A_566 = arith.constant 2 : i32
      %add3A_567 = arith.addi %mul3A_565, %add3A_566 : i32
      %mul3A_568 = arith.constant 32 : i32
      %mul3A_569 = arith.muli %add3A_567, %mul3A_568 : i32
      %mul3A_570 = arith.constant 128 : i32
      %mul3A_571 = arith.muli %mul3A_569, %mul3A_570 : i32
      %add3A_572 = arith.addi %mul3A_563, %mul3A_571 : i32
      %dma_wait3A_573 = arith.constant 2 : i32
      %dma_wait3A_574 = arith.constant 0 : i32
      %dma_wait3A_575 = tpu.memref_slice %arg8[%dma_wait3A_573, %dma_wait3A_574] : memref<4x128xi32, #tpu.memory_space<vmem>> -> memref<1x128xi32, #tpu.memory_space<vmem>>
      %dma_wait3A_576 = tpu.memref_squeeze %dma_wait3A_575 : memref<1x128xi32, #tpu.memory_space<vmem>> -> memref<128xi32, #tpu.memory_space<vmem>>
      %dma_wait3A_577 = tpu.memref_slice %arg3[%add3A_572] : memref<327680xi32, #tpu.memory_space<hbm>> -> memref<128xi32, #tpu.memory_space<hbm>>
      %dma_wait3A_578 = arith.constant 0 : i32
      %dma_wait3A_579 = tpu.memref_slice %arg8[%dma_wait3A_573, %dma_wait3A_578] : memref<4x128xi32, #tpu.memory_space<vmem>> -> memref<1x128xi32, #tpu.memory_space<vmem>>
      %dma_wait3A_580 = tpu.memref_squeeze %dma_wait3A_579 : memref<1x128xi32, #tpu.memory_space<vmem>> -> memref<128xi32, #tpu.memory_space<vmem>>
      %dma_wait3A_581 = tpu.memref_slice %arg3[%add3A_572] : memref<327680xi32, #tpu.memory_space<hbm>> -> memref<128xi32, #tpu.memory_space<hbm>>
      tpu.wait_dma2 semaphore(%arg15 : memref<!tpu.dma_semaphore, #tpu.memory_space<semaphore_mem>>) src(%dma_wait3A_581 : memref<128xi32, #tpu.memory_space<hbm>>) dst(%dma_wait3A_580 : memref<128xi32, #tpu.memory_space<vmem>>)
      %mul3A_582 = arith.constant 128 : i32
      %mul3A_583 = arith.muli %add3A, %mul3A_582 : i32
      %mul3A_584 = arith.constant 4 : i32
      %mul3A_585 = arith.muli %add3A_481, %mul3A_584 : i32
      %add3A_586 = arith.constant 2 : i32
      %add3A_587 = arith.addi %mul3A_585, %add3A_586 : i32
      %mul3A_588 = arith.constant 32 : i32
      %mul3A_589 = arith.muli %add3A_587, %mul3A_588 : i32
      %mul3A_590 = arith.constant 128 : i32
      %mul3A_591 = arith.muli %mul3A_589, %mul3A_590 : i32
      %add3A_592 = arith.addi %mul3A_583, %mul3A_591 : i32
      %dma_wait3A_593 = arith.constant 2 : i32
      %dma_wait3A_594 = arith.constant 0 : i32
      %dma_wait3A_595 = tpu.memref_slice %arg10[%dma_wait3A_593, %dma_wait3A_594] : memref<4x128xi32, #tpu.memory_space<vmem>> -> memref<1x128xi32, #tpu.memory_space<vmem>>
      %dma_wait3A_596 = tpu.memref_squeeze %dma_wait3A_595 : memref<1x128xi32, #tpu.memory_space<vmem>> -> memref<128xi32, #tpu.memory_space<vmem>>
      %dma_wait3A_597 = tpu.memref_slice %arg4[%add3A_592] : memref<327680xi32, #tpu.memory_space<hbm>> -> memref<128xi32, #tpu.memory_space<hbm>>
      %dma_wait3A_598 = arith.constant 0 : i32
      %dma_wait3A_599 = tpu.memref_slice %arg10[%dma_wait3A_593, %dma_wait3A_598] : memref<4x128xi32, #tpu.memory_space<vmem>> -> memref<1x128xi32, #tpu.memory_space<vmem>>
      %dma_wait3A_600 = tpu.memref_squeeze %dma_wait3A_599 : memref<1x128xi32, #tpu.memory_space<vmem>> -> memref<128xi32, #tpu.memory_space<vmem>>
      %dma_wait3A_601 = tpu.memref_slice %arg4[%add3A_592] : memref<327680xi32, #tpu.memory_space<hbm>> -> memref<128xi32, #tpu.memory_space<hbm>>
      tpu.wait_dma2 semaphore(%arg17 : memref<!tpu.dma_semaphore, #tpu.memory_space<semaphore_mem>>) src(%dma_wait3A_601 : memref<128xi32, #tpu.memory_space<hbm>>) dst(%dma_wait3A_600 : memref<128xi32, #tpu.memory_space<vmem>>)
      %mul3A_602 = arith.constant 128 : i32
      %mul3A_603 = arith.muli %add3A, %mul3A_602 : i32
      %mul3A_604 = arith.constant 4 : i32
      %mul3A_605 = arith.muli %add3A_481, %mul3A_604 : i32
      %add3A_606 = arith.constant 3 : i32
      %add3A_607 = arith.addi %mul3A_605, %add3A_606 : i32
      %mul3A_608 = arith.constant 32 : i32
      %mul3A_609 = arith.muli %add3A_607, %mul3A_608 : i32
      %mul3A_610 = arith.constant 128 : i32
      %mul3A_611 = arith.muli %mul3A_609, %mul3A_610 : i32
      %add3A_612 = arith.addi %mul3A_603, %mul3A_611 : i32
      %dma_wait3A_613 = arith.constant 3 : i32
      %dma_wait3A_614 = arith.constant 0 : i32
      %dma_wait3A_615 = tpu.memref_slice %arg8[%dma_wait3A_613, %dma_wait3A_614] : memref<4x128xi32, #tpu.memory_space<vmem>> -> memref<1x128xi32, #tpu.memory_space<vmem>>
      %dma_wait3A_616 = tpu.memref_squeeze %dma_wait3A_615 : memref<1x128xi32, #tpu.memory_space<vmem>> -> memref<128xi32, #tpu.memory_space<vmem>>
      %dma_wait3A_617 = tpu.memref_slice %arg3[%add3A_612] : memref<327680xi32, #tpu.memory_space<hbm>> -> memref<128xi32, #tpu.memory_space<hbm>>
      %dma_wait3A_618 = arith.constant 0 : i32
      %dma_wait3A_619 = tpu.memref_slice %arg8[%dma_wait3A_613, %dma_wait3A_618] : memref<4x128xi32, #tpu.memory_space<vmem>> -> memref<1x128xi32, #tpu.memory_space<vmem>>
      %dma_wait3A_620 = tpu.memref_squeeze %dma_wait3A_619 : memref<1x128xi32, #tpu.memory_space<vmem>> -> memref<128xi32, #tpu.memory_space<vmem>>
      %dma_wait3A_621 = tpu.memref_slice %arg3[%add3A_612] : memref<327680xi32, #tpu.memory_space<hbm>> -> memref<128xi32, #tpu.memory_space<hbm>>
      tpu.wait_dma2 semaphore(%arg15 : memref<!tpu.dma_semaphore, #tpu.memory_space<semaphore_mem>>) src(%dma_wait3A_621 : memref<128xi32, #tpu.memory_space<hbm>>) dst(%dma_wait3A_620 : memref<128xi32, #tpu.memory_space<vmem>>)
      %mul3A_622 = arith.constant 128 : i32
      %mul3A_623 = arith.muli %add3A, %mul3A_622 : i32
      %mul3A_624 = arith.constant 4 : i32
      %mul3A_625 = arith.muli %add3A_481, %mul3A_624 : i32
      %add3A_626 = arith.constant 3 : i32
      %add3A_627 = arith.addi %mul3A_625, %add3A_626 : i32
      %mul3A_628 = arith.constant 32 : i32
      %mul3A_629 = arith.muli %add3A_627, %mul3A_628 : i32
      %mul3A_630 = arith.constant 128 : i32
      %mul3A_631 = arith.muli %mul3A_629, %mul3A_630 : i32
      %add3A_632 = arith.addi %mul3A_623, %mul3A_631 : i32
      %dma_wait3A_633 = arith.constant 3 : i32
      %dma_wait3A_634 = arith.constant 0 : i32
      %dma_wait3A_635 = tpu.memref_slice %arg10[%dma_wait3A_633, %dma_wait3A_634] : memref<4x128xi32, #tpu.memory_space<vmem>> -> memref<1x128xi32, #tpu.memory_space<vmem>>
      %dma_wait3A_636 = tpu.memref_squeeze %dma_wait3A_635 : memref<1x128xi32, #tpu.memory_space<vmem>> -> memref<128xi32, #tpu.memory_space<vmem>>
      %dma_wait3A_637 = tpu.memref_slice %arg4[%add3A_632] : memref<327680xi32, #tpu.memory_space<hbm>> -> memref<128xi32, #tpu.memory_space<hbm>>
      %dma_wait3A_638 = arith.constant 0 : i32
      %dma_wait3A_639 = tpu.memref_slice %arg10[%dma_wait3A_633, %dma_wait3A_638] : memref<4x128xi32, #tpu.memory_space<vmem>> -> memref<1x128xi32, #tpu.memory_space<vmem>>
      %dma_wait3A_640 = tpu.memref_squeeze %dma_wait3A_639 : memref<1x128xi32, #tpu.memory_space<vmem>> -> memref<128xi32, #tpu.memory_space<vmem>>
      %dma_wait3A_641 = tpu.memref_slice %arg4[%add3A_632] : memref<327680xi32, #tpu.memory_space<hbm>> -> memref<128xi32, #tpu.memory_space<hbm>>
      tpu.wait_dma2 semaphore(%arg17 : memref<!tpu.dma_semaphore, #tpu.memory_space<semaphore_mem>>) src(%dma_wait3A_641 : memref<128xi32, #tpu.memory_space<hbm>>) dst(%dma_wait3A_640 : memref<128xi32, #tpu.memory_space<vmem>>)
      %dma_start3A_642 = arith.constant 0 : i32
      %dma_start3A_643 = arith.constant 0 : i32
      %dma_start3A_644 = arith.constant 0 : i32
      %dma_start3A_645 = tpu.memref_slice %arg11[%dma_start3A_643, %dma_start3A_644] : memref<128x144xf32, #tpu.memory_space<vmem>> -> memref<64x144xf32, #tpu.memory_space<vmem>>
      %dma_start3A_646 = arith.constant 0 : i32
      %dma_start3A_647 = tpu.memref_slice %arg8[%dma_start3A_642, %dma_start3A_646] : memref<4x128xi32, #tpu.memory_space<vmem>> -> memref<1x64xi32, #tpu.memory_space<vmem>>
      %dma_start3A_648 = tpu.memref_squeeze %dma_start3A_647 : memref<1x64xi32, #tpu.memory_space<vmem>> -> memref<64xi32, #tpu.memory_space<vmem>>
      %dma_start3A_649 = arith.constant 0 : i32
      %dma_start3A_650 = arith.constant 0 : i32
      %dma_start3A_651 = tpu.memref_slice %arg2[%dma_start3A_649, %dma_start3A_650] : memref<10000x144xf32, #tpu.memory_space<hbm>> -> memref<10000x144xf32, #tpu.memory_space<hbm>>
      tpu.enqueue_indirect_dma source(%dma_start3A_651 : memref<10000x144xf32, #tpu.memory_space<hbm>>) target(%dma_start3A_645 : memref<64x144xf32, #tpu.memory_space<vmem>>) offsets(%dma_start3A_648 : memref<64xi32, #tpu.memory_space<vmem>>) semaphore(%arg18 : memref<!tpu.dma_semaphore, #tpu.memory_space<semaphore_mem>>)
      %dma_start3A_652 = arith.constant 0 : i32
      %dma_start3A_653 = arith.constant 64 : i32
      %dma_start3A_654 = arith.constant 0 : i32
      %dma_start3A_655 = tpu.memref_slice %arg11[%dma_start3A_653, %dma_start3A_654] : memref<128x144xf32, #tpu.memory_space<vmem>> -> memref<64x144xf32, #tpu.memory_space<vmem>>
      %dma_start3A_656 = arith.constant 64 : i32
      %dma_start3A_657 = tpu.memref_slice %arg8[%dma_start3A_652, %dma_start3A_656] : memref<4x128xi32, #tpu.memory_space<vmem>> -> memref<1x64xi32, #tpu.memory_space<vmem>>
      %dma_start3A_658 = tpu.memref_squeeze %dma_start3A_657 : memref<1x64xi32, #tpu.memory_space<vmem>> -> memref<64xi32, #tpu.memory_space<vmem>>
      %dma_start3A_659 = arith.constant 0 : i32
      %dma_start3A_660 = arith.constant 0 : i32
      %dma_start3A_661 = tpu.memref_slice %arg2[%dma_start3A_659, %dma_start3A_660] : memref<10000x144xf32, #tpu.memory_space<hbm>> -> memref<10000x144xf32, #tpu.memory_space<hbm>>
      tpu.enqueue_indirect_dma source(%dma_start3A_661 : memref<10000x144xf32, #tpu.memory_space<hbm>>) target(%dma_start3A_655 : memref<64x144xf32, #tpu.memory_space<vmem>>) offsets(%dma_start3A_658 : memref<64xi32, #tpu.memory_space<vmem>>) semaphore(%arg20 : memref<!tpu.dma_semaphore, #tpu.memory_space<semaphore_mem>>)
      %dma_wait3A_662 = arith.constant 3 : i32
      %dma_wait3A_663 = arith.constant 0 : i32
      %dma_wait3A_664 = arith.constant 0 : i32
      %dma_wait3A_665 = tpu.memref_slice %arg12[%dma_wait3A_663, %dma_wait3A_664] : memref<128x144xf32, #tpu.memory_space<vmem>> -> memref<64x144xf32, #tpu.memory_space<vmem>>
      %dma_wait3A_666 = arith.constant 0 : i32
      %dma_wait3A_667 = tpu.memref_slice %arg7[%dma_wait3A_662, %dma_wait3A_666] : memref<4x128xi32, #tpu.memory_space<vmem>> -> memref<1x64xi32, #tpu.memory_space<vmem>>
      %dma_wait3A_668 = tpu.memref_squeeze %dma_wait3A_667 : memref<1x64xi32, #tpu.memory_space<vmem>> -> memref<64xi32, #tpu.memory_space<vmem>>
      %dma_wait3A_669 = arith.constant 0 : i32
      %dma_wait3A_670 = arith.constant 0 : i32
      %dma_wait3A_671 = tpu.memref_slice %arg2[%dma_wait3A_669, %dma_wait3A_670] : memref<10000x144xf32, #tpu.memory_space<hbm>> -> memref<10000x144xf32, #tpu.memory_space<hbm>>
      tpu.wait_indirect_dma semaphore(%arg19 : memref<!tpu.dma_semaphore, #tpu.memory_space<semaphore_mem>>) src(%dma_wait3A_671 : memref<10000x144xf32, #tpu.memory_space<hbm>>) dst(%dma_wait3A_665 : memref<64x144xf32, #tpu.memory_space<vmem>>)
      %dma_wait3A_672 = arith.constant 3 : i32
      %dma_wait3A_673 = arith.constant 64 : i32
      %dma_wait3A_674 = arith.constant 0 : i32
      %dma_wait3A_675 = tpu.memref_slice %arg12[%dma_wait3A_673, %dma_wait3A_674] : memref<128x144xf32, #tpu.memory_space<vmem>> -> memref<64x144xf32, #tpu.memory_space<vmem>>
      %dma_wait3A_676 = arith.constant 64 : i32
      %dma_wait3A_677 = tpu.memref_slice %arg7[%dma_wait3A_672, %dma_wait3A_676] : memref<4x128xi32, #tpu.memory_space<vmem>> -> memref<1x64xi32, #tpu.memory_space<vmem>>
      %dma_wait3A_678 = tpu.memref_squeeze %dma_wait3A_677 : memref<1x64xi32, #tpu.memory_space<vmem>> -> memref<64xi32, #tpu.memory_space<vmem>>
      %dma_wait3A_679 = arith.constant 0 : i32
      %dma_wait3A_680 = arith.constant 0 : i32
      %dma_wait3A_681 = tpu.memref_slice %arg2[%dma_wait3A_679, %dma_wait3A_680] : memref<10000x144xf32, #tpu.memory_space<hbm>> -> memref<10000x144xf32, #tpu.memory_space<hbm>>
      tpu.wait_indirect_dma semaphore(%arg21 : memref<!tpu.dma_semaphore, #tpu.memory_space<semaphore_mem>>) src(%dma_wait3A_681 : memref<10000x144xf32, #tpu.memory_space<hbm>>) dst(%dma_wait3A_675 : memref<64x144xf32, #tpu.memory_space<vmem>>)
      %run_scoped3A_682 = arith.constant 3 : i32
      "tpu.region"() ({
        %run_scoped3A_855 = tpu.sem_alloc : memref<!tpu.dma_semaphore, #tpu.memory_space<semaphore_mem>>
        %dma_start3A_856 = arith.constant 0 : i32
        %dma_start3A_857 = tpu.memref_slice %arg9[%run_scoped3A_682, %dma_start3A_856] : memref<4x128xi32, #tpu.memory_space<vmem>> -> memref<1x128xi32, #tpu.memory_space<vmem>>
        %dma_start3A_858 = tpu.memref_squeeze %dma_start3A_857 : memref<1x128xi32, #tpu.memory_space<vmem>> -> memref<128xi32, #tpu.memory_space<vmem>>
        %dma_start3A_859 = arith.constant 0 : i32
        %dma_start3A_860 = arith.constant 0 : i32
        %dma_start3A_861 = tpu.memref_slice %arg13[%dma_start3A_859, %dma_start3A_860] : memref<10120x144xf32, #tpu.memory_space<vmem_shared>> -> memref<10120x144xf32, #tpu.memory_space<vmem_shared>>
        tpu.enqueue_indirect_dma source(%arg12 : memref<128x144xf32, #tpu.memory_space<vmem>>) target(%dma_start3A_861 : memref<10120x144xf32, #tpu.memory_space<vmem_shared>>) offsets(%dma_start3A_858 : memref<128xi32, #tpu.memory_space<vmem>>) semaphore(%run_scoped3A_855 : memref<!tpu.dma_semaphore, #tpu.memory_space<semaphore_mem>>) {add = true}
        %dma_wait3A_862 = arith.constant 0 : i32
        %dma_wait3A_863 = tpu.memref_slice %arg9[%run_scoped3A_682, %dma_wait3A_862] : memref<4x128xi32, #tpu.memory_space<vmem>> -> memref<1x128xi32, #tpu.memory_space<vmem>>
        %dma_wait3A_864 = tpu.memref_squeeze %dma_wait3A_863 : memref<1x128xi32, #tpu.memory_space<vmem>> -> memref<128xi32, #tpu.memory_space<vmem>>
        %dma_wait3A_865 = arith.constant 0 : i32
        %dma_wait3A_866 = arith.constant 0 : i32
        %dma_wait3A_867 = tpu.memref_slice %arg13[%dma_wait3A_865, %dma_wait3A_866] : memref<10120x144xf32, #tpu.memory_space<vmem_shared>> -> memref<10120x144xf32, #tpu.memory_space<vmem_shared>>
        tpu.wait_indirect_dma semaphore(%run_scoped3A_855 : memref<!tpu.dma_semaphore, #tpu.memory_space<semaphore_mem>>) src(%arg12 : memref<128x144xf32, #tpu.memory_space<vmem>>) dst(%dma_wait3A_867 : memref<10120x144xf32, #tpu.memory_space<vmem_shared>>)
        tpu.yield
      }) : () -> ()
      %mul3A_683 = arith.constant 2 : i32
      %mul3A_684 = arith.muli %mul3A_683, %scan3A_367 : i32
      %add3A_685 = arith.constant 1 : i32
      %add3A_686 = arith.addi %mul3A_684, %add3A_685 : i32
      %add3A_687 = arith.constant 1 : i32
      %add3A_688 = arith.addi %add3A_686, %add3A_687 : i32
      %lt3A = arith.constant 20 : i32
      %lt3A_689 = arith.cmpi slt, %add3A_688, %lt3A : i32
      %convert_element_type3A_690 = arith.extui %lt3A_689 : i1 to i32
      %cond3A_691 = arith.constant 0 : i32
      %cond3A_692 = arith.cmpi ne, %convert_element_type3A_690, %cond3A_691 : i32
      scf.if %cond3A_692 {
        %add3A_855 = arith.constant 1 : i32
        %add3A_856 = arith.addi %add3A_686, %add3A_855 : i32
        %mul3A_857 = arith.constant 128 : i32
        %mul3A_858 = arith.muli %add3A, %mul3A_857 : i32
        %mul3A_859 = arith.constant 4 : i32
        %mul3A_860 = arith.muli %add3A_856, %mul3A_859 : i32
        %add3A_861 = arith.constant 0 : i32
        %add3A_862 = arith.addi %mul3A_860, %add3A_861 : i32
        %mul3A_863 = arith.constant 32 : i32
        %mul3A_864 = arith.muli %add3A_862, %mul3A_863 : i32
        %mul3A_865 = arith.constant 128 : i32
        %mul3A_866 = arith.muli %mul3A_864, %mul3A_865 : i32
        %add3A_867 = arith.addi %mul3A_858, %mul3A_866 : i32
        %dma_start3A_868 = arith.constant 0 : i32
        %dma_start3A_869 = arith.constant 0 : i32
        %dma_start3A_870 = tpu.memref_slice %arg7[%dma_start3A_868, %dma_start3A_869] : memref<4x128xi32, #tpu.memory_space<vmem>> -> memref<1x128xi32, #tpu.memory_space<vmem>>
        %dma_start3A_871 = tpu.memref_squeeze %dma_start3A_870 : memref<1x128xi32, #tpu.memory_space<vmem>> -> memref<128xi32, #tpu.memory_space<vmem>>
        %dma_start3A_872 = tpu.memref_slice %arg3[%add3A_867] : memref<327680xi32, #tpu.memory_space<hbm>> -> memref<128xi32, #tpu.memory_space<hbm>>
        %dma_start3A_873 = arith.constant 0 : i32
        %dma_start3A_874 = tpu.memref_slice %arg7[%dma_start3A_868, %dma_start3A_873] : memref<4x128xi32, #tpu.memory_space<vmem>> -> memref<1x128xi32, #tpu.memory_space<vmem>>
        %dma_start3A_875 = tpu.memref_squeeze %dma_start3A_874 : memref<1x128xi32, #tpu.memory_space<vmem>> -> memref<128xi32, #tpu.memory_space<vmem>>
        %dma_start3A_876 = tpu.memref_slice %arg3[%add3A_867] : memref<327680xi32, #tpu.memory_space<hbm>> -> memref<128xi32, #tpu.memory_space<hbm>>
        tpu.enqueue_dma source(%dma_start3A_876 : memref<128xi32, #tpu.memory_space<hbm>>) target(%dma_start3A_875 : memref<128xi32, #tpu.memory_space<vmem>>) target_semaphore(%arg14 : memref<!tpu.dma_semaphore, #tpu.memory_space<semaphore_mem>>)
        %mul3A_877 = arith.constant 128 : i32
        %mul3A_878 = arith.muli %add3A, %mul3A_877 : i32
        %mul3A_879 = arith.constant 4 : i32
        %mul3A_880 = arith.muli %add3A_856, %mul3A_879 : i32
        %add3A_881 = arith.constant 0 : i32
        %add3A_882 = arith.addi %mul3A_880, %add3A_881 : i32
        %mul3A_883 = arith.constant 32 : i32
        %mul3A_884 = arith.muli %add3A_882, %mul3A_883 : i32
        %mul3A_885 = arith.constant 128 : i32
        %mul3A_886 = arith.muli %mul3A_884, %mul3A_885 : i32
        %add3A_887 = arith.addi %mul3A_878, %mul3A_886 : i32
        %dma_start3A_888 = arith.constant 0 : i32
        %dma_start3A_889 = arith.constant 0 : i32
        %dma_start3A_890 = tpu.memref_slice %arg9[%dma_start3A_888, %dma_start3A_889] : memref<4x128xi32, #tpu.memory_space<vmem>> -> memref<1x128xi32, #tpu.memory_space<vmem>>
        %dma_start3A_891 = tpu.memref_squeeze %dma_start3A_890 : memref<1x128xi32, #tpu.memory_space<vmem>> -> memref<128xi32, #tpu.memory_space<vmem>>
        %dma_start3A_892 = tpu.memref_slice %arg4[%add3A_887] : memref<327680xi32, #tpu.memory_space<hbm>> -> memref<128xi32, #tpu.memory_space<hbm>>
        %dma_start3A_893 = arith.constant 0 : i32
        %dma_start3A_894 = tpu.memref_slice %arg9[%dma_start3A_888, %dma_start3A_893] : memref<4x128xi32, #tpu.memory_space<vmem>> -> memref<1x128xi32, #tpu.memory_space<vmem>>
        %dma_start3A_895 = tpu.memref_squeeze %dma_start3A_894 : memref<1x128xi32, #tpu.memory_space<vmem>> -> memref<128xi32, #tpu.memory_space<vmem>>
        %dma_start3A_896 = tpu.memref_slice %arg4[%add3A_887] : memref<327680xi32, #tpu.memory_space<hbm>> -> memref<128xi32, #tpu.memory_space<hbm>>
        tpu.enqueue_dma source(%dma_start3A_896 : memref<128xi32, #tpu.memory_space<hbm>>) target(%dma_start3A_895 : memref<128xi32, #tpu.memory_space<vmem>>) target_semaphore(%arg16 : memref<!tpu.dma_semaphore, #tpu.memory_space<semaphore_mem>>)
        %mul3A_897 = arith.constant 128 : i32
        %mul3A_898 = arith.muli %add3A, %mul3A_897 : i32
        %mul3A_899 = arith.constant 4 : i32
        %mul3A_900 = arith.muli %add3A_856, %mul3A_899 : i32
        %add3A_901 = arith.constant 1 : i32
        %add3A_902 = arith.addi %mul3A_900, %add3A_901 : i32
        %mul3A_903 = arith.constant 32 : i32
        %mul3A_904 = arith.muli %add3A_902, %mul3A_903 : i32
        %mul3A_905 = arith.constant 128 : i32
        %mul3A_906 = arith.muli %mul3A_904, %mul3A_905 : i32
        %add3A_907 = arith.addi %mul3A_898, %mul3A_906 : i32
        %dma_start3A_908 = arith.constant 1 : i32
        %dma_start3A_909 = arith.constant 0 : i32
        %dma_start3A_910 = tpu.memref_slice %arg7[%dma_start3A_908, %dma_start3A_909] : memref<4x128xi32, #tpu.memory_space<vmem>> -> memref<1x128xi32, #tpu.memory_space<vmem>>
        %dma_start3A_911 = tpu.memref_squeeze %dma_start3A_910 : memref<1x128xi32, #tpu.memory_space<vmem>> -> memref<128xi32, #tpu.memory_space<vmem>>
        %dma_start3A_912 = tpu.memref_slice %arg3[%add3A_907] : memref<327680xi32, #tpu.memory_space<hbm>> -> memref<128xi32, #tpu.memory_space<hbm>>
        %dma_start3A_913 = arith.constant 0 : i32
        %dma_start3A_914 = tpu.memref_slice %arg7[%dma_start3A_908, %dma_start3A_913] : memref<4x128xi32, #tpu.memory_space<vmem>> -> memref<1x128xi32, #tpu.memory_space<vmem>>
        %dma_start3A_915 = tpu.memref_squeeze %dma_start3A_914 : memref<1x128xi32, #tpu.memory_space<vmem>> -> memref<128xi32, #tpu.memory_space<vmem>>
        %dma_start3A_916 = tpu.memref_slice %arg3[%add3A_907] : memref<327680xi32, #tpu.memory_space<hbm>> -> memref<128xi32, #tpu.memory_space<hbm>>
        tpu.enqueue_dma source(%dma_start3A_916 : memref<128xi32, #tpu.memory_space<hbm>>) target(%dma_start3A_915 : memref<128xi32, #tpu.memory_space<vmem>>) target_semaphore(%arg14 : memref<!tpu.dma_semaphore, #tpu.memory_space<semaphore_mem>>)
        %mul3A_917 = arith.constant 128 : i32
        %mul3A_918 = arith.muli %add3A, %mul3A_917 : i32
        %mul3A_919 = arith.constant 4 : i32
        %mul3A_920 = arith.muli %add3A_856, %mul3A_919 : i32
        %add3A_921 = arith.constant 1 : i32
        %add3A_922 = arith.addi %mul3A_920, %add3A_921 : i32
        %mul3A_923 = arith.constant 32 : i32
        %mul3A_924 = arith.muli %add3A_922, %mul3A_923 : i32
        %mul3A_925 = arith.constant 128 : i32
        %mul3A_926 = arith.muli %mul3A_924, %mul3A_925 : i32
        %add3A_927 = arith.addi %mul3A_918, %mul3A_926 : i32
        %dma_start3A_928 = arith.constant 1 : i32
        %dma_start3A_929 = arith.constant 0 : i32
        %dma_start3A_930 = tpu.memref_slice %arg9[%dma_start3A_928, %dma_start3A_929] : memref<4x128xi32, #tpu.memory_space<vmem>> -> memref<1x128xi32, #tpu.memory_space<vmem>>
        %dma_start3A_931 = tpu.memref_squeeze %dma_start3A_930 : memref<1x128xi32, #tpu.memory_space<vmem>> -> memref<128xi32, #tpu.memory_space<vmem>>
        %dma_start3A_932 = tpu.memref_slice %arg4[%add3A_927] : memref<327680xi32, #tpu.memory_space<hbm>> -> memref<128xi32, #tpu.memory_space<hbm>>
        %dma_start3A_933 = arith.constant 0 : i32
        %dma_start3A_934 = tpu.memref_slice %arg9[%dma_start3A_928, %dma_start3A_933] : memref<4x128xi32, #tpu.memory_space<vmem>> -> memref<1x128xi32, #tpu.memory_space<vmem>>
        %dma_start3A_935 = tpu.memref_squeeze %dma_start3A_934 : memref<1x128xi32, #tpu.memory_space<vmem>> -> memref<128xi32, #tpu.memory_space<vmem>>
        %dma_start3A_936 = tpu.memref_slice %arg4[%add3A_927] : memref<327680xi32, #tpu.memory_space<hbm>> -> memref<128xi32, #tpu.memory_space<hbm>>
        tpu.enqueue_dma source(%dma_start3A_936 : memref<128xi32, #tpu.memory_space<hbm>>) target(%dma_start3A_935 : memref<128xi32, #tpu.memory_space<vmem>>) target_semaphore(%arg16 : memref<!tpu.dma_semaphore, #tpu.memory_space<semaphore_mem>>)
        %mul3A_937 = arith.constant 128 : i32
        %mul3A_938 = arith.muli %add3A, %mul3A_937 : i32
        %mul3A_939 = arith.constant 4 : i32
        %mul3A_940 = arith.muli %add3A_856, %mul3A_939 : i32
        %add3A_941 = arith.constant 2 : i32
        %add3A_942 = arith.addi %mul3A_940, %add3A_941 : i32
        %mul3A_943 = arith.constant 32 : i32
        %mul3A_944 = arith.muli %add3A_942, %mul3A_943 : i32
        %mul3A_945 = arith.constant 128 : i32
        %mul3A_946 = arith.muli %mul3A_944, %mul3A_945 : i32
        %add3A_947 = arith.addi %mul3A_938, %mul3A_946 : i32
        %dma_start3A_948 = arith.constant 2 : i32
        %dma_start3A_949 = arith.constant 0 : i32
        %dma_start3A_950 = tpu.memref_slice %arg7[%dma_start3A_948, %dma_start3A_949] : memref<4x128xi32, #tpu.memory_space<vmem>> -> memref<1x128xi32, #tpu.memory_space<vmem>>
        %dma_start3A_951 = tpu.memref_squeeze %dma_start3A_950 : memref<1x128xi32, #tpu.memory_space<vmem>> -> memref<128xi32, #tpu.memory_space<vmem>>
        %dma_start3A_952 = tpu.memref_slice %arg3[%add3A_947] : memref<327680xi32, #tpu.memory_space<hbm>> -> memref<128xi32, #tpu.memory_space<hbm>>
        %dma_start3A_953 = arith.constant 0 : i32
        %dma_start3A_954 = tpu.memref_slice %arg7[%dma_start3A_948, %dma_start3A_953] : memref<4x128xi32, #tpu.memory_space<vmem>> -> memref<1x128xi32, #tpu.memory_space<vmem>>
        %dma_start3A_955 = tpu.memref_squeeze %dma_start3A_954 : memref<1x128xi32, #tpu.memory_space<vmem>> -> memref<128xi32, #tpu.memory_space<vmem>>
        %dma_start3A_956 = tpu.memref_slice %arg3[%add3A_947] : memref<327680xi32, #tpu.memory_space<hbm>> -> memref<128xi32, #tpu.memory_space<hbm>>
        tpu.enqueue_dma source(%dma_start3A_956 : memref<128xi32, #tpu.memory_space<hbm>>) target(%dma_start3A_955 : memref<128xi32, #tpu.memory_space<vmem>>) target_semaphore(%arg14 : memref<!tpu.dma_semaphore, #tpu.memory_space<semaphore_mem>>)
        %mul3A_957 = arith.constant 128 : i32
        %mul3A_958 = arith.muli %add3A, %mul3A_957 : i32
        %mul3A_959 = arith.constant 4 : i32
        %mul3A_960 = arith.muli %add3A_856, %mul3A_959 : i32
        %add3A_961 = arith.constant 2 : i32
        %add3A_962 = arith.addi %mul3A_960, %add3A_961 : i32
        %mul3A_963 = arith.constant 32 : i32
        %mul3A_964 = arith.muli %add3A_962, %mul3A_963 : i32
        %mul3A_965 = arith.constant 128 : i32
        %mul3A_966 = arith.muli %mul3A_964, %mul3A_965 : i32
        %add3A_967 = arith.addi %mul3A_958, %mul3A_966 : i32
        %dma_start3A_968 = arith.constant 2 : i32
        %dma_start3A_969 = arith.constant 0 : i32
        %dma_start3A_970 = tpu.memref_slice %arg9[%dma_start3A_968, %dma_start3A_969] : memref<4x128xi32, #tpu.memory_space<vmem>> -> memref<1x128xi32, #tpu.memory_space<vmem>>
        %dma_start3A_971 = tpu.memref_squeeze %dma_start3A_970 : memref<1x128xi32, #tpu.memory_space<vmem>> -> memref<128xi32, #tpu.memory_space<vmem>>
        %dma_start3A_972 = tpu.memref_slice %arg4[%add3A_967] : memref<327680xi32, #tpu.memory_space<hbm>> -> memref<128xi32, #tpu.memory_space<hbm>>
        %dma_start3A_973 = arith.constant 0 : i32
        %dma_start3A_974 = tpu.memref_slice %arg9[%dma_start3A_968, %dma_start3A_973] : memref<4x128xi32, #tpu.memory_space<vmem>> -> memref<1x128xi32, #tpu.memory_space<vmem>>
        %dma_start3A_975 = tpu.memref_squeeze %dma_start3A_974 : memref<1x128xi32, #tpu.memory_space<vmem>> -> memref<128xi32, #tpu.memory_space<vmem>>
        %dma_start3A_976 = tpu.memref_slice %arg4[%add3A_967] : memref<327680xi32, #tpu.memory_space<hbm>> -> memref<128xi32, #tpu.memory_space<hbm>>
        tpu.enqueue_dma source(%dma_start3A_976 : memref<128xi32, #tpu.memory_space<hbm>>) target(%dma_start3A_975 : memref<128xi32, #tpu.memory_space<vmem>>) target_semaphore(%arg16 : memref<!tpu.dma_semaphore, #tpu.memory_space<semaphore_mem>>)
        %mul3A_977 = arith.constant 128 : i32
        %mul3A_978 = arith.muli %add3A, %mul3A_977 : i32
        %mul3A_979 = arith.constant 4 : i32
        %mul3A_980 = arith.muli %add3A_856, %mul3A_979 : i32
        %add3A_981 = arith.constant 3 : i32
        %add3A_982 = arith.addi %mul3A_980, %add3A_981 : i32
        %mul3A_983 = arith.constant 32 : i32
        %mul3A_984 = arith.muli %add3A_982, %mul3A_983 : i32
        %mul3A_985 = arith.constant 128 : i32
        %mul3A_986 = arith.muli %mul3A_984, %mul3A_985 : i32
        %add3A_987 = arith.addi %mul3A_978, %mul3A_986 : i32
        %dma_start3A_988 = arith.constant 3 : i32
        %dma_start3A_989 = arith.constant 0 : i32
        %dma_start3A_990 = tpu.memref_slice %arg7[%dma_start3A_988, %dma_start3A_989] : memref<4x128xi32, #tpu.memory_space<vmem>> -> memref<1x128xi32, #tpu.memory_space<vmem>>
        %dma_start3A_991 = tpu.memref_squeeze %dma_start3A_990 : memref<1x128xi32, #tpu.memory_space<vmem>> -> memref<128xi32, #tpu.memory_space<vmem>>
        %dma_start3A_992 = tpu.memref_slice %arg3[%add3A_987] : memref<327680xi32, #tpu.memory_space<hbm>> -> memref<128xi32, #tpu.memory_space<hbm>>
        %dma_start3A_993 = arith.constant 0 : i32
        %dma_start3A_994 = tpu.memref_slice %arg7[%dma_start3A_988, %dma_start3A_993] : memref<4x128xi32, #tpu.memory_space<vmem>> -> memref<1x128xi32, #tpu.memory_space<vmem>>
        %dma_start3A_995 = tpu.memref_squeeze %dma_start3A_994 : memref<1x128xi32, #tpu.memory_space<vmem>> -> memref<128xi32, #tpu.memory_space<vmem>>
        %dma_start3A_996 = tpu.memref_slice %arg3[%add3A_987] : memref<327680xi32, #tpu.memory_space<hbm>> -> memref<128xi32, #tpu.memory_space<hbm>>
        tpu.enqueue_dma source(%dma_start3A_996 : memref<128xi32, #tpu.memory_space<hbm>>) target(%dma_start3A_995 : memref<128xi32, #tpu.memory_space<vmem>>) target_semaphore(%arg14 : memref<!tpu.dma_semaphore, #tpu.memory_space<semaphore_mem>>)
        %mul3A_997 = arith.constant 128 : i32
        %mul3A_998 = arith.muli %add3A, %mul3A_997 : i32
        %mul3A_999 = arith.constant 4 : i32
        %mul3A_1000 = arith.muli %add3A_856, %mul3A_999 : i32
        %add3A_1001 = arith.constant 3 : i32
        %add3A_1002 = arith.addi %mul3A_1000, %add3A_1001 : i32
        %mul3A_1003 = arith.constant 32 : i32
        %mul3A_1004 = arith.muli %add3A_1002, %mul3A_1003 : i32
        %mul3A_1005 = arith.constant 128 : i32
        %mul3A_1006 = arith.muli %mul3A_1004, %mul3A_1005 : i32
        %add3A_1007 = arith.addi %mul3A_998, %mul3A_1006 : i32
        %dma_start3A_1008 = arith.constant 3 : i32
        %dma_start3A_1009 = arith.constant 0 : i32
        %dma_start3A_1010 = tpu.memref_slice %arg9[%dma_start3A_1008, %dma_start3A_1009] : memref<4x128xi32, #tpu.memory_space<vmem>> -> memref<1x128xi32, #tpu.memory_space<vmem>>
        %dma_start3A_1011 = tpu.memref_squeeze %dma_start3A_1010 : memref<1x128xi32, #tpu.memory_space<vmem>> -> memref<128xi32, #tpu.memory_space<vmem>>
        %dma_start3A_1012 = tpu.memref_slice %arg4[%add3A_1007] : memref<327680xi32, #tpu.memory_space<hbm>> -> memref<128xi32, #tpu.memory_space<hbm>>
        %dma_start3A_1013 = arith.constant 0 : i32
        %dma_start3A_1014 = tpu.memref_slice %arg9[%dma_start3A_1008, %dma_start3A_1013] : memref<4x128xi32, #tpu.memory_space<vmem>> -> memref<1x128xi32, #tpu.memory_space<vmem>>
        %dma_start3A_1015 = tpu.memref_squeeze %dma_start3A_1014 : memref<1x128xi32, #tpu.memory_space<vmem>> -> memref<128xi32, #tpu.memory_space<vmem>>
        %dma_start3A_1016 = tpu.memref_slice %arg4[%add3A_1007] : memref<327680xi32, #tpu.memory_space<hbm>> -> memref<128xi32, #tpu.memory_space<hbm>>
        tpu.enqueue_dma source(%dma_start3A_1016 : memref<128xi32, #tpu.memory_space<hbm>>) target(%dma_start3A_1015 : memref<128xi32, #tpu.memory_space<vmem>>) target_semaphore(%arg16 : memref<!tpu.dma_semaphore, #tpu.memory_space<semaphore_mem>>)
      } else {
      }
      %dma_start3A_693 = arith.constant 1 : i32
      %dma_start3A_694 = arith.constant 0 : i32
      %dma_start3A_695 = arith.constant 0 : i32
      %dma_start3A_696 = tpu.memref_slice %arg12[%dma_start3A_694, %dma_start3A_695] : memref<128x144xf32, #tpu.memory_space<vmem>> -> memref<64x144xf32, #tpu.memory_space<vmem>>
      %dma_start3A_697 = arith.constant 0 : i32
      %dma_start3A_698 = tpu.memref_slice %arg8[%dma_start3A_693, %dma_start3A_697] : memref<4x128xi32, #tpu.memory_space<vmem>> -> memref<1x64xi32, #tpu.memory_space<vmem>>
      %dma_start3A_699 = tpu.memref_squeeze %dma_start3A_698 : memref<1x64xi32, #tpu.memory_space<vmem>> -> memref<64xi32, #tpu.memory_space<vmem>>
      %dma_start3A_700 = arith.constant 0 : i32
      %dma_start3A_701 = arith.constant 0 : i32
      %dma_start3A_702 = tpu.memref_slice %arg2[%dma_start3A_700, %dma_start3A_701] : memref<10000x144xf32, #tpu.memory_space<hbm>> -> memref<10000x144xf32, #tpu.memory_space<hbm>>
      tpu.enqueue_indirect_dma source(%dma_start3A_702 : memref<10000x144xf32, #tpu.memory_space<hbm>>) target(%dma_start3A_696 : memref<64x144xf32, #tpu.memory_space<vmem>>) offsets(%dma_start3A_699 : memref<64xi32, #tpu.memory_space<vmem>>) semaphore(%arg19 : memref<!tpu.dma_semaphore, #tpu.memory_space<semaphore_mem>>)
      %dma_start3A_703 = arith.constant 1 : i32
      %dma_start3A_704 = arith.constant 64 : i32
      %dma_start3A_705 = arith.constant 0 : i32
      %dma_start3A_706 = tpu.memref_slice %arg12[%dma_start3A_704, %dma_start3A_705] : memref<128x144xf32, #tpu.memory_space<vmem>> -> memref<64x144xf32, #tpu.memory_space<vmem>>
      %dma_start3A_707 = arith.constant 64 : i32
      %dma_start3A_708 = tpu.memref_slice %arg8[%dma_start3A_703, %dma_start3A_707] : memref<4x128xi32, #tpu.memory_space<vmem>> -> memref<1x64xi32, #tpu.memory_space<vmem>>
      %dma_start3A_709 = tpu.memref_squeeze %dma_start3A_708 : memref<1x64xi32, #tpu.memory_space<vmem>> -> memref<64xi32, #tpu.memory_space<vmem>>
      %dma_start3A_710 = arith.constant 0 : i32
      %dma_start3A_711 = arith.constant 0 : i32
      %dma_start3A_712 = tpu.memref_slice %arg2[%dma_start3A_710, %dma_start3A_711] : memref<10000x144xf32, #tpu.memory_space<hbm>> -> memref<10000x144xf32, #tpu.memory_space<hbm>>
      tpu.enqueue_indirect_dma source(%dma_start3A_712 : memref<10000x144xf32, #tpu.memory_space<hbm>>) target(%dma_start3A_706 : memref<64x144xf32, #tpu.memory_space<vmem>>) offsets(%dma_start3A_709 : memref<64xi32, #tpu.memory_space<vmem>>) semaphore(%arg21 : memref<!tpu.dma_semaphore, #tpu.memory_space<semaphore_mem>>)
      %dma_wait3A_713 = arith.constant 0 : i32
      %dma_wait3A_714 = arith.constant 0 : i32
      %dma_wait3A_715 = arith.constant 0 : i32
      %dma_wait3A_716 = tpu.memref_slice %arg11[%dma_wait3A_714, %dma_wait3A_715] : memref<128x144xf32, #tpu.memory_space<vmem>> -> memref<64x144xf32, #tpu.memory_space<vmem>>
      %dma_wait3A_717 = arith.constant 0 : i32
      %dma_wait3A_718 = tpu.memref_slice %arg8[%dma_wait3A_713, %dma_wait3A_717] : memref<4x128xi32, #tpu.memory_space<vmem>> -> memref<1x64xi32, #tpu.memory_space<vmem>>
      %dma_wait3A_719 = tpu.memref_squeeze %dma_wait3A_718 : memref<1x64xi32, #tpu.memory_space<vmem>> -> memref<64xi32, #tpu.memory_space<vmem>>
      %dma_wait3A_720 = arith.constant 0 : i32
      %dma_wait3A_721 = arith.constant 0 : i32
      %dma_wait3A_722 = tpu.memref_slice %arg2[%dma_wait3A_720, %dma_wait3A_721] : memref<10000x144xf32, #tpu.memory_space<hbm>> -> memref<10000x144xf32, #tpu.memory_space<hbm>>
      tpu.wait_indirect_dma semaphore(%arg18 : memref<!tpu.dma_semaphore, #tpu.memory_space<semaphore_mem>>) src(%dma_wait3A_722 : memref<10000x144xf32, #tpu.memory_space<hbm>>) dst(%dma_wait3A_716 : memref<64x144xf32, #tpu.memory_space<vmem>>)
      %dma_wait3A_723 = arith.constant 0 : i32
      %dma_wait3A_724 = arith.constant 64 : i32
      %dma_wait3A_725 = arith.constant 0 : i32
      %dma_wait3A_726 = tpu.memref_slice %arg11[%dma_wait3A_724, %dma_wait3A_725] : memref<128x144xf32, #tpu.memory_space<vmem>> -> memref<64x144xf32, #tpu.memory_space<vmem>>
      %dma_wait3A_727 = arith.constant 64 : i32
      %dma_wait3A_728 = tpu.memref_slice %arg8[%dma_wait3A_723, %dma_wait3A_727] : memref<4x128xi32, #tpu.memory_space<vmem>> -> memref<1x64xi32, #tpu.memory_space<vmem>>
      %dma_wait3A_729 = tpu.memref_squeeze %dma_wait3A_728 : memref<1x64xi32, #tpu.memory_space<vmem>> -> memref<64xi32, #tpu.memory_space<vmem>>
      %dma_wait3A_730 = arith.constant 0 : i32
      %dma_wait3A_731 = arith.constant 0 : i32
      %dma_wait3A_732 = tpu.memref_slice %arg2[%dma_wait3A_730, %dma_wait3A_731] : memref<10000x144xf32, #tpu.memory_space<hbm>> -> memref<10000x144xf32, #tpu.memory_space<hbm>>
      tpu.wait_indirect_dma semaphore(%arg20 : memref<!tpu.dma_semaphore, #tpu.memory_space<semaphore_mem>>) src(%dma_wait3A_732 : memref<10000x144xf32, #tpu.memory_space<hbm>>) dst(%dma_wait3A_726 : memref<64x144xf32, #tpu.memory_space<vmem>>)
      %run_scoped3A_733 = arith.constant 0 : i32
      "tpu.region"() ({
        %run_scoped3A_855 = tpu.sem_alloc : memref<!tpu.dma_semaphore, #tpu.memory_space<semaphore_mem>>
        %dma_start3A_856 = arith.constant 0 : i32
        %dma_start3A_857 = tpu.memref_slice %arg10[%run_scoped3A_733, %dma_start3A_856] : memref<4x128xi32, #tpu.memory_space<vmem>> -> memref<1x128xi32, #tpu.memory_space<vmem>>
        %dma_start3A_858 = tpu.memref_squeeze %dma_start3A_857 : memref<1x128xi32, #tpu.memory_space<vmem>> -> memref<128xi32, #tpu.memory_space<vmem>>
        %dma_start3A_859 = arith.constant 0 : i32
        %dma_start3A_860 = arith.constant 0 : i32
        %dma_start3A_861 = tpu.memref_slice %arg13[%dma_start3A_859, %dma_start3A_860] : memref<10120x144xf32, #tpu.memory_space<vmem_shared>> -> memref<10120x144xf32, #tpu.memory_space<vmem_shared>>
        tpu.enqueue_indirect_dma source(%arg11 : memref<128x144xf32, #tpu.memory_space<vmem>>) target(%dma_start3A_861 : memref<10120x144xf32, #tpu.memory_space<vmem_shared>>) offsets(%dma_start3A_858 : memref<128xi32, #tpu.memory_space<vmem>>) semaphore(%run_scoped3A_855 : memref<!tpu.dma_semaphore, #tpu.memory_space<semaphore_mem>>) {add = true}
        %dma_wait3A_862 = arith.constant 0 : i32
        %dma_wait3A_863 = tpu.memref_slice %arg10[%run_scoped3A_733, %dma_wait3A_862] : memref<4x128xi32, #tpu.memory_space<vmem>> -> memref<1x128xi32, #tpu.memory_space<vmem>>
        %dma_wait3A_864 = tpu.memref_squeeze %dma_wait3A_863 : memref<1x128xi32, #tpu.memory_space<vmem>> -> memref<128xi32, #tpu.memory_space<vmem>>
        %dma_wait3A_865 = arith.constant 0 : i32
        %dma_wait3A_866 = arith.constant 0 : i32
        %dma_wait3A_867 = tpu.memref_slice %arg13[%dma_wait3A_865, %dma_wait3A_866] : memref<10120x144xf32, #tpu.memory_space<vmem_shared>> -> memref<10120x144xf32, #tpu.memory_space<vmem_shared>>
        tpu.wait_indirect_dma semaphore(%run_scoped3A_855 : memref<!tpu.dma_semaphore, #tpu.memory_space<semaphore_mem>>) src(%arg11 : memref<128x144xf32, #tpu.memory_space<vmem>>) dst(%dma_wait3A_867 : memref<10120x144xf32, #tpu.memory_space<vmem_shared>>)
        tpu.yield
      }) : () -> ()
      %mul3A_734 = arith.constant 2 : i32
      %mul3A_735 = arith.muli %mul3A_734, %scan3A_367 : i32
      %add3A_736 = arith.constant 1 : i32
      %add3A_737 = arith.addi %mul3A_735, %add3A_736 : i32
      %dma_start3A_738 = arith.constant 2 : i32
      %dma_start3A_739 = arith.constant 0 : i32
      %dma_start3A_740 = arith.constant 0 : i32
      %dma_start3A_741 = tpu.memref_slice %arg11[%dma_start3A_739, %dma_start3A_740] : memref<128x144xf32, #tpu.memory_space<vmem>> -> memref<64x144xf32, #tpu.memory_space<vmem>>
      %dma_start3A_742 = arith.constant 0 : i32
      %dma_start3A_743 = tpu.memref_slice %arg8[%dma_start3A_738, %dma_start3A_742] : memref<4x128xi32, #tpu.memory_space<vmem>> -> memref<1x64xi32, #tpu.memory_space<vmem>>
      %dma_start3A_744 = tpu.memref_squeeze %dma_start3A_743 : memref<1x64xi32, #tpu.memory_space<vmem>> -> memref<64xi32, #tpu.memory_space<vmem>>
      %dma_start3A_745 = arith.constant 0 : i32
      %dma_start3A_746 = arith.constant 0 : i32
      %dma_start3A_747 = tpu.memref_slice %arg2[%dma_start3A_745, %dma_start3A_746] : memref<10000x144xf32, #tpu.memory_space<hbm>> -> memref<10000x144xf32, #tpu.memory_space<hbm>>
      tpu.enqueue_indirect_dma source(%dma_start3A_747 : memref<10000x144xf32, #tpu.memory_space<hbm>>) target(%dma_start3A_741 : memref<64x144xf32, #tpu.memory_space<vmem>>) offsets(%dma_start3A_744 : memref<64xi32, #tpu.memory_space<vmem>>) semaphore(%arg18 : memref<!tpu.dma_semaphore, #tpu.memory_space<semaphore_mem>>)
      %dma_start3A_748 = arith.constant 2 : i32
      %dma_start3A_749 = arith.constant 64 : i32
      %dma_start3A_750 = arith.constant 0 : i32
      %dma_start3A_751 = tpu.memref_slice %arg11[%dma_start3A_749, %dma_start3A_750] : memref<128x144xf32, #tpu.memory_space<vmem>> -> memref<64x144xf32, #tpu.memory_space<vmem>>
      %dma_start3A_752 = arith.constant 64 : i32
      %dma_start3A_753 = tpu.memref_slice %arg8[%dma_start3A_748, %dma_start3A_752] : memref<4x128xi32, #tpu.memory_space<vmem>> -> memref<1x64xi32, #tpu.memory_space<vmem>>
      %dma_start3A_754 = tpu.memref_squeeze %dma_start3A_753 : memref<1x64xi32, #tpu.memory_space<vmem>> -> memref<64xi32, #tpu.memory_space<vmem>>
      %dma_start3A_755 = arith.constant 0 : i32
      %dma_start3A_756 = arith.constant 0 : i32
      %dma_start3A_757 = tpu.memref_slice %arg2[%dma_start3A_755, %dma_start3A_756] : memref<10000x144xf32, #tpu.memory_space<hbm>> -> memref<10000x144xf32, #tpu.memory_space<hbm>>
      tpu.enqueue_indirect_dma source(%dma_start3A_757 : memref<10000x144xf32, #tpu.memory_space<hbm>>) target(%dma_start3A_751 : memref<64x144xf32, #tpu.memory_space<vmem>>) offsets(%dma_start3A_754 : memref<64xi32, #tpu.memory_space<vmem>>) semaphore(%arg20 : memref<!tpu.dma_semaphore, #tpu.memory_space<semaphore_mem>>)
      %dma_wait3A_758 = arith.constant 1 : i32
      %dma_wait3A_759 = arith.constant 0 : i32
      %dma_wait3A_760 = arith.constant 0 : i32
      %dma_wait3A_761 = tpu.memref_slice %arg12[%dma_wait3A_759, %dma_wait3A_760] : memref<128x144xf32, #tpu.memory_space<vmem>> -> memref<64x144xf32, #tpu.memory_space<vmem>>
      %dma_wait3A_762 = arith.constant 0 : i32
      %dma_wait3A_763 = tpu.memref_slice %arg8[%dma_wait3A_758, %dma_wait3A_762] : memref<4x128xi32, #tpu.memory_space<vmem>> -> memref<1x64xi32, #tpu.memory_space<vmem>>
      %dma_wait3A_764 = tpu.memref_squeeze %dma_wait3A_763 : memref<1x64xi32, #tpu.memory_space<vmem>> -> memref<64xi32, #tpu.memory_space<vmem>>
      %dma_wait3A_765 = arith.constant 0 : i32
      %dma_wait3A_766 = arith.constant 0 : i32
      %dma_wait3A_767 = tpu.memref_slice %arg2[%dma_wait3A_765, %dma_wait3A_766] : memref<10000x144xf32, #tpu.memory_space<hbm>> -> memref<10000x144xf32, #tpu.memory_space<hbm>>
      tpu.wait_indirect_dma semaphore(%arg19 : memref<!tpu.dma_semaphore, #tpu.memory_space<semaphore_mem>>) src(%dma_wait3A_767 : memref<10000x144xf32, #tpu.memory_space<hbm>>) dst(%dma_wait3A_761 : memref<64x144xf32, #tpu.memory_space<vmem>>)
      %dma_wait3A_768 = arith.constant 1 : i32
      %dma_wait3A_769 = arith.constant 64 : i32
      %dma_wait3A_770 = arith.constant 0 : i32
      %dma_wait3A_771 = tpu.memref_slice %arg12[%dma_wait3A_769, %dma_wait3A_770] : memref<128x144xf32, #tpu.memory_space<vmem>> -> memref<64x144xf32, #tpu.memory_space<vmem>>
      %dma_wait3A_772 = arith.constant 64 : i32
      %dma_wait3A_773 = tpu.memref_slice %arg8[%dma_wait3A_768, %dma_wait3A_772] : memref<4x128xi32, #tpu.memory_space<vmem>> -> memref<1x64xi32, #tpu.memory_space<vmem>>
      %dma_wait3A_774 = tpu.memref_squeeze %dma_wait3A_773 : memref<1x64xi32, #tpu.memory_space<vmem>> -> memref<64xi32, #tpu.memory_space<vmem>>
      %dma_wait3A_775 = arith.constant 0 : i32
      %dma_wait3A_776 = arith.constant 0 : i32
      %dma_wait3A_777 = tpu.memref_slice %arg2[%dma_wait3A_775, %dma_wait3A_776] : memref<10000x144xf32, #tpu.memory_space<hbm>> -> memref<10000x144xf32, #tpu.memory_space<hbm>>
      tpu.wait_indirect_dma semaphore(%arg21 : memref<!tpu.dma_semaphore, #tpu.memory_space<semaphore_mem>>) src(%dma_wait3A_777 : memref<10000x144xf32, #tpu.memory_space<hbm>>) dst(%dma_wait3A_771 : memref<64x144xf32, #tpu.memory_space<vmem>>)
      %run_scoped3A_778 = arith.constant 1 : i32
      "tpu.region"() ({
        %run_scoped3A_855 = tpu.sem_alloc : memref<!tpu.dma_semaphore, #tpu.memory_space<semaphore_mem>>
        %dma_start3A_856 = arith.constant 0 : i32
        %dma_start3A_857 = tpu.memref_slice %arg10[%run_scoped3A_778, %dma_start3A_856] : memref<4x128xi32, #tpu.memory_space<vmem>> -> memref<1x128xi32, #tpu.memory_space<vmem>>
        %dma_start3A_858 = tpu.memref_squeeze %dma_start3A_857 : memref<1x128xi32, #tpu.memory_space<vmem>> -> memref<128xi32, #tpu.memory_space<vmem>>
        %dma_start3A_859 = arith.constant 0 : i32
        %dma_start3A_860 = arith.constant 0 : i32
        %dma_start3A_861 = tpu.memref_slice %arg13[%dma_start3A_859, %dma_start3A_860] : memref<10120x144xf32, #tpu.memory_space<vmem_shared>> -> memref<10120x144xf32, #tpu.memory_space<vmem_shared>>
        tpu.enqueue_indirect_dma source(%arg12 : memref<128x144xf32, #tpu.memory_space<vmem>>) target(%dma_start3A_861 : memref<10120x144xf32, #tpu.memory_space<vmem_shared>>) offsets(%dma_start3A_858 : memref<128xi32, #tpu.memory_space<vmem>>) semaphore(%run_scoped3A_855 : memref<!tpu.dma_semaphore, #tpu.memory_space<semaphore_mem>>) {add = true}
        %dma_wait3A_862 = arith.constant 0 : i32
        %dma_wait3A_863 = tpu.memref_slice %arg10[%run_scoped3A_778, %dma_wait3A_862] : memref<4x128xi32, #tpu.memory_space<vmem>> -> memref<1x128xi32, #tpu.memory_space<vmem>>
        %dma_wait3A_864 = tpu.memref_squeeze %dma_wait3A_863 : memref<1x128xi32, #tpu.memory_space<vmem>> -> memref<128xi32, #tpu.memory_space<vmem>>
        %dma_wait3A_865 = arith.constant 0 : i32
        %dma_wait3A_866 = arith.constant 0 : i32
        %dma_wait3A_867 = tpu.memref_slice %arg13[%dma_wait3A_865, %dma_wait3A_866] : memref<10120x144xf32, #tpu.memory_space<vmem_shared>> -> memref<10120x144xf32, #tpu.memory_space<vmem_shared>>
        tpu.wait_indirect_dma semaphore(%run_scoped3A_855 : memref<!tpu.dma_semaphore, #tpu.memory_space<semaphore_mem>>) src(%arg12 : memref<128x144xf32, #tpu.memory_space<vmem>>) dst(%dma_wait3A_867 : memref<10120x144xf32, #tpu.memory_space<vmem_shared>>)
        tpu.yield
      }) : () -> ()
      %mul3A_779 = arith.constant 2 : i32
      %mul3A_780 = arith.muli %mul3A_779, %scan3A_367 : i32
      %add3A_781 = arith.constant 1 : i32
      %add3A_782 = arith.addi %mul3A_780, %add3A_781 : i32
      %dma_start3A_783 = arith.constant 3 : i32
      %dma_start3A_784 = arith.constant 0 : i32
      %dma_start3A_785 = arith.constant 0 : i32
      %dma_start3A_786 = tpu.memref_slice %arg12[%dma_start3A_784, %dma_start3A_785] : memref<128x144xf32, #tpu.memory_space<vmem>> -> memref<64x144xf32, #tpu.memory_space<vmem>>
      %dma_start3A_787 = arith.constant 0 : i32
      %dma_start3A_788 = tpu.memref_slice %arg8[%dma_start3A_783, %dma_start3A_787] : memref<4x128xi32, #tpu.memory_space<vmem>> -> memref<1x64xi32, #tpu.memory_space<vmem>>
      %dma_start3A_789 = tpu.memref_squeeze %dma_start3A_788 : memref<1x64xi32, #tpu.memory_space<vmem>> -> memref<64xi32, #tpu.memory_space<vmem>>
      %dma_start3A_790 = arith.constant 0 : i32
      %dma_start3A_791 = arith.constant 0 : i32
      %dma_start3A_792 = tpu.memref_slice %arg2[%dma_start3A_790, %dma_start3A_791] : memref<10000x144xf32, #tpu.memory_space<hbm>> -> memref<10000x144xf32, #tpu.memory_space<hbm>>
      tpu.enqueue_indirect_dma source(%dma_start3A_792 : memref<10000x144xf32, #tpu.memory_space<hbm>>) target(%dma_start3A_786 : memref<64x144xf32, #tpu.memory_space<vmem>>) offsets(%dma_start3A_789 : memref<64xi32, #tpu.memory_space<vmem>>) semaphore(%arg19 : memref<!tpu.dma_semaphore, #tpu.memory_space<semaphore_mem>>)
      %dma_start3A_793 = arith.constant 3 : i32
      %dma_start3A_794 = arith.constant 64 : i32
      %dma_start3A_795 = arith.constant 0 : i32
      %dma_start3A_796 = tpu.memref_slice %arg12[%dma_start3A_794, %dma_start3A_795] : memref<128x144xf32, #tpu.memory_space<vmem>> -> memref<64x144xf32, #tpu.memory_space<vmem>>
      %dma_start3A_797 = arith.constant 64 : i32
      %dma_start3A_798 = tpu.memref_slice %arg8[%dma_start3A_793, %dma_start3A_797] : memref<4x128xi32, #tpu.memory_space<vmem>> -> memref<1x64xi32, #tpu.memory_space<vmem>>
      %dma_start3A_799 = tpu.memref_squeeze %dma_start3A_798 : memref<1x64xi32, #tpu.memory_space<vmem>> -> memref<64xi32, #tpu.memory_space<vmem>>
      %dma_start3A_800 = arith.constant 0 : i32
      %dma_start3A_801 = arith.constant 0 : i32
      %dma_start3A_802 = tpu.memref_slice %arg2[%dma_start3A_800, %dma_start3A_801] : memref<10000x144xf32, #tpu.memory_space<hbm>> -> memref<10000x144xf32, #tpu.memory_space<hbm>>
      tpu.enqueue_indirect_dma source(%dma_start3A_802 : memref<10000x144xf32, #tpu.memory_space<hbm>>) target(%dma_start3A_796 : memref<64x144xf32, #tpu.memory_space<vmem>>) offsets(%dma_start3A_799 : memref<64xi32, #tpu.memory_space<vmem>>) semaphore(%arg21 : memref<!tpu.dma_semaphore, #tpu.memory_space<semaphore_mem>>)
      %dma_wait3A_803 = arith.constant 2 : i32
      %dma_wait3A_804 = arith.constant 0 : i32
      %dma_wait3A_805 = arith.constant 0 : i32
      %dma_wait3A_806 = tpu.memref_slice %arg11[%dma_wait3A_804, %dma_wait3A_805] : memref<128x144xf32, #tpu.memory_space<vmem>> -> memref<64x144xf32, #tpu.memory_space<vmem>>
      %dma_wait3A_807 = arith.constant 0 : i32
      %dma_wait3A_808 = tpu.memref_slice %arg8[%dma_wait3A_803, %dma_wait3A_807] : memref<4x128xi32, #tpu.memory_space<vmem>> -> memref<1x64xi32, #tpu.memory_space<vmem>>
      %dma_wait3A_809 = tpu.memref_squeeze %dma_wait3A_808 : memref<1x64xi32, #tpu.memory_space<vmem>> -> memref<64xi32, #tpu.memory_space<vmem>>
      %dma_wait3A_810 = arith.constant 0 : i32
      %dma_wait3A_811 = arith.constant 0 : i32
      %dma_wait3A_812 = tpu.memref_slice %arg2[%dma_wait3A_810, %dma_wait3A_811] : memref<10000x144xf32, #tpu.memory_space<hbm>> -> memref<10000x144xf32, #tpu.memory_space<hbm>>
      tpu.wait_indirect_dma semaphore(%arg18 : memref<!tpu.dma_semaphore, #tpu.memory_space<semaphore_mem>>) src(%dma_wait3A_812 : memref<10000x144xf32, #tpu.memory_space<hbm>>) dst(%dma_wait3A_806 : memref<64x144xf32, #tpu.memory_space<vmem>>)
      %dma_wait3A_813 = arith.constant 2 : i32
      %dma_wait3A_814 = arith.constant 64 : i32
      %dma_wait3A_815 = arith.constant 0 : i32
      %dma_wait3A_816 = tpu.memref_slice %arg11[%dma_wait3A_814, %dma_wait3A_815] : memref<128x144xf32, #tpu.memory_space<vmem>> -> memref<64x144xf32, #tpu.memory_space<vmem>>
      %dma_wait3A_817 = arith.constant 64 : i32
      %dma_wait3A_818 = tpu.memref_slice %arg8[%dma_wait3A_813, %dma_wait3A_817] : memref<4x128xi32, #tpu.memory_space<vmem>> -> memref<1x64xi32, #tpu.memory_space<vmem>>
      %dma_wait3A_819 = tpu.memref_squeeze %dma_wait3A_818 : memref<1x64xi32, #tpu.memory_space<vmem>> -> memref<64xi32, #tpu.memory_space<vmem>>
      %dma_wait3A_820 = arith.constant 0 : i32
      %dma_wait3A_821 = arith.constant 0 : i32
      %dma_wait3A_822 = tpu.memref_slice %arg2[%dma_wait3A_820, %dma_wait3A_821] : memref<10000x144xf32, #tpu.memory_space<hbm>> -> memref<10000x144xf32, #tpu.memory_space<hbm>>
      tpu.wait_indirect_dma semaphore(%arg20 : memref<!tpu.dma_semaphore, #tpu.memory_space<semaphore_mem>>) src(%dma_wait3A_822 : memref<10000x144xf32, #tpu.memory_space<hbm>>) dst(%dma_wait3A_816 : memref<64x144xf32, #tpu.memory_space<vmem>>)
      %run_scoped3A_823 = arith.constant 2 : i32
      "tpu.region"() ({
        %run_scoped3A_855 = tpu.sem_alloc : memref<!tpu.dma_semaphore, #tpu.memory_space<semaphore_mem>>
        %dma_start3A_856 = arith.constant 0 : i32
        %dma_start3A_857 = tpu.memref_slice %arg10[%run_scoped3A_823, %dma_start3A_856] : memref<4x128xi32, #tpu.memory_space<vmem>> -> memref<1x128xi32, #tpu.memory_space<vmem>>
        %dma_start3A_858 = tpu.memref_squeeze %dma_start3A_857 : memref<1x128xi32, #tpu.memory_space<vmem>> -> memref<128xi32, #tpu.memory_space<vmem>>
        %dma_start3A_859 = arith.constant 0 : i32
        %dma_start3A_860 = arith.constant 0 : i32
        %dma_start3A_861 = tpu.memref_slice %arg13[%dma_start3A_859, %dma_start3A_860] : memref<10120x144xf32, #tpu.memory_space<vmem_shared>> -> memref<10120x144xf32, #tpu.memory_space<vmem_shared>>
        tpu.enqueue_indirect_dma source(%arg11 : memref<128x144xf32, #tpu.memory_space<vmem>>) target(%dma_start3A_861 : memref<10120x144xf32, #tpu.memory_space<vmem_shared>>) offsets(%dma_start3A_858 : memref<128xi32, #tpu.memory_space<vmem>>) semaphore(%run_scoped3A_855 : memref<!tpu.dma_semaphore, #tpu.memory_space<semaphore_mem>>) {add = true}
        %dma_wait3A_862 = arith.constant 0 : i32
        %dma_wait3A_863 = tpu.memref_slice %arg10[%run_scoped3A_823, %dma_wait3A_862] : memref<4x128xi32, #tpu.memory_space<vmem>> -> memref<1x128xi32, #tpu.memory_space<vmem>>
        %dma_wait3A_864 = tpu.memref_squeeze %dma_wait3A_863 : memref<1x128xi32, #tpu.memory_space<vmem>> -> memref<128xi32, #tpu.memory_space<vmem>>
        %dma_wait3A_865 = arith.constant 0 : i32
        %dma_wait3A_866 = arith.constant 0 : i32
        %dma_wait3A_867 = tpu.memref_slice %arg13[%dma_wait3A_865, %dma_wait3A_866] : memref<10120x144xf32, #tpu.memory_space<vmem_shared>> -> memref<10120x144xf32, #tpu.memory_space<vmem_shared>>
        tpu.wait_indirect_dma semaphore(%run_scoped3A_855 : memref<!tpu.dma_semaphore, #tpu.memory_space<semaphore_mem>>) src(%arg11 : memref<128x144xf32, #tpu.memory_space<vmem>>) dst(%dma_wait3A_867 : memref<10120x144xf32, #tpu.memory_space<vmem_shared>>)
        tpu.yield
      }) : () -> ()
      %lt3A_824 = arith.constant 9 : i32
      %lt3A_825 = arith.cmpi slt, %scan3A_367, %lt3A_824 : i32
      %convert_element_type3A_826 = arith.extui %lt3A_825 : i1 to i32
      %cond3A_827 = arith.constant 0 : i32
      %cond3A_828 = arith.cmpi ne, %convert_element_type3A_826, %cond3A_827 : i32
      scf.if %cond3A_828 {
        %add3A_855 = arith.constant 1 : i32
        %add3A_856 = arith.addi %scan3A_367, %add3A_855 : i32
        %mul3A_857 = arith.constant 2 : i32
        %mul3A_858 = arith.muli %mul3A_857, %add3A_856 : i32
        %add3A_859 = arith.constant 0 : i32
        %add3A_860 = arith.addi %mul3A_858, %add3A_859 : i32
        %mul3A_861 = arith.constant 128 : i32
        %mul3A_862 = arith.muli %add3A, %mul3A_861 : i32
        %mul3A_863 = arith.constant 4 : i32
        %mul3A_864 = arith.muli %add3A_860, %mul3A_863 : i32
        %add3A_865 = arith.constant 0 : i32
        %add3A_866 = arith.addi %mul3A_864, %add3A_865 : i32
        %mul3A_867 = arith.constant 32 : i32
        %mul3A_868 = arith.muli %add3A_866, %mul3A_867 : i32
        %mul3A_869 = arith.constant 128 : i32
        %mul3A_870 = arith.muli %mul3A_868, %mul3A_869 : i32
        %add3A_871 = arith.addi %mul3A_862, %mul3A_870 : i32
        %dma_wait3A_872 = arith.constant 0 : i32
        %dma_wait3A_873 = arith.constant 0 : i32
        %dma_wait3A_874 = tpu.memref_slice %arg7[%dma_wait3A_872, %dma_wait3A_873] : memref<4x128xi32, #tpu.memory_space<vmem>> -> memref<1x128xi32, #tpu.memory_space<vmem>>
        %dma_wait3A_875 = tpu.memref_squeeze %dma_wait3A_874 : memref<1x128xi32, #tpu.memory_space<vmem>> -> memref<128xi32, #tpu.memory_space<vmem>>
        %dma_wait3A_876 = tpu.memref_slice %arg3[%add3A_871] : memref<327680xi32, #tpu.memory_space<hbm>> -> memref<128xi32, #tpu.memory_space<hbm>>
        %dma_wait3A_877 = arith.constant 0 : i32
        %dma_wait3A_878 = tpu.memref_slice %arg7[%dma_wait3A_872, %dma_wait3A_877] : memref<4x128xi32, #tpu.memory_space<vmem>> -> memref<1x128xi32, #tpu.memory_space<vmem>>
        %dma_wait3A_879 = tpu.memref_squeeze %dma_wait3A_878 : memref<1x128xi32, #tpu.memory_space<vmem>> -> memref<128xi32, #tpu.memory_space<vmem>>
        %dma_wait3A_880 = tpu.memref_slice %arg3[%add3A_871] : memref<327680xi32, #tpu.memory_space<hbm>> -> memref<128xi32, #tpu.memory_space<hbm>>
        tpu.wait_dma2 semaphore(%arg14 : memref<!tpu.dma_semaphore, #tpu.memory_space<semaphore_mem>>) src(%dma_wait3A_880 : memref<128xi32, #tpu.memory_space<hbm>>) dst(%dma_wait3A_879 : memref<128xi32, #tpu.memory_space<vmem>>)
        %mul3A_881 = arith.constant 128 : i32
        %mul3A_882 = arith.muli %add3A, %mul3A_881 : i32
        %mul3A_883 = arith.constant 4 : i32
        %mul3A_884 = arith.muli %add3A_860, %mul3A_883 : i32
        %add3A_885 = arith.constant 0 : i32
        %add3A_886 = arith.addi %mul3A_884, %add3A_885 : i32
        %mul3A_887 = arith.constant 32 : i32
        %mul3A_888 = arith.muli %add3A_886, %mul3A_887 : i32
        %mul3A_889 = arith.constant 128 : i32
        %mul3A_890 = arith.muli %mul3A_888, %mul3A_889 : i32
        %add3A_891 = arith.addi %mul3A_882, %mul3A_890 : i32
        %dma_wait3A_892 = arith.constant 0 : i32
        %dma_wait3A_893 = arith.constant 0 : i32
        %dma_wait3A_894 = tpu.memref_slice %arg9[%dma_wait3A_892, %dma_wait3A_893] : memref<4x128xi32, #tpu.memory_space<vmem>> -> memref<1x128xi32, #tpu.memory_space<vmem>>
        %dma_wait3A_895 = tpu.memref_squeeze %dma_wait3A_894 : memref<1x128xi32, #tpu.memory_space<vmem>> -> memref<128xi32, #tpu.memory_space<vmem>>
        %dma_wait3A_896 = tpu.memref_slice %arg4[%add3A_891] : memref<327680xi32, #tpu.memory_space<hbm>> -> memref<128xi32, #tpu.memory_space<hbm>>
        %dma_wait3A_897 = arith.constant 0 : i32
        %dma_wait3A_898 = tpu.memref_slice %arg9[%dma_wait3A_892, %dma_wait3A_897] : memref<4x128xi32, #tpu.memory_space<vmem>> -> memref<1x128xi32, #tpu.memory_space<vmem>>
        %dma_wait3A_899 = tpu.memref_squeeze %dma_wait3A_898 : memref<1x128xi32, #tpu.memory_space<vmem>> -> memref<128xi32, #tpu.memory_space<vmem>>
        %dma_wait3A_900 = tpu.memref_slice %arg4[%add3A_891] : memref<327680xi32, #tpu.memory_space<hbm>> -> memref<128xi32, #tpu.memory_space<hbm>>
        tpu.wait_dma2 semaphore(%arg16 : memref<!tpu.dma_semaphore, #tpu.memory_space<semaphore_mem>>) src(%dma_wait3A_900 : memref<128xi32, #tpu.memory_space<hbm>>) dst(%dma_wait3A_899 : memref<128xi32, #tpu.memory_space<vmem>>)
        %mul3A_901 = arith.constant 128 : i32
        %mul3A_902 = arith.muli %add3A, %mul3A_901 : i32
        %mul3A_903 = arith.constant 4 : i32
        %mul3A_904 = arith.muli %add3A_860, %mul3A_903 : i32
        %add3A_905 = arith.constant 1 : i32
        %add3A_906 = arith.addi %mul3A_904, %add3A_905 : i32
        %mul3A_907 = arith.constant 32 : i32
        %mul3A_908 = arith.muli %add3A_906, %mul3A_907 : i32
        %mul3A_909 = arith.constant 128 : i32
        %mul3A_910 = arith.muli %mul3A_908, %mul3A_909 : i32
        %add3A_911 = arith.addi %mul3A_902, %mul3A_910 : i32
        %dma_wait3A_912 = arith.constant 1 : i32
        %dma_wait3A_913 = arith.constant 0 : i32
        %dma_wait3A_914 = tpu.memref_slice %arg7[%dma_wait3A_912, %dma_wait3A_913] : memref<4x128xi32, #tpu.memory_space<vmem>> -> memref<1x128xi32, #tpu.memory_space<vmem>>
        %dma_wait3A_915 = tpu.memref_squeeze %dma_wait3A_914 : memref<1x128xi32, #tpu.memory_space<vmem>> -> memref<128xi32, #tpu.memory_space<vmem>>
        %dma_wait3A_916 = tpu.memref_slice %arg3[%add3A_911] : memref<327680xi32, #tpu.memory_space<hbm>> -> memref<128xi32, #tpu.memory_space<hbm>>
        %dma_wait3A_917 = arith.constant 0 : i32
        %dma_wait3A_918 = tpu.memref_slice %arg7[%dma_wait3A_912, %dma_wait3A_917] : memref<4x128xi32, #tpu.memory_space<vmem>> -> memref<1x128xi32, #tpu.memory_space<vmem>>
        %dma_wait3A_919 = tpu.memref_squeeze %dma_wait3A_918 : memref<1x128xi32, #tpu.memory_space<vmem>> -> memref<128xi32, #tpu.memory_space<vmem>>
        %dma_wait3A_920 = tpu.memref_slice %arg3[%add3A_911] : memref<327680xi32, #tpu.memory_space<hbm>> -> memref<128xi32, #tpu.memory_space<hbm>>
        tpu.wait_dma2 semaphore(%arg14 : memref<!tpu.dma_semaphore, #tpu.memory_space<semaphore_mem>>) src(%dma_wait3A_920 : memref<128xi32, #tpu.memory_space<hbm>>) dst(%dma_wait3A_919 : memref<128xi32, #tpu.memory_space<vmem>>)
        %mul3A_921 = arith.constant 128 : i32
        %mul3A_922 = arith.muli %add3A, %mul3A_921 : i32
        %mul3A_923 = arith.constant 4 : i32
        %mul3A_924 = arith.muli %add3A_860, %mul3A_923 : i32
        %add3A_925 = arith.constant 1 : i32
        %add3A_926 = arith.addi %mul3A_924, %add3A_925 : i32
        %mul3A_927 = arith.constant 32 : i32
        %mul3A_928 = arith.muli %add3A_926, %mul3A_927 : i32
        %mul3A_929 = arith.constant 128 : i32
        %mul3A_930 = arith.muli %mul3A_928, %mul3A_929 : i32
        %add3A_931 = arith.addi %mul3A_922, %mul3A_930 : i32
        %dma_wait3A_932 = arith.constant 1 : i32
        %dma_wait3A_933 = arith.constant 0 : i32
        %dma_wait3A_934 = tpu.memref_slice %arg9[%dma_wait3A_932, %dma_wait3A_933] : memref<4x128xi32, #tpu.memory_space<vmem>> -> memref<1x128xi32, #tpu.memory_space<vmem>>
        %dma_wait3A_935 = tpu.memref_squeeze %dma_wait3A_934 : memref<1x128xi32, #tpu.memory_space<vmem>> -> memref<128xi32, #tpu.memory_space<vmem>>
        %dma_wait3A_936 = tpu.memref_slice %arg4[%add3A_931] : memref<327680xi32, #tpu.memory_space<hbm>> -> memref<128xi32, #tpu.memory_space<hbm>>
        %dma_wait3A_937 = arith.constant 0 : i32
        %dma_wait3A_938 = tpu.memref_slice %arg9[%dma_wait3A_932, %dma_wait3A_937] : memref<4x128xi32, #tpu.memory_space<vmem>> -> memref<1x128xi32, #tpu.memory_space<vmem>>
        %dma_wait3A_939 = tpu.memref_squeeze %dma_wait3A_938 : memref<1x128xi32, #tpu.memory_space<vmem>> -> memref<128xi32, #tpu.memory_space<vmem>>
        %dma_wait3A_940 = tpu.memref_slice %arg4[%add3A_931] : memref<327680xi32, #tpu.memory_space<hbm>> -> memref<128xi32, #tpu.memory_space<hbm>>
        tpu.wait_dma2 semaphore(%arg16 : memref<!tpu.dma_semaphore, #tpu.memory_space<semaphore_mem>>) src(%dma_wait3A_940 : memref<128xi32, #tpu.memory_space<hbm>>) dst(%dma_wait3A_939 : memref<128xi32, #tpu.memory_space<vmem>>)
        %mul3A_941 = arith.constant 128 : i32
        %mul3A_942 = arith.muli %add3A, %mul3A_941 : i32
        %mul3A_943 = arith.constant 4 : i32
        %mul3A_944 = arith.muli %add3A_860, %mul3A_943 : i32
        %add3A_945 = arith.constant 2 : i32
        %add3A_946 = arith.addi %mul3A_944, %add3A_945 : i32
        %mul3A_947 = arith.constant 32 : i32
        %mul3A_948 = arith.muli %add3A_946, %mul3A_947 : i32
        %mul3A_949 = arith.constant 128 : i32
        %mul3A_950 = arith.muli %mul3A_948, %mul3A_949 : i32
        %add3A_951 = arith.addi %mul3A_942, %mul3A_950 : i32
        %dma_wait3A_952 = arith.constant 2 : i32
        %dma_wait3A_953 = arith.constant 0 : i32
        %dma_wait3A_954 = tpu.memref_slice %arg7[%dma_wait3A_952, %dma_wait3A_953] : memref<4x128xi32, #tpu.memory_space<vmem>> -> memref<1x128xi32, #tpu.memory_space<vmem>>
        %dma_wait3A_955 = tpu.memref_squeeze %dma_wait3A_954 : memref<1x128xi32, #tpu.memory_space<vmem>> -> memref<128xi32, #tpu.memory_space<vmem>>
        %dma_wait3A_956 = tpu.memref_slice %arg3[%add3A_951] : memref<327680xi32, #tpu.memory_space<hbm>> -> memref<128xi32, #tpu.memory_space<hbm>>
        %dma_wait3A_957 = arith.constant 0 : i32
        %dma_wait3A_958 = tpu.memref_slice %arg7[%dma_wait3A_952, %dma_wait3A_957] : memref<4x128xi32, #tpu.memory_space<vmem>> -> memref<1x128xi32, #tpu.memory_space<vmem>>
        %dma_wait3A_959 = tpu.memref_squeeze %dma_wait3A_958 : memref<1x128xi32, #tpu.memory_space<vmem>> -> memref<128xi32, #tpu.memory_space<vmem>>
        %dma_wait3A_960 = tpu.memref_slice %arg3[%add3A_951] : memref<327680xi32, #tpu.memory_space<hbm>> -> memref<128xi32, #tpu.memory_space<hbm>>
        tpu.wait_dma2 semaphore(%arg14 : memref<!tpu.dma_semaphore, #tpu.memory_space<semaphore_mem>>) src(%dma_wait3A_960 : memref<128xi32, #tpu.memory_space<hbm>>) dst(%dma_wait3A_959 : memref<128xi32, #tpu.memory_space<vmem>>)
        %mul3A_961 = arith.constant 128 : i32
        %mul3A_962 = arith.muli %add3A, %mul3A_961 : i32
        %mul3A_963 = arith.constant 4 : i32
        %mul3A_964 = arith.muli %add3A_860, %mul3A_963 : i32
        %add3A_965 = arith.constant 2 : i32
        %add3A_966 = arith.addi %mul3A_964, %add3A_965 : i32
        %mul3A_967 = arith.constant 32 : i32
        %mul3A_968 = arith.muli %add3A_966, %mul3A_967 : i32
        %mul3A_969 = arith.constant 128 : i32
        %mul3A_970 = arith.muli %mul3A_968, %mul3A_969 : i32
        %add3A_971 = arith.addi %mul3A_962, %mul3A_970 : i32
        %dma_wait3A_972 = arith.constant 2 : i32
        %dma_wait3A_973 = arith.constant 0 : i32
        %dma_wait3A_974 = tpu.memref_slice %arg9[%dma_wait3A_972, %dma_wait3A_973] : memref<4x128xi32, #tpu.memory_space<vmem>> -> memref<1x128xi32, #tpu.memory_space<vmem>>
        %dma_wait3A_975 = tpu.memref_squeeze %dma_wait3A_974 : memref<1x128xi32, #tpu.memory_space<vmem>> -> memref<128xi32, #tpu.memory_space<vmem>>
        %dma_wait3A_976 = tpu.memref_slice %arg4[%add3A_971] : memref<327680xi32, #tpu.memory_space<hbm>> -> memref<128xi32, #tpu.memory_space<hbm>>
        %dma_wait3A_977 = arith.constant 0 : i32
        %dma_wait3A_978 = tpu.memref_slice %arg9[%dma_wait3A_972, %dma_wait3A_977] : memref<4x128xi32, #tpu.memory_space<vmem>> -> memref<1x128xi32, #tpu.memory_space<vmem>>
        %dma_wait3A_979 = tpu.memref_squeeze %dma_wait3A_978 : memref<1x128xi32, #tpu.memory_space<vmem>> -> memref<128xi32, #tpu.memory_space<vmem>>
        %dma_wait3A_980 = tpu.memref_slice %arg4[%add3A_971] : memref<327680xi32, #tpu.memory_space<hbm>> -> memref<128xi32, #tpu.memory_space<hbm>>
        tpu.wait_dma2 semaphore(%arg16 : memref<!tpu.dma_semaphore, #tpu.memory_space<semaphore_mem>>) src(%dma_wait3A_980 : memref<128xi32, #tpu.memory_space<hbm>>) dst(%dma_wait3A_979 : memref<128xi32, #tpu.memory_space<vmem>>)
        %mul3A_981 = arith.constant 128 : i32
        %mul3A_982 = arith.muli %add3A, %mul3A_981 : i32
        %mul3A_983 = arith.constant 4 : i32
        %mul3A_984 = arith.muli %add3A_860, %mul3A_983 : i32
        %add3A_985 = arith.constant 3 : i32
        %add3A_986 = arith.addi %mul3A_984, %add3A_985 : i32
        %mul3A_987 = arith.constant 32 : i32
        %mul3A_988 = arith.muli %add3A_986, %mul3A_987 : i32
        %mul3A_989 = arith.constant 128 : i32
        %mul3A_990 = arith.muli %mul3A_988, %mul3A_989 : i32
        %add3A_991 = arith.addi %mul3A_982, %mul3A_990 : i32
        %dma_wait3A_992 = arith.constant 3 : i32
        %dma_wait3A_993 = arith.constant 0 : i32
        %dma_wait3A_994 = tpu.memref_slice %arg7[%dma_wait3A_992, %dma_wait3A_993] : memref<4x128xi32, #tpu.memory_space<vmem>> -> memref<1x128xi32, #tpu.memory_space<vmem>>
        %dma_wait3A_995 = tpu.memref_squeeze %dma_wait3A_994 : memref<1x128xi32, #tpu.memory_space<vmem>> -> memref<128xi32, #tpu.memory_space<vmem>>
        %dma_wait3A_996 = tpu.memref_slice %arg3[%add3A_991] : memref<327680xi32, #tpu.memory_space<hbm>> -> memref<128xi32, #tpu.memory_space<hbm>>
        %dma_wait3A_997 = arith.constant 0 : i32
        %dma_wait3A_998 = tpu.memref_slice %arg7[%dma_wait3A_992, %dma_wait3A_997] : memref<4x128xi32, #tpu.memory_space<vmem>> -> memref<1x128xi32, #tpu.memory_space<vmem>>
        %dma_wait3A_999 = tpu.memref_squeeze %dma_wait3A_998 : memref<1x128xi32, #tpu.memory_space<vmem>> -> memref<128xi32, #tpu.memory_space<vmem>>
        %dma_wait3A_1000 = tpu.memref_slice %arg3[%add3A_991] : memref<327680xi32, #tpu.memory_space<hbm>> -> memref<128xi32, #tpu.memory_space<hbm>>
        tpu.wait_dma2 semaphore(%arg14 : memref<!tpu.dma_semaphore, #tpu.memory_space<semaphore_mem>>) src(%dma_wait3A_1000 : memref<128xi32, #tpu.memory_space<hbm>>) dst(%dma_wait3A_999 : memref<128xi32, #tpu.memory_space<vmem>>)
        %mul3A_1001 = arith.constant 128 : i32
        %mul3A_1002 = arith.muli %add3A, %mul3A_1001 : i32
        %mul3A_1003 = arith.constant 4 : i32
        %mul3A_1004 = arith.muli %add3A_860, %mul3A_1003 : i32
        %add3A_1005 = arith.constant 3 : i32
        %add3A_1006 = arith.addi %mul3A_1004, %add3A_1005 : i32
        %mul3A_1007 = arith.constant 32 : i32
        %mul3A_1008 = arith.muli %add3A_1006, %mul3A_1007 : i32
        %mul3A_1009 = arith.constant 128 : i32
        %mul3A_1010 = arith.muli %mul3A_1008, %mul3A_1009 : i32
        %add3A_1011 = arith.addi %mul3A_1002, %mul3A_1010 : i32
        %dma_wait3A_1012 = arith.constant 3 : i32
        %dma_wait3A_1013 = arith.constant 0 : i32
        %dma_wait3A_1014 = tpu.memref_slice %arg9[%dma_wait3A_1012, %dma_wait3A_1013] : memref<4x128xi32, #tpu.memory_space<vmem>> -> memref<1x128xi32, #tpu.memory_space<vmem>>
        %dma_wait3A_1015 = tpu.memref_squeeze %dma_wait3A_1014 : memref<1x128xi32, #tpu.memory_space<vmem>> -> memref<128xi32, #tpu.memory_space<vmem>>
        %dma_wait3A_1016 = tpu.memref_slice %arg4[%add3A_1011] : memref<327680xi32, #tpu.memory_space<hbm>> -> memref<128xi32, #tpu.memory_space<hbm>>
        %dma_wait3A_1017 = arith.constant 0 : i32
        %dma_wait3A_1018 = tpu.memref_slice %arg9[%dma_wait3A_1012, %dma_wait3A_1017] : memref<4x128xi32, #tpu.memory_space<vmem>> -> memref<1x128xi32, #tpu.memory_space<vmem>>
        %dma_wait3A_1019 = tpu.memref_squeeze %dma_wait3A_1018 : memref<1x128xi32, #tpu.memory_space<vmem>> -> memref<128xi32, #tpu.memory_space<vmem>>
        %dma_wait3A_1020 = tpu.memref_slice %arg4[%add3A_1011] : memref<327680xi32, #tpu.memory_space<hbm>> -> memref<128xi32, #tpu.memory_space<hbm>>
        tpu.wait_dma2 semaphore(%arg16 : memref<!tpu.dma_semaphore, #tpu.memory_space<semaphore_mem>>) src(%dma_wait3A_1020 : memref<128xi32, #tpu.memory_space<hbm>>) dst(%dma_wait3A_1019 : memref<128xi32, #tpu.memory_space<vmem>>)
        %dma_start3A_1021 = arith.constant 0 : i32
        %dma_start3A_1022 = arith.constant 0 : i32
        %dma_start3A_1023 = arith.constant 0 : i32
        %dma_start3A_1024 = tpu.memref_slice %arg11[%dma_start3A_1022, %dma_start3A_1023] : memref<128x144xf32, #tpu.memory_space<vmem>> -> memref<64x144xf32, #tpu.memory_space<vmem>>
        %dma_start3A_1025 = arith.constant 0 : i32
        %dma_start3A_1026 = tpu.memref_slice %arg7[%dma_start3A_1021, %dma_start3A_1025] : memref<4x128xi32, #tpu.memory_space<vmem>> -> memref<1x64xi32, #tpu.memory_space<vmem>>
        %dma_start3A_1027 = tpu.memref_squeeze %dma_start3A_1026 : memref<1x64xi32, #tpu.memory_space<vmem>> -> memref<64xi32, #tpu.memory_space<vmem>>
        %dma_start3A_1028 = arith.constant 0 : i32
        %dma_start3A_1029 = arith.constant 0 : i32
        %dma_start3A_1030 = tpu.memref_slice %arg2[%dma_start3A_1028, %dma_start3A_1029] : memref<10000x144xf32, #tpu.memory_space<hbm>> -> memref<10000x144xf32, #tpu.memory_space<hbm>>
        tpu.enqueue_indirect_dma source(%dma_start3A_1030 : memref<10000x144xf32, #tpu.memory_space<hbm>>) target(%dma_start3A_1024 : memref<64x144xf32, #tpu.memory_space<vmem>>) offsets(%dma_start3A_1027 : memref<64xi32, #tpu.memory_space<vmem>>) semaphore(%arg18 : memref<!tpu.dma_semaphore, #tpu.memory_space<semaphore_mem>>)
        %dma_start3A_1031 = arith.constant 0 : i32
        %dma_start3A_1032 = arith.constant 64 : i32
        %dma_start3A_1033 = arith.constant 0 : i32
        %dma_start3A_1034 = tpu.memref_slice %arg11[%dma_start3A_1032, %dma_start3A_1033] : memref<128x144xf32, #tpu.memory_space<vmem>> -> memref<64x144xf32, #tpu.memory_space<vmem>>
        %dma_start3A_1035 = arith.constant 64 : i32
        %dma_start3A_1036 = tpu.memref_slice %arg7[%dma_start3A_1031, %dma_start3A_1035] : memref<4x128xi32, #tpu.memory_space<vmem>> -> memref<1x64xi32, #tpu.memory_space<vmem>>
        %dma_start3A_1037 = tpu.memref_squeeze %dma_start3A_1036 : memref<1x64xi32, #tpu.memory_space<vmem>> -> memref<64xi32, #tpu.memory_space<vmem>>
        %dma_start3A_1038 = arith.constant 0 : i32
        %dma_start3A_1039 = arith.constant 0 : i32
        %dma_start3A_1040 = tpu.memref_slice %arg2[%dma_start3A_1038, %dma_start3A_1039] : memref<10000x144xf32, #tpu.memory_space<hbm>> -> memref<10000x144xf32, #tpu.memory_space<hbm>>
        tpu.enqueue_indirect_dma source(%dma_start3A_1040 : memref<10000x144xf32, #tpu.memory_space<hbm>>) target(%dma_start3A_1034 : memref<64x144xf32, #tpu.memory_space<vmem>>) offsets(%dma_start3A_1037 : memref<64xi32, #tpu.memory_space<vmem>>) semaphore(%arg20 : memref<!tpu.dma_semaphore, #tpu.memory_space<semaphore_mem>>)
      } else {
      }
      %dma_wait3A_829 = arith.constant 3 : i32
      %dma_wait3A_830 = arith.constant 0 : i32
      %dma_wait3A_831 = arith.constant 0 : i32
      %dma_wait3A_832 = tpu.memref_slice %arg12[%dma_wait3A_830, %dma_wait3A_831] : memref<128x144xf32, #tpu.memory_space<vmem>> -> memref<64x144xf32, #tpu.memory_space<vmem>>
      %dma_wait3A_833 = arith.constant 0 : i32
      %dma_wait3A_834 = tpu.memref_slice %arg8[%dma_wait3A_829, %dma_wait3A_833] : memref<4x128xi32, #tpu.memory_space<vmem>> -> memref<1x64xi32, #tpu.memory_space<vmem>>
      %dma_wait3A_835 = tpu.memref_squeeze %dma_wait3A_834 : memref<1x64xi32, #tpu.memory_space<vmem>> -> memref<64xi32, #tpu.memory_space<vmem>>
      %dma_wait3A_836 = arith.constant 0 : i32
      %dma_wait3A_837 = arith.constant 0 : i32
      %dma_wait3A_838 = tpu.memref_slice %arg2[%dma_wait3A_836, %dma_wait3A_837] : memref<10000x144xf32, #tpu.memory_space<hbm>> -> memref<10000x144xf32, #tpu.memory_space<hbm>>
      tpu.wait_indirect_dma semaphore(%arg19 : memref<!tpu.dma_semaphore, #tpu.memory_space<semaphore_mem>>) src(%dma_wait3A_838 : memref<10000x144xf32, #tpu.memory_space<hbm>>) dst(%dma_wait3A_832 : memref<64x144xf32, #tpu.memory_space<vmem>>)
      %dma_wait3A_839 = arith.constant 3 : i32
      %dma_wait3A_840 = arith.constant 64 : i32
      %dma_wait3A_841 = arith.constant 0 : i32
      %dma_wait3A_842 = tpu.memref_slice %arg12[%dma_wait3A_840, %dma_wait3A_841] : memref<128x144xf32, #tpu.memory_space<vmem>> -> memref<64x144xf32, #tpu.memory_space<vmem>>
      %dma_wait3A_843 = arith.constant 64 : i32
      %dma_wait3A_844 = tpu.memref_slice %arg8[%dma_wait3A_839, %dma_wait3A_843] : memref<4x128xi32, #tpu.memory_space<vmem>> -> memref<1x64xi32, #tpu.memory_space<vmem>>
      %dma_wait3A_845 = tpu.memref_squeeze %dma_wait3A_844 : memref<1x64xi32, #tpu.memory_space<vmem>> -> memref<64xi32, #tpu.memory_space<vmem>>
      %dma_wait3A_846 = arith.constant 0 : i32
      %dma_wait3A_847 = arith.constant 0 : i32
      %dma_wait3A_848 = tpu.memref_slice %arg2[%dma_wait3A_846, %dma_wait3A_847] : memref<10000x144xf32, #tpu.memory_space<hbm>> -> memref<10000x144xf32, #tpu.memory_space<hbm>>
      tpu.wait_indirect_dma semaphore(%arg21 : memref<!tpu.dma_semaphore, #tpu.memory_space<semaphore_mem>>) src(%dma_wait3A_848 : memref<10000x144xf32, #tpu.memory_space<hbm>>) dst(%dma_wait3A_842 : memref<64x144xf32, #tpu.memory_space<vmem>>)
      %run_scoped3A_849 = arith.constant 3 : i32
      "tpu.region"() ({
        %run_scoped3A_855 = tpu.sem_alloc : memref<!tpu.dma_semaphore, #tpu.memory_space<semaphore_mem>>
        %dma_start3A_856 = arith.constant 0 : i32
        %dma_start3A_857 = tpu.memref_slice %arg10[%run_scoped3A_849, %dma_start3A_856] : memref<4x128xi32, #tpu.memory_space<vmem>> -> memref<1x128xi32, #tpu.memory_space<vmem>>
        %dma_start3A_858 = tpu.memref_squeeze %dma_start3A_857 : memref<1x128xi32, #tpu.memory_space<vmem>> -> memref<128xi32, #tpu.memory_space<vmem>>
        %dma_start3A_859 = arith.constant 0 : i32
        %dma_start3A_860 = arith.constant 0 : i32
        %dma_start3A_861 = tpu.memref_slice %arg13[%dma_start3A_859, %dma_start3A_860] : memref<10120x144xf32, #tpu.memory_space<vmem_shared>> -> memref<10120x144xf32, #tpu.memory_space<vmem_shared>>
        tpu.enqueue_indirect_dma source(%arg12 : memref<128x144xf32, #tpu.memory_space<vmem>>) target(%dma_start3A_861 : memref<10120x144xf32, #tpu.memory_space<vmem_shared>>) offsets(%dma_start3A_858 : memref<128xi32, #tpu.memory_space<vmem>>) semaphore(%run_scoped3A_855 : memref<!tpu.dma_semaphore, #tpu.memory_space<semaphore_mem>>) {add = true}
        %dma_wait3A_862 = arith.constant 0 : i32
        %dma_wait3A_863 = tpu.memref_slice %arg10[%run_scoped3A_849, %dma_wait3A_862] : memref<4x128xi32, #tpu.memory_space<vmem>> -> memref<1x128xi32, #tpu.memory_space<vmem>>
        %dma_wait3A_864 = tpu.memref_squeeze %dma_wait3A_863 : memref<1x128xi32, #tpu.memory_space<vmem>> -> memref<128xi32, #tpu.memory_space<vmem>>
        %dma_wait3A_865 = arith.constant 0 : i32
        %dma_wait3A_866 = arith.constant 0 : i32
        %dma_wait3A_867 = tpu.memref_slice %arg13[%dma_wait3A_865, %dma_wait3A_866] : memref<10120x144xf32, #tpu.memory_space<vmem_shared>> -> memref<10120x144xf32, #tpu.memory_space<vmem_shared>>
        tpu.wait_indirect_dma semaphore(%run_scoped3A_855 : memref<!tpu.dma_semaphore, #tpu.memory_space<semaphore_mem>>) src(%arg12 : memref<128x144xf32, #tpu.memory_space<vmem>>) dst(%dma_wait3A_867 : memref<10120x144xf32, #tpu.memory_space<vmem_shared>>)
        tpu.yield
      }) : () -> ()
      %lt3A_850 = arith.constant 9 : i32
      %lt3A_851 = arith.cmpi slt, %scan3A_367, %lt3A_850 : i32
      %convert_element_type3A_852 = arith.extui %lt3A_851 : i1 to i32
      %cond3A_853 = arith.constant 0 : i32
      %cond3A_854 = arith.cmpi ne, %convert_element_type3A_852, %cond3A_853 : i32
      scf.if %cond3A_854 {
        %add3A_855 = arith.constant 1 : i32
        %add3A_856 = arith.addi %scan3A_367, %add3A_855 : i32
        %mul3A_857 = arith.constant 2 : i32
        %mul3A_858 = arith.muli %mul3A_857, %add3A_856 : i32
        %add3A_859 = arith.constant 0 : i32
        %add3A_860 = arith.addi %mul3A_858, %add3A_859 : i32
        %add3A_861 = arith.constant 1 : i32
        %add3A_862 = arith.addi %add3A_860, %add3A_861 : i32
        %lt3A_863 = arith.constant 20 : i32
        %lt3A_864 = arith.cmpi slt, %add3A_862, %lt3A_863 : i32
        %convert_element_type3A_865 = arith.extui %lt3A_864 : i1 to i32
        %cond3A_866 = arith.constant 0 : i32
        %cond3A_867 = arith.cmpi ne, %convert_element_type3A_865, %cond3A_866 : i32
        scf.if %cond3A_867 {
          %add3A_888 = arith.constant 1 : i32
          %add3A_889 = arith.addi %add3A_860, %add3A_888 : i32
          %mul3A_890 = arith.constant 128 : i32
          %mul3A_891 = arith.muli %add3A, %mul3A_890 : i32
          %mul3A_892 = arith.constant 4 : i32
          %mul3A_893 = arith.muli %add3A_889, %mul3A_892 : i32
          %add3A_894 = arith.constant 0 : i32
          %add3A_895 = arith.addi %mul3A_893, %add3A_894 : i32
          %mul3A_896 = arith.constant 32 : i32
          %mul3A_897 = arith.muli %add3A_895, %mul3A_896 : i32
          %mul3A_898 = arith.constant 128 : i32
          %mul3A_899 = arith.muli %mul3A_897, %mul3A_898 : i32
          %add3A_900 = arith.addi %mul3A_891, %mul3A_899 : i32
          %dma_start3A_901 = arith.constant 0 : i32
          %dma_start3A_902 = arith.constant 0 : i32
          %dma_start3A_903 = tpu.memref_slice %arg8[%dma_start3A_901, %dma_start3A_902] : memref<4x128xi32, #tpu.memory_space<vmem>> -> memref<1x128xi32, #tpu.memory_space<vmem>>
          %dma_start3A_904 = tpu.memref_squeeze %dma_start3A_903 : memref<1x128xi32, #tpu.memory_space<vmem>> -> memref<128xi32, #tpu.memory_space<vmem>>
          %dma_start3A_905 = tpu.memref_slice %arg3[%add3A_900] : memref<327680xi32, #tpu.memory_space<hbm>> -> memref<128xi32, #tpu.memory_space<hbm>>
          %dma_start3A_906 = arith.constant 0 : i32
          %dma_start3A_907 = tpu.memref_slice %arg8[%dma_start3A_901, %dma_start3A_906] : memref<4x128xi32, #tpu.memory_space<vmem>> -> memref<1x128xi32, #tpu.memory_space<vmem>>
          %dma_start3A_908 = tpu.memref_squeeze %dma_start3A_907 : memref<1x128xi32, #tpu.memory_space<vmem>> -> memref<128xi32, #tpu.memory_space<vmem>>
          %dma_start3A_909 = tpu.memref_slice %arg3[%add3A_900] : memref<327680xi32, #tpu.memory_space<hbm>> -> memref<128xi32, #tpu.memory_space<hbm>>
          tpu.enqueue_dma source(%dma_start3A_909 : memref<128xi32, #tpu.memory_space<hbm>>) target(%dma_start3A_908 : memref<128xi32, #tpu.memory_space<vmem>>) target_semaphore(%arg15 : memref<!tpu.dma_semaphore, #tpu.memory_space<semaphore_mem>>)
          %mul3A_910 = arith.constant 128 : i32
          %mul3A_911 = arith.muli %add3A, %mul3A_910 : i32
          %mul3A_912 = arith.constant 4 : i32
          %mul3A_913 = arith.muli %add3A_889, %mul3A_912 : i32
          %add3A_914 = arith.constant 0 : i32
          %add3A_915 = arith.addi %mul3A_913, %add3A_914 : i32
          %mul3A_916 = arith.constant 32 : i32
          %mul3A_917 = arith.muli %add3A_915, %mul3A_916 : i32
          %mul3A_918 = arith.constant 128 : i32
          %mul3A_919 = arith.muli %mul3A_917, %mul3A_918 : i32
          %add3A_920 = arith.addi %mul3A_911, %mul3A_919 : i32
          %dma_start3A_921 = arith.constant 0 : i32
          %dma_start3A_922 = arith.constant 0 : i32
          %dma_start3A_923 = tpu.memref_slice %arg10[%dma_start3A_921, %dma_start3A_922] : memref<4x128xi32, #tpu.memory_space<vmem>> -> memref<1x128xi32, #tpu.memory_space<vmem>>
          %dma_start3A_924 = tpu.memref_squeeze %dma_start3A_923 : memref<1x128xi32, #tpu.memory_space<vmem>> -> memref<128xi32, #tpu.memory_space<vmem>>
          %dma_start3A_925 = tpu.memref_slice %arg4[%add3A_920] : memref<327680xi32, #tpu.memory_space<hbm>> -> memref<128xi32, #tpu.memory_space<hbm>>
          %dma_start3A_926 = arith.constant 0 : i32
          %dma_start3A_927 = tpu.memref_slice %arg10[%dma_start3A_921, %dma_start3A_926] : memref<4x128xi32, #tpu.memory_space<vmem>> -> memref<1x128xi32, #tpu.memory_space<vmem>>
          %dma_start3A_928 = tpu.memref_squeeze %dma_start3A_927 : memref<1x128xi32, #tpu.memory_space<vmem>> -> memref<128xi32, #tpu.memory_space<vmem>>
          %dma_start3A_929 = tpu.memref_slice %arg4[%add3A_920] : memref<327680xi32, #tpu.memory_space<hbm>> -> memref<128xi32, #tpu.memory_space<hbm>>
          tpu.enqueue_dma source(%dma_start3A_929 : memref<128xi32, #tpu.memory_space<hbm>>) target(%dma_start3A_928 : memref<128xi32, #tpu.memory_space<vmem>>) target_semaphore(%arg17 : memref<!tpu.dma_semaphore, #tpu.memory_space<semaphore_mem>>)
          %mul3A_930 = arith.constant 128 : i32
          %mul3A_931 = arith.muli %add3A, %mul3A_930 : i32
          %mul3A_932 = arith.constant 4 : i32
          %mul3A_933 = arith.muli %add3A_889, %mul3A_932 : i32
          %add3A_934 = arith.constant 1 : i32
          %add3A_935 = arith.addi %mul3A_933, %add3A_934 : i32
          %mul3A_936 = arith.constant 32 : i32
          %mul3A_937 = arith.muli %add3A_935, %mul3A_936 : i32
          %mul3A_938 = arith.constant 128 : i32
          %mul3A_939 = arith.muli %mul3A_937, %mul3A_938 : i32
          %add3A_940 = arith.addi %mul3A_931, %mul3A_939 : i32
          %dma_start3A_941 = arith.constant 1 : i32
          %dma_start3A_942 = arith.constant 0 : i32
          %dma_start3A_943 = tpu.memref_slice %arg8[%dma_start3A_941, %dma_start3A_942] : memref<4x128xi32, #tpu.memory_space<vmem>> -> memref<1x128xi32, #tpu.memory_space<vmem>>
          %dma_start3A_944 = tpu.memref_squeeze %dma_start3A_943 : memref<1x128xi32, #tpu.memory_space<vmem>> -> memref<128xi32, #tpu.memory_space<vmem>>
          %dma_start3A_945 = tpu.memref_slice %arg3[%add3A_940] : memref<327680xi32, #tpu.memory_space<hbm>> -> memref<128xi32, #tpu.memory_space<hbm>>
          %dma_start3A_946 = arith.constant 0 : i32
          %dma_start3A_947 = tpu.memref_slice %arg8[%dma_start3A_941, %dma_start3A_946] : memref<4x128xi32, #tpu.memory_space<vmem>> -> memref<1x128xi32, #tpu.memory_space<vmem>>
          %dma_start3A_948 = tpu.memref_squeeze %dma_start3A_947 : memref<1x128xi32, #tpu.memory_space<vmem>> -> memref<128xi32, #tpu.memory_space<vmem>>
          %dma_start3A_949 = tpu.memref_slice %arg3[%add3A_940] : memref<327680xi32, #tpu.memory_space<hbm>> -> memref<128xi32, #tpu.memory_space<hbm>>
          tpu.enqueue_dma source(%dma_start3A_949 : memref<128xi32, #tpu.memory_space<hbm>>) target(%dma_start3A_948 : memref<128xi32, #tpu.memory_space<vmem>>) target_semaphore(%arg15 : memref<!tpu.dma_semaphore, #tpu.memory_space<semaphore_mem>>)
          %mul3A_950 = arith.constant 128 : i32
          %mul3A_951 = arith.muli %add3A, %mul3A_950 : i32
          %mul3A_952 = arith.constant 4 : i32
          %mul3A_953 = arith.muli %add3A_889, %mul3A_952 : i32
          %add3A_954 = arith.constant 1 : i32
          %add3A_955 = arith.addi %mul3A_953, %add3A_954 : i32
          %mul3A_956 = arith.constant 32 : i32
          %mul3A_957 = arith.muli %add3A_955, %mul3A_956 : i32
          %mul3A_958 = arith.constant 128 : i32
          %mul3A_959 = arith.muli %mul3A_957, %mul3A_958 : i32
          %add3A_960 = arith.addi %mul3A_951, %mul3A_959 : i32
          %dma_start3A_961 = arith.constant 1 : i32
          %dma_start3A_962 = arith.constant 0 : i32
          %dma_start3A_963 = tpu.memref_slice %arg10[%dma_start3A_961, %dma_start3A_962] : memref<4x128xi32, #tpu.memory_space<vmem>> -> memref<1x128xi32, #tpu.memory_space<vmem>>
          %dma_start3A_964 = tpu.memref_squeeze %dma_start3A_963 : memref<1x128xi32, #tpu.memory_space<vmem>> -> memref<128xi32, #tpu.memory_space<vmem>>
          %dma_start3A_965 = tpu.memref_slice %arg4[%add3A_960] : memref<327680xi32, #tpu.memory_space<hbm>> -> memref<128xi32, #tpu.memory_space<hbm>>
          %dma_start3A_966 = arith.constant 0 : i32
          %dma_start3A_967 = tpu.memref_slice %arg10[%dma_start3A_961, %dma_start3A_966] : memref<4x128xi32, #tpu.memory_space<vmem>> -> memref<1x128xi32, #tpu.memory_space<vmem>>
          %dma_start3A_968 = tpu.memref_squeeze %dma_start3A_967 : memref<1x128xi32, #tpu.memory_space<vmem>> -> memref<128xi32, #tpu.memory_space<vmem>>
          %dma_start3A_969 = tpu.memref_slice %arg4[%add3A_960] : memref<327680xi32, #tpu.memory_space<hbm>> -> memref<128xi32, #tpu.memory_space<hbm>>
          tpu.enqueue_dma source(%dma_start3A_969 : memref<128xi32, #tpu.memory_space<hbm>>) target(%dma_start3A_968 : memref<128xi32, #tpu.memory_space<vmem>>) target_semaphore(%arg17 : memref<!tpu.dma_semaphore, #tpu.memory_space<semaphore_mem>>)
          %mul3A_970 = arith.constant 128 : i32
          %mul3A_971 = arith.muli %add3A, %mul3A_970 : i32
          %mul3A_972 = arith.constant 4 : i32
          %mul3A_973 = arith.muli %add3A_889, %mul3A_972 : i32
          %add3A_974 = arith.constant 2 : i32
          %add3A_975 = arith.addi %mul3A_973, %add3A_974 : i32
          %mul3A_976 = arith.constant 32 : i32
          %mul3A_977 = arith.muli %add3A_975, %mul3A_976 : i32
          %mul3A_978 = arith.constant 128 : i32
          %mul3A_979 = arith.muli %mul3A_977, %mul3A_978 : i32
          %add3A_980 = arith.addi %mul3A_971, %mul3A_979 : i32
          %dma_start3A_981 = arith.constant 2 : i32
          %dma_start3A_982 = arith.constant 0 : i32
          %dma_start3A_983 = tpu.memref_slice %arg8[%dma_start3A_981, %dma_start3A_982] : memref<4x128xi32, #tpu.memory_space<vmem>> -> memref<1x128xi32, #tpu.memory_space<vmem>>
          %dma_start3A_984 = tpu.memref_squeeze %dma_start3A_983 : memref<1x128xi32, #tpu.memory_space<vmem>> -> memref<128xi32, #tpu.memory_space<vmem>>
          %dma_start3A_985 = tpu.memref_slice %arg3[%add3A_980] : memref<327680xi32, #tpu.memory_space<hbm>> -> memref<128xi32, #tpu.memory_space<hbm>>
          %dma_start3A_986 = arith.constant 0 : i32
          %dma_start3A_987 = tpu.memref_slice %arg8[%dma_start3A_981, %dma_start3A_986] : memref<4x128xi32, #tpu.memory_space<vmem>> -> memref<1x128xi32, #tpu.memory_space<vmem>>
          %dma_start3A_988 = tpu.memref_squeeze %dma_start3A_987 : memref<1x128xi32, #tpu.memory_space<vmem>> -> memref<128xi32, #tpu.memory_space<vmem>>
          %dma_start3A_989 = tpu.memref_slice %arg3[%add3A_980] : memref<327680xi32, #tpu.memory_space<hbm>> -> memref<128xi32, #tpu.memory_space<hbm>>
          tpu.enqueue_dma source(%dma_start3A_989 : memref<128xi32, #tpu.memory_space<hbm>>) target(%dma_start3A_988 : memref<128xi32, #tpu.memory_space<vmem>>) target_semaphore(%arg15 : memref<!tpu.dma_semaphore, #tpu.memory_space<semaphore_mem>>)
          %mul3A_990 = arith.constant 128 : i32
          %mul3A_991 = arith.muli %add3A, %mul3A_990 : i32
          %mul3A_992 = arith.constant 4 : i32
          %mul3A_993 = arith.muli %add3A_889, %mul3A_992 : i32
          %add3A_994 = arith.constant 2 : i32
          %add3A_995 = arith.addi %mul3A_993, %add3A_994 : i32
          %mul3A_996 = arith.constant 32 : i32
          %mul3A_997 = arith.muli %add3A_995, %mul3A_996 : i32
          %mul3A_998 = arith.constant 128 : i32
          %mul3A_999 = arith.muli %mul3A_997, %mul3A_998 : i32
          %add3A_1000 = arith.addi %mul3A_991, %mul3A_999 : i32
          %dma_start3A_1001 = arith.constant 2 : i32
          %dma_start3A_1002 = arith.constant 0 : i32
          %dma_start3A_1003 = tpu.memref_slice %arg10[%dma_start3A_1001, %dma_start3A_1002] : memref<4x128xi32, #tpu.memory_space<vmem>> -> memref<1x128xi32, #tpu.memory_space<vmem>>
          %dma_start3A_1004 = tpu.memref_squeeze %dma_start3A_1003 : memref<1x128xi32, #tpu.memory_space<vmem>> -> memref<128xi32, #tpu.memory_space<vmem>>
          %dma_start3A_1005 = tpu.memref_slice %arg4[%add3A_1000] : memref<327680xi32, #tpu.memory_space<hbm>> -> memref<128xi32, #tpu.memory_space<hbm>>
          %dma_start3A_1006 = arith.constant 0 : i32
          %dma_start3A_1007 = tpu.memref_slice %arg10[%dma_start3A_1001, %dma_start3A_1006] : memref<4x128xi32, #tpu.memory_space<vmem>> -> memref<1x128xi32, #tpu.memory_space<vmem>>
          %dma_start3A_1008 = tpu.memref_squeeze %dma_start3A_1007 : memref<1x128xi32, #tpu.memory_space<vmem>> -> memref<128xi32, #tpu.memory_space<vmem>>
          %dma_start3A_1009 = tpu.memref_slice %arg4[%add3A_1000] : memref<327680xi32, #tpu.memory_space<hbm>> -> memref<128xi32, #tpu.memory_space<hbm>>
          tpu.enqueue_dma source(%dma_start3A_1009 : memref<128xi32, #tpu.memory_space<hbm>>) target(%dma_start3A_1008 : memref<128xi32, #tpu.memory_space<vmem>>) target_semaphore(%arg17 : memref<!tpu.dma_semaphore, #tpu.memory_space<semaphore_mem>>)
          %mul3A_1010 = arith.constant 128 : i32
          %mul3A_1011 = arith.muli %add3A, %mul3A_1010 : i32
          %mul3A_1012 = arith.constant 4 : i32
          %mul3A_1013 = arith.muli %add3A_889, %mul3A_1012 : i32
          %add3A_1014 = arith.constant 3 : i32
          %add3A_1015 = arith.addi %mul3A_1013, %add3A_1014 : i32
          %mul3A_1016 = arith.constant 32 : i32
          %mul3A_1017 = arith.muli %add3A_1015, %mul3A_1016 : i32
          %mul3A_1018 = arith.constant 128 : i32
          %mul3A_1019 = arith.muli %mul3A_1017, %mul3A_1018 : i32
          %add3A_1020 = arith.addi %mul3A_1011, %mul3A_1019 : i32
          %dma_start3A_1021 = arith.constant 3 : i32
          %dma_start3A_1022 = arith.constant 0 : i32
          %dma_start3A_1023 = tpu.memref_slice %arg8[%dma_start3A_1021, %dma_start3A_1022] : memref<4x128xi32, #tpu.memory_space<vmem>> -> memref<1x128xi32, #tpu.memory_space<vmem>>
          %dma_start3A_1024 = tpu.memref_squeeze %dma_start3A_1023 : memref<1x128xi32, #tpu.memory_space<vmem>> -> memref<128xi32, #tpu.memory_space<vmem>>
          %dma_start3A_1025 = tpu.memref_slice %arg3[%add3A_1020] : memref<327680xi32, #tpu.memory_space<hbm>> -> memref<128xi32, #tpu.memory_space<hbm>>
          %dma_start3A_1026 = arith.constant 0 : i32
          %dma_start3A_1027 = tpu.memref_slice %arg8[%dma_start3A_1021, %dma_start3A_1026] : memref<4x128xi32, #tpu.memory_space<vmem>> -> memref<1x128xi32, #tpu.memory_space<vmem>>
          %dma_start3A_1028 = tpu.memref_squeeze %dma_start3A_1027 : memref<1x128xi32, #tpu.memory_space<vmem>> -> memref<128xi32, #tpu.memory_space<vmem>>
          %dma_start3A_1029 = tpu.memref_slice %arg3[%add3A_1020] : memref<327680xi32, #tpu.memory_space<hbm>> -> memref<128xi32, #tpu.memory_space<hbm>>
          tpu.enqueue_dma source(%dma_start3A_1029 : memref<128xi32, #tpu.memory_space<hbm>>) target(%dma_start3A_1028 : memref<128xi32, #tpu.memory_space<vmem>>) target_semaphore(%arg15 : memref<!tpu.dma_semaphore, #tpu.memory_space<semaphore_mem>>)
          %mul3A_1030 = arith.constant 128 : i32
          %mul3A_1031 = arith.muli %add3A, %mul3A_1030 : i32
          %mul3A_1032 = arith.constant 4 : i32
          %mul3A_1033 = arith.muli %add3A_889, %mul3A_1032 : i32
          %add3A_1034 = arith.constant 3 : i32
          %add3A_1035 = arith.addi %mul3A_1033, %add3A_1034 : i32
          %mul3A_1036 = arith.constant 32 : i32
          %mul3A_1037 = arith.muli %add3A_1035, %mul3A_1036 : i32
          %mul3A_1038 = arith.constant 128 : i32
          %mul3A_1039 = arith.muli %mul3A_1037, %mul3A_1038 : i32
          %add3A_1040 = arith.addi %mul3A_1031, %mul3A_1039 : i32
          %dma_start3A_1041 = arith.constant 3 : i32
          %dma_start3A_1042 = arith.constant 0 : i32
          %dma_start3A_1043 = tpu.memref_slice %arg10[%dma_start3A_1041, %dma_start3A_1042] : memref<4x128xi32, #tpu.memory_space<vmem>> -> memref<1x128xi32, #tpu.memory_space<vmem>>
          %dma_start3A_1044 = tpu.memref_squeeze %dma_start3A_1043 : memref<1x128xi32, #tpu.memory_space<vmem>> -> memref<128xi32, #tpu.memory_space<vmem>>
          %dma_start3A_1045 = tpu.memref_slice %arg4[%add3A_1040] : memref<327680xi32, #tpu.memory_space<hbm>> -> memref<128xi32, #tpu.memory_space<hbm>>
          %dma_start3A_1046 = arith.constant 0 : i32
          %dma_start3A_1047 = tpu.memref_slice %arg10[%dma_start3A_1041, %dma_start3A_1046] : memref<4x128xi32, #tpu.memory_space<vmem>> -> memref<1x128xi32, #tpu.memory_space<vmem>>
          %dma_start3A_1048 = tpu.memref_squeeze %dma_start3A_1047 : memref<1x128xi32, #tpu.memory_space<vmem>> -> memref<128xi32, #tpu.memory_space<vmem>>
          %dma_start3A_1049 = tpu.memref_slice %arg4[%add3A_1040] : memref<327680xi32, #tpu.memory_space<hbm>> -> memref<128xi32, #tpu.memory_space<hbm>>
          tpu.enqueue_dma source(%dma_start3A_1049 : memref<128xi32, #tpu.memory_space<hbm>>) target(%dma_start3A_1048 : memref<128xi32, #tpu.memory_space<vmem>>) target_semaphore(%arg17 : memref<!tpu.dma_semaphore, #tpu.memory_space<semaphore_mem>>)
        } else {
        }
        %dma_start3A_868 = arith.constant 1 : i32
        %dma_start3A_869 = arith.constant 0 : i32
        %dma_start3A_870 = arith.constant 0 : i32
        %dma_start3A_871 = tpu.memref_slice %arg12[%dma_start3A_869, %dma_start3A_870] : memref<128x144xf32, #tpu.memory_space<vmem>> -> memref<64x144xf32, #tpu.memory_space<vmem>>
        %dma_start3A_872 = arith.constant 0 : i32
        %dma_start3A_873 = tpu.memref_slice %arg7[%dma_start3A_868, %dma_start3A_872] : memref<4x128xi32, #tpu.memory_space<vmem>> -> memref<1x64xi32, #tpu.memory_space<vmem>>
        %dma_start3A_874 = tpu.memref_squeeze %dma_start3A_873 : memref<1x64xi32, #tpu.memory_space<vmem>> -> memref<64xi32, #tpu.memory_space<vmem>>
        %dma_start3A_875 = arith.constant 0 : i32
        %dma_start3A_876 = arith.constant 0 : i32
        %dma_start3A_877 = tpu.memref_slice %arg2[%dma_start3A_875, %dma_start3A_876] : memref<10000x144xf32, #tpu.memory_space<hbm>> -> memref<10000x144xf32, #tpu.memory_space<hbm>>
        tpu.enqueue_indirect_dma source(%dma_start3A_877 : memref<10000x144xf32, #tpu.memory_space<hbm>>) target(%dma_start3A_871 : memref<64x144xf32, #tpu.memory_space<vmem>>) offsets(%dma_start3A_874 : memref<64xi32, #tpu.memory_space<vmem>>) semaphore(%arg19 : memref<!tpu.dma_semaphore, #tpu.memory_space<semaphore_mem>>)
        %dma_start3A_878 = arith.constant 1 : i32
        %dma_start3A_879 = arith.constant 64 : i32
        %dma_start3A_880 = arith.constant 0 : i32
        %dma_start3A_881 = tpu.memref_slice %arg12[%dma_start3A_879, %dma_start3A_880] : memref<128x144xf32, #tpu.memory_space<vmem>> -> memref<64x144xf32, #tpu.memory_space<vmem>>
        %dma_start3A_882 = arith.constant 64 : i32
        %dma_start3A_883 = tpu.memref_slice %arg7[%dma_start3A_878, %dma_start3A_882] : memref<4x128xi32, #tpu.memory_space<vmem>> -> memref<1x64xi32, #tpu.memory_space<vmem>>
        %dma_start3A_884 = tpu.memref_squeeze %dma_start3A_883 : memref<1x64xi32, #tpu.memory_space<vmem>> -> memref<64xi32, #tpu.memory_space<vmem>>
        %dma_start3A_885 = arith.constant 0 : i32
        %dma_start3A_886 = arith.constant 0 : i32
        %dma_start3A_887 = tpu.memref_slice %arg2[%dma_start3A_885, %dma_start3A_886] : memref<10000x144xf32, #tpu.memory_space<hbm>> -> memref<10000x144xf32, #tpu.memory_space<hbm>>
        tpu.enqueue_indirect_dma source(%dma_start3A_887 : memref<10000x144xf32, #tpu.memory_space<hbm>>) target(%dma_start3A_881 : memref<64x144xf32, #tpu.memory_space<vmem>>) offsets(%dma_start3A_884 : memref<64xi32, #tpu.memory_space<vmem>>) semaphore(%arg21 : memref<!tpu.dma_semaphore, #tpu.memory_space<semaphore_mem>>)
      } else {
      }
    }
    %scan3A_361 = arith.constant 10 : i32
    %barrier3A_362 = arith.constant 0 : index
    tpu.barrier barrier_id(%barrier3A_362)
    %mul3A_363 = arith.constant 632 : i32
    %mul3A_364 = arith.muli %arg1, %mul3A_363 : i32
    %mul3A_365 = arith.constant 632 : i32
    %mul3A_366 = arith.muli %arg1, %mul3A_365 : i32
    "tpu.region"() ({
      %run_scoped3A = tpu.sem_alloc : memref<!tpu.dma_semaphore, #tpu.memory_space<semaphore_mem>>
      %dma_start3A_367 = arith.constant 0 : i32
      %dma_start3A_368 = arith.constant 0 : i32
      %dma_start3A_369 = tpu.memref_slice %arg6[%arg0, %dma_start3A_367, %dma_start3A_368] : memref<2x10112x144xf32, #tpu.memory_space<hbm>> -> memref<1x10112x144xf32, #tpu.memory_space<hbm>>
      %dma_start3A_370 = tpu.memref_squeeze %dma_start3A_369 : memref<1x10112x144xf32, #tpu.memory_space<hbm>> -> memref<10112x144xf32, #tpu.memory_space<hbm>>
      %dma_start3A_371 = arith.constant 0 : i32
      %dma_start3A_372 = tpu.memref_slice %dma_start3A_370[%mul3A_366, %dma_start3A_371] : memref<10112x144xf32, #tpu.memory_space<hbm>> -> memref<632x144xf32, #tpu.memory_space<hbm>>
      %dma_start3A_373 = arith.constant 0 : i32
      %dma_start3A_374 = tpu.memref_slice %arg13[%mul3A_364, %dma_start3A_373] : memref<10120x144xf32, #tpu.memory_space<vmem_shared>> -> memref<632x144xf32, #tpu.memory_space<vmem_shared>>
      tpu.enqueue_dma source(%dma_start3A_374 : memref<632x144xf32, #tpu.memory_space<vmem_shared>>) target(%dma_start3A_372 : memref<632x144xf32, #tpu.memory_space<hbm>>) target_semaphore(%run_scoped3A : memref<!tpu.dma_semaphore, #tpu.memory_space<semaphore_mem>>)
      %dma_wait3A_375 = arith.constant 0 : i32
      %dma_wait3A_376 = arith.constant 0 : i32
      %dma_wait3A_377 = tpu.memref_slice %arg6[%arg0, %dma_wait3A_375, %dma_wait3A_376] : memref<2x10112x144xf32, #tpu.memory_space<hbm>> -> memref<1x10112x144xf32, #tpu.memory_space<hbm>>
      %dma_wait3A_378 = tpu.memref_squeeze %dma_wait3A_377 : memref<1x10112x144xf32, #tpu.memory_space<hbm>> -> memref<10112x144xf32, #tpu.memory_space<hbm>>
      %dma_wait3A_379 = arith.constant 0 : i32
      %dma_wait3A_380 = tpu.memref_slice %dma_wait3A_378[%mul3A_366, %dma_wait3A_379] : memref<10112x144xf32, #tpu.memory_space<hbm>> -> memref<632x144xf32, #tpu.memory_space<hbm>>
      %dma_wait3A_381 = arith.constant 0 : i32
      %dma_wait3A_382 = tpu.memref_slice %arg13[%mul3A_364, %dma_wait3A_381] : memref<10120x144xf32, #tpu.memory_space<vmem_shared>> -> memref<632x144xf32, #tpu.memory_space<vmem_shared>>
      tpu.wait_dma2 semaphore(%run_scoped3A : memref<!tpu.dma_semaphore, #tpu.memory_space<semaphore_mem>>) src(%dma_wait3A_382 : memref<632x144xf32, #tpu.memory_space<vmem_shared>>) dst(%dma_wait3A_380 : memref<632x144xf32, #tpu.memory_space<hbm>>)
      tpu.yield
    }) : () -> ()
    return
  }
}

module attributes {stable_mosaic.version = 14 : i64} {
  func.func @_edge_net_kernel(%arg0: memref<1x1xf32, #tpu.memory_space<vmem>>, %arg1: memref<1x32xf32, #tpu.memory_space<vmem>>, %arg2: memref<1x32xf32, #tpu.memory_space<vmem>>, %arg3: memref<32x17424xf32, #tpu.memory_space<vmem>>, %arg4: memref<1x17424xf32, #tpu.memory_space<vmem>>, %arg5: memref<1x17424xf32, #tpu.memory_space<vmem>>) attributes {dimension_semantics = [], scalar_prefetch = 0 : i64, scratch_operands = 0 : i64, tpu.core_type = #tpu.core_type<tc>} {
    %get3A = arith.constant 0 : index
    %get3A_0 = arith.constant 0 : index
    %get3A_1 = vector.load %arg0[%get3A, %get3A_0] : memref<1x1xf32, #tpu.memory_space<vmem>>, vector<1x1xf32>
    %get3A_2 = arith.constant 0 : index
    %get3A_3 = arith.constant 0 : index
    %get3A_4 = vector.load %arg1[%get3A_2, %get3A_3] : memref<1x32xf32, #tpu.memory_space<vmem>>, vector<1x32xf32>
    %dot_general3A = arith.constant dense<0.000000e+00> : vector<1x32xf32>
    %dot_general3A_5 = tpu.matmul %get3A_1, %get3A_4, %dot_general3A {dimension_numbers = #tpu.dot_dimension_numbers<[1], [0], [0], [1], [0, 0, 1, 1], [], []>, transpose_lhs_hint = false} : vector<1x1xf32>, vector<1x32xf32>, vector<1x32xf32> -> vector<1x32xf32>
    %get3A_6 = arith.constant 0 : index
    %get3A_7 = arith.constant 0 : index
    %get3A_8 = vector.load %arg2[%get3A_6, %get3A_7] : memref<1x32xf32, #tpu.memory_space<vmem>>, vector<1x32xf32>
    %add3A = arith.addf %dot_general3A_5, %get3A_8 : vector<1x32xf32>
    %max3A = arith.constant 0.000000e+00 : f32
    %max3A_9 = vector.broadcast %max3A : f32 to vector<1x32xf32>
    %max3A_10 = arith.maximumf %add3A, %max3A_9 : vector<1x32xf32>
    %get3A_11 = arith.constant 0 : index
    %get3A_12 = arith.constant 0 : index
    %get3A_13 = vector.load %arg3[%get3A_11, %get3A_12] : memref<32x17424xf32, #tpu.memory_space<vmem>>, vector<32x17424xf32>
    %dot_general3A_14 = arith.constant dense<0.000000e+00> : vector<1x17424xf32>
    %dot_general3A_15 = tpu.matmul %max3A_10, %get3A_13, %dot_general3A_14 {dimension_numbers = #tpu.dot_dimension_numbers<[1], [0], [0], [1], [0, 0, 1, 1], [], []>, transpose_lhs_hint = false} : vector<1x32xf32>, vector<32x17424xf32>, vector<1x17424xf32> -> vector<1x17424xf32>
    %get3A_16 = arith.constant 0 : index
    %get3A_17 = arith.constant 0 : index
    %get3A_18 = vector.load %arg4[%get3A_16, %get3A_17] : memref<1x17424xf32, #tpu.memory_space<vmem>>, vector<1x17424xf32>
    %add3A_19 = arith.addf %dot_general3A_15, %get3A_18 : vector<1x17424xf32>
    %swap3A = arith.constant 0 : index
    %swap3A_20 = arith.constant 0 : index
    %swap3A_21 = vector.load %arg5[%swap3A, %swap3A_20] : memref<1x17424xf32, #tpu.memory_space<vmem>>, vector<1x17424xf32>
    tpu.vector_store %arg5[%swap3A, %swap3A_20], %add3A_19 {strides = array<i32>} : memref<1x17424xf32, #tpu.memory_space<vmem>>, vector<1x17424xf32>,
    return
  }
}

module attributes {stable_mosaic.version = 14 : i64} {
  func.func @_node_proj_kernel(%arg0: i32, %arg1: memref<2000x132xf32, #tpu.memory_space<vmem>>, %arg2: memref<132x132xf32, #tpu.memory_space<vmem>>, %arg3: memref<1x132xf32, #tpu.memory_space<vmem>>, %arg4: memref<132x132xf32, #tpu.memory_space<vmem>>, %arg5: memref<2000x132xf32, #tpu.memory_space<vmem>>, %arg6: memref<2000x144xf32, #tpu.memory_space<vmem>>) attributes {dimension_semantics = [#tpu.dimension_semantics<arbitrary>], iteration_bounds = array<i64: 5>, scalar_prefetch = 0 : i64, scratch_operands = 0 : i64, tpu.core_type = #tpu.core_type<tc>, window_params = [{transform_indices = @transform_0, window_bounds = array<i64: 2000, 132>}, {pipeline_mode = #tpu.pipeline_mode<synchronous>, transform_indices = @transform_1, window_bounds = array<i64: 132, 132>}, {pipeline_mode = #tpu.pipeline_mode<synchronous>, transform_indices = @transform_2, window_bounds = array<i64: 1, 132>}, {pipeline_mode = #tpu.pipeline_mode<synchronous>, transform_indices = @transform_3, window_bounds = array<i64: 132, 132>}, {transform_indices = @transform_4, window_bounds = array<i64: 2000, 132>}, {transform_indices = @transform_5, window_bounds = array<i64: 2000, 144>}]} {
    %get3A = arith.constant 0 : index
    %get3A_0 = arith.constant 0 : index
    %get3A_1 = vector.load %arg1[%get3A, %get3A_0] : memref<2000x132xf32, #tpu.memory_space<vmem>>, vector<2000x132xf32>
    %get3A_2 = arith.constant 0 : index
    %get3A_3 = arith.constant 0 : index
    %get3A_4 = vector.load %arg2[%get3A_2, %get3A_3] : memref<132x132xf32, #tpu.memory_space<vmem>>, vector<132x132xf32>
    %dot_general3A = arith.constant dense<0.000000e+00> : vector<2000x132xf32>
    %dot_general3A_5 = tpu.matmul %get3A_1, %get3A_4, %dot_general3A {dimension_numbers = #tpu.dot_dimension_numbers<[1], [0], [0], [1], [0, 0, 1, 1], [], []>, transpose_lhs_hint = false} : vector<2000x132xf32>, vector<132x132xf32>, vector<2000x132xf32> -> vector<2000x132xf32>
    %get3A_6 = arith.constant 0 : index
    %get3A_7 = arith.constant 0 : index
    %get3A_8 = vector.load %arg3[%get3A_6, %get3A_7] : memref<1x132xf32, #tpu.memory_space<vmem>>, vector<1x132xf32>
    %add3A = vector.broadcast %get3A_8 : vector<1x132xf32> to vector<2000x132xf32>
    %add3A_9 = arith.addf %dot_general3A_5, %add3A : vector<2000x132xf32>
    %max3A = arith.constant 0.000000e+00 : f32
    %max3A_10 = vector.broadcast %max3A : f32 to vector<2000x132xf32>
    %max3A_11 = arith.maximumf %add3A_9, %max3A_10 : vector<2000x132xf32>
    %swap3A = arith.constant 0 : index
    %swap3A_12 = arith.constant 0 : index
    %swap3A_13 = vector.load %arg5[%swap3A, %swap3A_12] : memref<2000x132xf32, #tpu.memory_space<vmem>>, vector<2000x132xf32>
    tpu.vector_store %arg5[%swap3A, %swap3A_12], %max3A_11 {strides = array<i32>} : memref<2000x132xf32, #tpu.memory_space<vmem>>, vector<2000x132xf32>,
    %get3A_14 = arith.constant 0 : index
    %get3A_15 = arith.constant 0 : index
    %get3A_16 = vector.load %arg4[%get3A_14, %get3A_15] : memref<132x132xf32, #tpu.memory_space<vmem>>, vector<132x132xf32>
    %dot_general3A_17 = arith.constant dense<0.000000e+00> : vector<2000x132xf32>
    %dot_general3A_18 = tpu.matmul %max3A_11, %get3A_16, %dot_general3A_17 {dimension_numbers = #tpu.dot_dimension_numbers<[1], [0], [0], [1], [0, 0, 1, 1], [], []>, transpose_lhs_hint = false} : vector<2000x132xf32>, vector<132x132xf32>, vector<2000x132xf32> -> vector<2000x132xf32>
    %broadcast_in_dim3A = arith.constant 0.000000e+00 : f32
    %broadcast_in_dim3A_19 = vector.broadcast %broadcast_in_dim3A : f32 to vector<2000x12xf32>
    %concatenate3A = tpu.concatenate %dot_general3A_18, %broadcast_in_dim3A_19 in 1 : vector<2000x132xf32>, vector<2000x12xf32> -> vector<2000x144xf32>
    %swap3A_20 = arith.constant 0 : index
    %swap3A_21 = arith.constant 0 : index
    %swap3A_22 = vector.load %arg6[%swap3A_20, %swap3A_21] : memref<2000x144xf32, #tpu.memory_space<vmem>>, vector<2000x144xf32>
    tpu.vector_store %arg6[%swap3A_20, %swap3A_21], %concatenate3A {strides = array<i32>} : memref<2000x144xf32, #tpu.memory_space<vmem>>, vector<2000x144xf32>,
    return
  }
  func.func @transform_0(%arg0: i32) -> (i32, i32) {
    %c0_i32 = arith.constant 0 : i32
    %c0_i32_0 = arith.constant 0 : i32
    return %arg0, %c0_i32 : i32, i32
  }
  func.func @transform_1(%arg0: i32) -> (i32, i32) {
    %c0_i32 = arith.constant 0 : i32
    %c0_i32_0 = arith.constant 0 : i32
    %c0_i32_1 = arith.constant 0 : i32
    return %c0_i32, %c0_i32_0 : i32, i32
  }
  func.func @transform_2(%arg0: i32) -> (i32, i32) {
    %c0_i32 = arith.constant 0 : i32
    %c0_i32_0 = arith.constant 0 : i32
    %c0_i32_1 = arith.constant 0 : i32
    return %c0_i32, %c0_i32_0 : i32, i32
  }
  func.func @transform_3(%arg0: i32) -> (i32, i32) {
    %c0_i32 = arith.constant 0 : i32
    %c0_i32_0 = arith.constant 0 : i32
    %c0_i32_1 = arith.constant 0 : i32
    return %c0_i32, %c0_i32_0 : i32, i32
  }
  func.func @transform_4(%arg0: i32) -> (i32, i32) {
    %c0_i32 = arith.constant 0 : i32
    %c0_i32_0 = arith.constant 0 : i32
    return %arg0, %c0_i32 : i32, i32
  }
  func.func @transform_5(%arg0: i32) -> (i32, i32) {
    %c0_i32 = arith.constant 0 : i32
    %c0_i32_0 = arith.constant 0 : i32
    return %arg0, %c0_i32 : i32, i32
  }
}

module attributes {stable_mosaic.version = 14 : i64} {
  func.func @_gru_kernel(%arg0: i32, %arg1: memref<2x2000x144xf32, #tpu.memory_space<vmem>>, %arg2: memref<2000x132xf32, #tpu.memory_space<vmem>>, %arg3: memref<132x132xf32, #tpu.memory_space<vmem>>, %arg4: memref<132x132xf32, #tpu.memory_space<vmem>>, %arg5: memref<132x132xf32, #tpu.memory_space<vmem>>, %arg6: memref<3x132xf32, #tpu.memory_space<vmem>>, %arg7: memref<132x132xf32, #tpu.memory_space<vmem>>, %arg8: memref<132x132xf32, #tpu.memory_space<vmem>>, %arg9: memref<132x132xf32, #tpu.memory_space<vmem>>, %arg10: memref<3x132xf32, #tpu.memory_space<vmem>>, %arg11: memref<2000x132xf32, #tpu.memory_space<vmem>>) attributes {dimension_semantics = [#tpu.dimension_semantics<arbitrary>], iteration_bounds = array<i64: 5>, scalar_prefetch = 0 : i64, scratch_operands = 0 : i64, tpu.core_type = #tpu.core_type<tc>, window_params = [{transform_indices = @transform_0, window_bounds = array<i64: 2, 2000, 144>}, {transform_indices = @transform_1, window_bounds = array<i64: 2000, 132>}, {pipeline_mode = #tpu.pipeline_mode<synchronous>, transform_indices = @transform_2, window_bounds = array<i64: 132, 132>}, {pipeline_mode = #tpu.pipeline_mode<synchronous>, transform_indices = @transform_3, window_bounds = array<i64: 132, 132>}, {pipeline_mode = #tpu.pipeline_mode<synchronous>, transform_indices = @transform_4, window_bounds = array<i64: 132, 132>}, {pipeline_mode = #tpu.pipeline_mode<synchronous>, transform_indices = @transform_5, window_bounds = array<i64: 3, 132>}, {pipeline_mode = #tpu.pipeline_mode<synchronous>, transform_indices = @transform_6, window_bounds = array<i64: 132, 132>}, {pipeline_mode = #tpu.pipeline_mode<synchronous>, transform_indices = @transform_7, window_bounds = array<i64: 132, 132>}, {pipeline_mode = #tpu.pipeline_mode<synchronous>, transform_indices = @transform_8, window_bounds = array<i64: 132, 132>}, {pipeline_mode = #tpu.pipeline_mode<synchronous>, transform_indices = @transform_9, window_bounds = array<i64: 3, 132>}, {transform_indices = @transform_10, window_bounds = array<i64: 2000, 132>}]} {
    %get3A = arith.constant 0 : index
    %get3A_0 = arith.constant 0 : index
    %get3A_1 = arith.constant 0 : index
    %get3A_2 = vector.load %arg1[%get3A, %get3A_0, %get3A_1] : memref<2x2000x144xf32, #tpu.memory_space<vmem>>, vector<1x2000x132xf32>
    %get3A_3 = vector.shape_cast %get3A_2 : vector<1x2000x132xf32> to vector<2000x132xf32>
    %get3A_4 = arith.constant 1 : index
    %get3A_5 = arith.constant 0 : index
    %get3A_6 = arith.constant 0 : index
    %get3A_7 = vector.load %arg1[%get3A_4, %get3A_5, %get3A_6] : memref<2x2000x144xf32, #tpu.memory_space<vmem>>, vector<1x2000x132xf32>
    %get3A_8 = vector.shape_cast %get3A_7 : vector<1x2000x132xf32> to vector<2000x132xf32>
    %add3A = arith.addf %get3A_3, %get3A_8 : vector<2000x132xf32>
    %max3A = arith.constant 0.000000e+00 : f32
    %max3A_9 = vector.broadcast %max3A : f32 to vector<2000x132xf32>
    %max3A_10 = arith.maximumf %add3A, %max3A_9 : vector<2000x132xf32>
    %get3A_11 = arith.constant 0 : index
    %get3A_12 = arith.constant 0 : index
    %get3A_13 = vector.load %arg2[%get3A_11, %get3A_12] : memref<2000x132xf32, #tpu.memory_space<vmem>>, vector<2000x132xf32>
    %get3A_14 = arith.constant 0 : index
    %get3A_15 = arith.constant 0 : index
    %get3A_16 = vector.load %arg3[%get3A_14, %get3A_15] : memref<132x132xf32, #tpu.memory_space<vmem>>, vector<132x132xf32>
    %dot_general3A = arith.constant dense<0.000000e+00> : vector<2000x132xf32>
    %dot_general3A_17 = tpu.matmul %max3A_10, %get3A_16, %dot_general3A {dimension_numbers = #tpu.dot_dimension_numbers<[1], [0], [0], [1], [0, 0, 1, 1], [], []>, transpose_lhs_hint = false} : vector<2000x132xf32>, vector<132x132xf32>, vector<2000x132xf32> -> vector<2000x132xf32>
    %get3A_18 = arith.constant 0 : index
    %get3A_19 = arith.constant 0 : index
    %get3A_20 = vector.load %arg6[%get3A_18, %get3A_19] : memref<3x132xf32, #tpu.memory_space<vmem>>, vector<1x132xf32>
    %add3A_21 = vector.broadcast %get3A_20 : vector<1x132xf32> to vector<2000x132xf32>
    %add3A_22 = arith.addf %dot_general3A_17, %add3A_21 : vector<2000x132xf32>
    %get3A_23 = arith.constant 0 : index
    %get3A_24 = arith.constant 0 : index
    %get3A_25 = vector.load %arg7[%get3A_23, %get3A_24] : memref<132x132xf32, #tpu.memory_space<vmem>>, vector<132x132xf32>
    %dot_general3A_26 = arith.constant dense<0.000000e+00> : vector<2000x132xf32>
    %dot_general3A_27 = tpu.matmul %get3A_13, %get3A_25, %dot_general3A_26 {dimension_numbers = #tpu.dot_dimension_numbers<[1], [0], [0], [1], [0, 0, 1, 1], [], []>, transpose_lhs_hint = false} : vector<2000x132xf32>, vector<132x132xf32>, vector<2000x132xf32> -> vector<2000x132xf32>
    %add3A_28 = arith.addf %add3A_22, %dot_general3A_27 : vector<2000x132xf32>
    %get3A_29 = arith.constant 0 : index
    %get3A_30 = arith.constant 0 : index
    %get3A_31 = vector.load %arg10[%get3A_29, %get3A_30] : memref<3x132xf32, #tpu.memory_space<vmem>>, vector<1x132xf32>
    %add3A_32 = vector.broadcast %get3A_31 : vector<1x132xf32> to vector<2000x132xf32>
    %add3A_33 = arith.addf %add3A_28, %add3A_32 : vector<2000x132xf32>
    %logistic3A = arith.negf %add3A_33 : vector<2000x132xf32>
    %logistic3A_34 = math.exp %logistic3A : vector<2000x132xf32>
    %logistic3A_35 = arith.constant 1.000000e+00 : f32
    %logistic3A_36 = vector.broadcast %logistic3A_35 : f32 to vector<2000x132xf32>
    %logistic3A_37 = arith.addf %logistic3A_36, %logistic3A_34 : vector<2000x132xf32>
    %logistic3A_38 = arith.divf %logistic3A_36, %logistic3A_37 : vector<2000x132xf32>
    %get3A_39 = arith.constant 0 : index
    %get3A_40 = arith.constant 0 : index
    %get3A_41 = vector.load %arg4[%get3A_39, %get3A_40] : memref<132x132xf32, #tpu.memory_space<vmem>>, vector<132x132xf32>
    %dot_general3A_42 = arith.constant dense<0.000000e+00> : vector<2000x132xf32>
    %dot_general3A_43 = tpu.matmul %max3A_10, %get3A_41, %dot_general3A_42 {dimension_numbers = #tpu.dot_dimension_numbers<[1], [0], [0], [1], [0, 0, 1, 1], [], []>, transpose_lhs_hint = false} : vector<2000x132xf32>, vector<132x132xf32>, vector<2000x132xf32> -> vector<2000x132xf32>
    %get3A_44 = arith.constant 1 : index
    %get3A_45 = arith.constant 0 : index
    %get3A_46 = vector.load %arg6[%get3A_44, %get3A_45] : memref<3x132xf32, #tpu.memory_space<vmem>>, vector<1x132xf32>
    %add3A_47 = vector.broadcast %get3A_46 : vector<1x132xf32> to vector<2000x132xf32>
    %add3A_48 = arith.addf %dot_general3A_43, %add3A_47 : vector<2000x132xf32>
    %get3A_49 = arith.constant 0 : index
    %get3A_50 = arith.constant 0 : index
    %get3A_51 = vector.load %arg8[%get3A_49, %get3A_50] : memref<132x132xf32, #tpu.memory_space<vmem>>, vector<132x132xf32>
    %dot_general3A_52 = arith.constant dense<0.000000e+00> : vector<2000x132xf32>
    %dot_general3A_53 = tpu.matmul %get3A_13, %get3A_51, %dot_general3A_52 {dimension_numbers = #tpu.dot_dimension_numbers<[1], [0], [0], [1], [0, 0, 1, 1], [], []>, transpose_lhs_hint = false} : vector<2000x132xf32>, vector<132x132xf32>, vector<2000x132xf32> -> vector<2000x132xf32>
    %add3A_54 = arith.addf %add3A_48, %dot_general3A_53 : vector<2000x132xf32>
    %get3A_55 = arith.constant 1 : index
    %get3A_56 = arith.constant 0 : index
    %get3A_57 = vector.load %arg10[%get3A_55, %get3A_56] : memref<3x132xf32, #tpu.memory_space<vmem>>, vector<1x132xf32>
    %add3A_58 = vector.broadcast %get3A_57 : vector<1x132xf32> to vector<2000x132xf32>
    %add3A_59 = arith.addf %add3A_54, %add3A_58 : vector<2000x132xf32>
    %logistic3A_60 = arith.negf %add3A_59 : vector<2000x132xf32>
    %logistic3A_61 = math.exp %logistic3A_60 : vector<2000x132xf32>
    %logistic3A_62 = arith.constant 1.000000e+00 : f32
    %logistic3A_63 = vector.broadcast %logistic3A_62 : f32 to vector<2000x132xf32>
    %logistic3A_64 = arith.addf %logistic3A_63, %logistic3A_61 : vector<2000x132xf32>
    %logistic3A_65 = arith.divf %logistic3A_63, %logistic3A_64 : vector<2000x132xf32>
    %get3A_66 = arith.constant 0 : index
    %get3A_67 = arith.constant 0 : index
    %get3A_68 = vector.load %arg5[%get3A_66, %get3A_67] : memref<132x132xf32, #tpu.memory_space<vmem>>, vector<132x132xf32>
    %dot_general3A_69 = arith.constant dense<0.000000e+00> : vector<2000x132xf32>
    %dot_general3A_70 = tpu.matmul %max3A_10, %get3A_68, %dot_general3A_69 {dimension_numbers = #tpu.dot_dimension_numbers<[1], [0], [0], [1], [0, 0, 1, 1], [], []>, transpose_lhs_hint = false} : vector<2000x132xf32>, vector<132x132xf32>, vector<2000x132xf32> -> vector<2000x132xf32>
    %get3A_71 = arith.constant 2 : index
    %get3A_72 = arith.constant 0 : index
    %get3A_73 = vector.load %arg6[%get3A_71, %get3A_72] : memref<3x132xf32, #tpu.memory_space<vmem>>, vector<1x132xf32>
    %add3A_74 = vector.broadcast %get3A_73 : vector<1x132xf32> to vector<2000x132xf32>
    %add3A_75 = arith.addf %dot_general3A_70, %add3A_74 : vector<2000x132xf32>
    %get3A_76 = arith.constant 0 : index
    %get3A_77 = arith.constant 0 : index
    %get3A_78 = vector.load %arg9[%get3A_76, %get3A_77] : memref<132x132xf32, #tpu.memory_space<vmem>>, vector<132x132xf32>
    %dot_general3A_79 = arith.constant dense<0.000000e+00> : vector<2000x132xf32>
    %dot_general3A_80 = tpu.matmul %get3A_13, %get3A_78, %dot_general3A_79 {dimension_numbers = #tpu.dot_dimension_numbers<[1], [0], [0], [1], [0, 0, 1, 1], [], []>, transpose_lhs_hint = false} : vector<2000x132xf32>, vector<132x132xf32>, vector<2000x132xf32> -> vector<2000x132xf32>
    %get3A_81 = arith.constant 2 : index
    %get3A_82 = arith.constant 0 : index
    %get3A_83 = vector.load %arg10[%get3A_81, %get3A_82] : memref<3x132xf32, #tpu.memory_space<vmem>>, vector<1x132xf32>
    %add3A_84 = vector.broadcast %get3A_83 : vector<1x132xf32> to vector<2000x132xf32>
    %add3A_85 = arith.addf %dot_general3A_80, %add3A_84 : vector<2000x132xf32>
    %mul3A = arith.mulf %logistic3A_38, %add3A_85 : vector<2000x132xf32>
    %add3A_86 = arith.addf %add3A_75, %mul3A : vector<2000x132xf32>
    %tanh3A = math.tanh %add3A_86 : vector<2000x132xf32>
    %sub3A = arith.constant 1.000000e+00 : f32
    %sub3A_87 = vector.broadcast %sub3A : f32 to vector<2000x132xf32>
    %sub3A_88 = arith.subf %sub3A_87, %logistic3A_65 : vector<2000x132xf32>
    %mul3A_89 = arith.mulf %sub3A_88, %tanh3A : vector<2000x132xf32>
    %mul3A_90 = arith.mulf %logistic3A_65, %get3A_13 : vector<2000x132xf32>
    %add3A_91 = arith.addf %mul3A_89, %mul3A_90 : vector<2000x132xf32>
    %swap3A = arith.constant 0 : index
    %swap3A_92 = arith.constant 0 : index
    %swap3A_93 = vector.load %arg11[%swap3A, %swap3A_92] : memref<2000x132xf32, #tpu.memory_space<vmem>>, vector<2000x132xf32>
    tpu.vector_store %arg11[%swap3A, %swap3A_92], %add3A_91 {strides = array<i32>} : memref<2000x132xf32, #tpu.memory_space<vmem>>, vector<2000x132xf32>,
    return
  }
  func.func @transform_0(%arg0: i32) -> (i32, i32, i32) {
    %c0_i32 = arith.constant 0 : i32
    %c0_i32_0 = arith.constant 0 : i32
    %c0_i32_1 = arith.constant 0 : i32
    return %c0_i32, %arg0, %c0_i32_0 : i32, i32, i32
  }
  func.func @transform_1(%arg0: i32) -> (i32, i32) {
    %c0_i32 = arith.constant 0 : i32
    %c0_i32_0 = arith.constant 0 : i32
    return %arg0, %c0_i32 : i32, i32
  }
  func.func @transform_2(%arg0: i32) -> (i32, i32) {
    %c0_i32 = arith.constant 0 : i32
    %c0_i32_0 = arith.constant 0 : i32
    %c0_i32_1 = arith.constant 0 : i32
    return %c0_i32, %c0_i32_0 : i32, i32
  }
  func.func @transform_3(%arg0: i32) -> (i32, i32) {
    %c0_i32 = arith.constant 0 : i32
    %c0_i32_0 = arith.constant 0 : i32
    %c0_i32_1 = arith.constant 0 : i32
    return %c0_i32, %c0_i32_0 : i32, i32
  }
  func.func @transform_4(%arg0: i32) -> (i32, i32) {
    %c0_i32 = arith.constant 0 : i32
    %c0_i32_0 = arith.constant 0 : i32
    %c0_i32_1 = arith.constant 0 : i32
    return %c0_i32, %c0_i32_0 : i32, i32
  }
  func.func @transform_5(%arg0: i32) -> (i32, i32) {
    %c0_i32 = arith.constant 0 : i32
    %c0_i32_0 = arith.constant 0 : i32
    %c0_i32_1 = arith.constant 0 : i32
    return %c0_i32, %c0_i32_0 : i32, i32
  }
  func.func @transform_6(%arg0: i32) -> (i32, i32) {
    %c0_i32 = arith.constant 0 : i32
    %c0_i32_0 = arith.constant 0 : i32
    %c0_i32_1 = arith.constant 0 : i32
    return %c0_i32, %c0_i32_0 : i32, i32
  }
  func.func @transform_7(%arg0: i32) -> (i32, i32) {
    %c0_i32 = arith.constant 0 : i32
    %c0_i32_0 = arith.constant 0 : i32
    %c0_i32_1 = arith.constant 0 : i32
    return %c0_i32, %c0_i32_0 : i32, i32
  }
  func.func @transform_8(%arg0: i32) -> (i32, i32) {
    %c0_i32 = arith.constant 0 : i32
    %c0_i32_0 = arith.constant 0 : i32
    %c0_i32_1 = arith.constant 0 : i32
    return %c0_i32, %c0_i32_0 : i32, i32
  }
  func.func @transform_9(%arg0: i32) -> (i32, i32) {
    %c0_i32 = arith.constant 0 : i32
    %c0_i32_0 = arith.constant 0 : i32
    %c0_i32_1 = arith.constant 0 : i32
    return %c0_i32, %c0_i32_0 : i32, i32
  }
  func.func @transform_10(%arg0: i32) -> (i32, i32) {
    %c0_i32 = arith.constant 0 : i32
    %c0_i32_0 = arith.constant 0 : i32
    return %arg0, %c0_i32 : i32, i32
  }
}

</mosaic_0001>

<sc_bundles>
// kernel: kernel.6.cloned.1.call-start
scs
__scs_entry_jumppad:
0x0: {  	(pc) =	sbr.rel $0x88, $3  }
0x1: {  	(tag) =	ssettag $0x0;
	lr =	simm.s32 $0x1  }
0x2: {  	[smem:$0x3F94] =	sst lr;
	_ =	strace $0xD0000000  }
0x3: {  	_ = 	snop  }
0x4: {  	_ = 	snop  }
0x5: {  	_ = 	snop  }
0x6: {  	_ = 	snop  }
0x7: {  	_ = 	snop  }
__scs_overlays_trampoline_lowered:
0x8: {  	[smem:$0x3FA3] =	sst s0  }
0x9: {  	[smem:$0x3FA4] =	sst s1  }
0xa: {  	[smem:$0x3FA5] =	sst s2  }
0xb: {  	[smem:$0x3FA6] =	sst s3  }
0xc: {  	[smem:$0x3FA7] =	sst s4  }
0xd: {  	[smem:$0x3FA8] =	sst s5  }
0xe: {  	[smem:$0x3FA9] =	sst s6  }
0xf: {  	[smem:$0x3FAA] =	sst s7  }
0x10: {  	[smem:$0x3FAB] =	sst s8  }
0x11: {  	[smem:$0x3FAC] =	sst s9;
	s0 =	simm.s32 @!p0 $0x0  }
0x12: {  	s1 =	sld [smem:$0x3F92];
	s0 =	simm.s32 @p0 $0x1  }
0x13: {  	[smem:$0x3FAD] =	sst s0;
	s0 =	simm.s32 @!p1 $0x0  }
0x14: {  	s2 =	sld [smem:$0x3F91];
	s0 =	simm.s32 @p1 $0x1  }
0x15: {  	[smem:$0x3FAE] =	sst s0;
	s0 =	simm.s32 @!p2 $0x0  }
0x16: {  	s3 =	sld [smem:$0x3FDB];
	s0 =	simm.s32 @p2 $0x1  }
0x17: {  	s4 =	simm.s32 $0x1BF5;
	[smem:$0x3FB0] =	sst s0  }
0x18: {  	s0 =	sld [smem:$0x3F93];
	_ =	swait.ge [sflag:s4], $0x0  }
0x19: {  	s7 =	sld [smem:$0x3F94]  }
0x1a: {  	s8 =	sadd.s32 $0xFFFFE003, lr  }
0x1b: {  	s9 =	sadd.s32 $0xFFFFFEF7, lr;
	s5 =	simm.s32 $0xFFFFFFFF;
	p2 =	slt.u32 s8, $0xFFFFF086  }
0x1c: {  	p1 =	slt.u32 s9, $0xF7A;
	s5 =	simm.s32 @!p2 $0x0  }
0x1d: {  	s5 =	simm.s32 @p1 $0x1;
	p0 =	seq.s32 s7, s2  }
0x1e: {  	s7 =	smul.u32 @!p0 $0xF7A, s2;
	p2 =	seq.s32 @!p0 s5, $0x0  }
0x1f: {  	s9 =	smul.u32 $0xF7A, s1;
	s8 =	simm.s32 @!p0 $0x1BF5;
	p2 =	por !p2, p0  }
0x20: {  	[sflag:s8] =	ssyncset.s32 @!p0 $0xFFFFF086;
	s6 =	sadd.s32 @!p0 s3, s7;
	s7 =	simm.s32 @!p0 $0x108  }
0x21: {  	s3 =	sadd.s32 s3, s9;
	s6 =	sadd.s32 @!p0 $0x88, s6;
	s7 =	simm.s32 @p2 $0x1082  }
0x22: {  	[simem:s7], [sflag:s8] =	dma.local @!p0 [hbm:s6], $0xF7A  }
0x23: {  	s9 =	sor.u32 $0xD0000000, s2;
	s6 =	simm.s32 $0x108;
	_ =	swait.ge @!p0 [sflag:s8], $0x0  }
0x24: {  	s3 =	sadd.s32 $0x88, s3;
	s6 =	simm.s32 @!p1 $0x1082;
	[sflag:s4] =	ssyncset.s32 $0xFFFFF086  }
0x25: {  	[simem:s6], [sflag:s4] =	dma.local [hbm:s3], $0xF7A  }
0x26: {  	[smem:$0x3F94] =	sst s1;
	(tag) =	ssettag s2;
	_ =	strace s9  }
0x27: {  	s1 =	sld [smem:$0x3FA4]  }
0x28: {  	s2 =	sld [smem:$0x3FA5]  }
0x29: {  	s4 =	sld [smem:$0x3FA7]  }
0x2a: {  	p0 =	seq.s32 s5, $0x0;
	s5 =	sld [smem:$0x3FA8]  }
0x2b: {  	s6 =	sld [smem:$0x3FA9]  }
0x2c: {  	s7 =	sld [smem:$0x3FAA]  }
0x2d: {  	s3 =	simm.s32 $0x108;
	s8 =	sld [smem:$0x3FAB]  }
0x2e: {  	s3 =	simm.s32 @!p0 $0x1082;
	s9 =	sld [smem:$0x3FAC]  }
0x2f: {  	lr =	sadd.s32 s0, s3;
	s0 =	sld [smem:$0x3FA3]  }
0x30: {  	s3 =	sld [smem:$0x3FA6]  }
0x31: {  	[smem:$0x3FAF] =	sst s10  }
0x32: {  	s10 =	sld [smem:$0x3FAD];
	_ =	sdelay $0x3  }
0x33: {  	p0 =	seq.s32 s10, $0x1;
	s10 =	sld [smem:$0x3FAF];
	_ =	sdelay $0x3  }
0x34: {  	[smem:$0x3FAF] =	sst s10  }
0x35: {  	s10 =	sld [smem:$0x3FAE];
	_ =	sdelay $0x3  }
0x36: {  	p1 =	seq.s32 s10, $0x1;
	s10 =	sld [smem:$0x3FAF];
	_ =	sdelay $0x3  }
0x37: {  	[smem:$0x3FAF] =	sst s10  }
0x38: {  	s10 =	sld [smem:$0x3FB0]  }
0x39: {  	_ = 	snop;
	(pc) =	sbr.ind lr, $3  }
0x3a: {  	_ = 	snop  }
0x3b: {  	_ = 	snop  }
0x3c: {  	p2 =	seq.s32 s10, $0x1;
	s10 =	sld [smem:$0x3FAF]  }
0x3d: {  	_ =	shalt  }
0x3e: {  	_ =	shalt  }
0x3f: {  	_ =	shalt  }
0x40: {  	_ =	shalt  }
0x41: {  	_ =	shalt  }
0x42: {  	_ =	shalt  }
0x43: {  	_ =	shalt  }
0x44: {  	_ =	shalt  }
0x45: {  	_ =	shalt  }
0x46: {  	_ =	shalt  }
0x47: {  	_ =	shalt  }
0x48: {  	_ =	shalt  }
0x49: {  	_ =	shalt  }
0x4a: {  	_ =	shalt  }
0x4b: {  	_ =	shalt  }
0x4c: {  	_ =	shalt  }
0x4d: {  	_ =	shalt  }
0x4e: {  	_ =	shalt  }
0x4f: {  	_ =	shalt  }
0x50: {  	_ =	shalt  }
0x51: {  	_ =	shalt  }
0x52: {  	_ =	shalt  }
0x53: {  	_ =	shalt  }
0x54: {  	_ =	shalt  }
0x55: {  	_ =	shalt  }
0x56: {  	_ =	shalt  }
0x57: {  	_ =	shalt  }
0x58: {  	_ =	shalt  }
0x59: {  	_ =	shalt  }
0x5a: {  	_ =	shalt  }
0x5b: {  	_ =	shalt  }
0x5c: {  	_ =	shalt  }
0x5d: {  	_ =	shalt  }
0x5e: {  	_ =	shalt  }
0x5f: {  	_ =	shalt  }
0x60: {  	_ =	shalt  }
0x61: {  	_ =	shalt  }
0x62: {  	_ =	shalt  }
0x63: {  	_ =	shalt  }
0x64: {  	_ =	shalt  }
0x65: {  	_ =	shalt  }
0x66: {  	_ =	shalt  }
0x67: {  	_ =	shalt  }
0x68: {  	_ =	shalt  }
0x69: {  	_ =	shalt  }
0x6a: {  	_ =	shalt  }
0x6b: {  	_ =	shalt  }
0x6c: {  	_ =	shalt  }
0x6d: {  	_ =	shalt  }
0x6e: {  	_ =	shalt  }
0x6f: {  	_ =	shalt  }
0x70: {  	_ =	shalt  }
0x71: {  	_ =	shalt  }
0x72: {  	_ =	shalt  }
0x73: {  	_ =	shalt  }
0x74: {  	_ =	shalt  }
0x75: {  	_ =	shalt  }
0x76: {  	_ =	shalt  }
0x77: {  	_ =	shalt  }
0x78: {  	_ =	shalt  }
0x79: {  	_ =	shalt  }
0x7a: {  	_ =	shalt  }
0x7b: {  	_ =	shalt  }
0x7c: {  	_ =	shalt  }
0x7d: {  	_ =	shalt  }
0x7e: {  	_ =	shalt  }
0x7f: {  	_ =	shalt  }
0x80: {  	_ =	shalt  }
0x81: {  	_ =	shalt  }
0x82: {  	_ =	shalt  }
0x83: {  	_ =	shalt  }
0x84: {  	_ =	shalt  }
0x85: {  	_ =	shalt  }
0x86: {  	_ =	shalt  }
0x87: {  	_ =	shalt  }
.Lfunc_end0:
.L_simem_size_0:
called_computation_lowered:
.L_overlay_start_0:
0x88: {  	s2 =	sld [smem:$0x3FD9]  }
0x89: {  	s3 =	sld [smem:$0x3FFE];
	_ =	sdelay $0x1  }
0x8a: {  	s1 =	srdreg.scid  }
0x8b: {  	s0 =	sand.u32 $0x1, s1  }
0x8c: {  	s17 =	sshll.u32 s0, $0xA;
	s2 =	sadd.s32 s3, s2  }
0x8d: {  	s2 =	sadd.s32 s2, s17  }
0x8e: {  	[smem:$0x3FBB] =	sst s2  }
0x8f: {  	_ = 	snop  }
0x90: {  	s2 =	sld [smem:$0x3FD0];
	(tm) =	ssettm $0x1  }
0x91: {  	s18 =	sld [smem:$0x3FFB];
	_ =	sdelay $0x3  }
0x92: {  	_ =	strace s18  }
0x93: {  	s3 =	sld [smem:$0x3FFC];
	_ =	sdelay $0x3  }
0x94: {  	_ =	strace s3  }
0x95: {  	s3 =	sld [smem:$0x3FFD];
	_ =	sdelay $0x3  }
0x96: {  	_ =	strace s3  }
0x97: {  	_ =	strace $0x8FFFFFFF  }
0x98: {  	s19 =	sld [smem:$0x3FDB];
	_ =	sdelay $0x1  }
0x99: {  	s4 =	simm.s32 $_scs_section_size  }
0x9a: {  	s5 =	simm.s32 $_size__tile_overlayer_lowered;
	s6 =	simm.s32 $_tile_overlayer_lowered  }
0x9b: {  	s22 =	simm.s32 $0x1BFF;
	s21 =	sshll.u32 s6, $0x1;
	s3 =	sadd.s32 s4, s19  }
0x9c: {  	s7 =	simm.s32 $0x0;
	s20 =	sshll.u32 s5, $0x1;
	s5 =	sadd.s32 s21, s3  }
0x9d: {  	[timem:s7], [sflag:s22] =	dma.local [hbm:s5], s20  }
0x9e: {  	_ =	swait.ge [sflag:s22], s20  }
0x9f: {  	s4 =	ssub.s32 $0x0, s20;
	[sflag:s22] =	ssyncset.done $0x0  }
0xa0: {  	[sflag:s22] =	ssyncadd.s32 s4;
	_ =	sdelay $0x1  }
0xa1: {  	s23 =	simm.s32 $0x1B8B  }
0xa2: {  	_ =	swait.ge [sflag:s23], $0x1  }
0xa3: {  	[sflag:s23] =	ssyncset.done $0x0  }
0xa4: {  	s25 =	simm.s32 $0x1B8E;
	s24 =	sld [smem:$0x3FFE];
	[sflag:s23] =	ssyncadd.s32 $0xFFFFFFFF  }
0xa5: {  	s26 =	simm.s32 $execute0_lowered;
	[smem:$0x3FD2] =	sst s25  }
0xa6: {  	s5 =	sshll.u32 s26, $0x1;
	_ =	strace $0x80000046;
	[dreg:$0x1] =	wrdreg $0xFFFFFFFF  }
0xa7: {  	s28 =	simm.s32 $_size_execute0_lowered;
	s3 =	sadd.s32 s3, s5;
	[dreg:$0x0] =	wrdreg $0x0  }
0xa8: {  	s5 =	sshll.u32 s28, $0x1;
	[dreg:$0x2] =	wrdreg s3  }
0xa9: {  	[dreg:$0x3] =	wrdreg s5  }
0xaa: {  	[dreg:$0x4] =	wrdreg $0xC0  }
0xab: {  	_ =	task [dreg:s7], $0x5FFFF  }
0xac: {  	[dreg:$0x1] =	wrdreg $0xFFFFFFFF  }
0xad: {  	[dreg:$0x0] =	wrdreg $0x60  }
0xae: {  	[dreg:$0x2] =	wrdreg s24  }
0xaf: {  	[dreg:$0x3] =	wrdreg s2  }
0xb0: {  	[dreg:$0x4] =	wrdreg $0x98000  }
0xb1: {  	[dreg:$0x5] =	wrdreg $0x9  }
0xb2: {  	_ =	task.clear_ibuf [dreg:s7], $0x6FFFF;
	_ =	strace $0x90000046  }
0xb3: {  	s29 =	simm.s32 $0x9;
	_ =	strace $0x80000048  }
0xb4: {  	_ =	swait.ge [sflag:s29], $0x1  }
0xb5: {  	[sflag:s29] =	ssyncadd.s32 $0xFFFFFFFF  }
0xb6: {  	_ =	strace $0x90000048  }
0xb7: {  	_ =	sfence  }
0xb8: {  	s30 =	sld [smem:$0x0];
	_ =	sdelay $0x2  }
0xb9: {  	s31 =	sshll.u32 s1, $0xD;
	s1 =	sshrl.u32 s1, $0x2  }
0xba: {  	s3 =	sand.u32 $0x4000, s31;
	s1 =	sadd.s32 s1, s30  }
0xbb: {  	s0 =	sor.u32 s3, s0;
	s1 =	sshll.u32 s1, $0x11  }
0xbc: {  	s0 =	sor.u32 s1, s0  }
0xbd: {  	s0 =	sadd.s32 $0x8F2B, s0  }
0xbe: {  	[sflag:s0] =	ssyncadd.remote.s32 $0x1  }
0xbf: {  	_ =	sfence.sel $0xFFFF  }
0xc0: {  	[dreg:$0x0] =	wrdreg $0xFFFFFFFF;
	(pc) =	sbr.abs _section_cstart, $3  }
0xc1: {  	[dreg:$0x1] =	wrdreg $0xFFFFFFFF  }
0xc2: {  	_ =	task.clear_ibuf [dreg:s7], $0x2FFFF;
	_ =	strace $0x9FFFFFFF  }
0xc3: {  	(tm) =	ssettm $0x7FFFFFFF  }
tec
execute0_lowered:
.L_overlay_start_1:
0x0: {  	(tag) =	ssettag $0x1  }
0x1: {  	s0 =	rddreg [dreg:$0x0]  }
0x2: {  	s1 =	rddreg [dreg:$0x1]  }
0x3: {  	s31 =	rddreg [dreg:$0x2]  }
0x4: {  	s2 =	simm.s32 $0x0;
	s4 =	srdreg.scid;
	s8 =	stileid.u32  }
0x5: {  	s28 =	simm.s32 $0x300;
	s29 =	simm.s32 $0x5000;
	[smem:$0x7FF] =	sst s2  }
0x6: {  	s6 =	sand.u32 $0x1, s4;
	s4 =	sadd.s32 $0x1000, s0;
	s2 =	sadd.s32 $0x2D000, s0  }
0x7: {  	s11 =	sadd.s32 $0x37000, s0;
	s10 =	smul.u32 $0x16380, s8;
	s21 =	sshll.u32 s8, $0x7  }
0x8: {  	s23 =	sshll.u32 s8, $0x6;
	p0 =	sne.s32 s8, $0x0;
	_ =	strace $0x80000047  }
0x9: {  	s7 =	smul.u32 $0x2C700, s6;
	s9 =	ssub.s32 $0x2, s6;
	[dreg:$0x4] =	wrdreg s11  }
0xa: {  	s6 =	sshll.u32 s6, $0xB;
	[dreg:$0x1e] =	wrdreg s2;
	s20 =	sshrl.u32 s9, $0x1  }
0xb: {  	s12 =	sadd.s32 s10, s31;
	s10 =	sshrl.u32 s10, $0x3;
	s6 =	sor.u32 s21, s6  }
0xc: {  	s0 =	sadd.s32 s7, s0;
	s7 =	ssub.s32 s9, s20;
	[dreg:$0x5] =	wrdreg s12  }
0xd: {  	s22 =	sadd.s32 s11, s10;
	s24 =	sshrl.u32 s6, $0x3;
	s20 =	sor.u32 $0x1C09, s23  }
0xe: {  	s12 =	simm.s32 $0x6;
	s11 =	simm.s32 $0x4;
	[dreg:$0x6] =	wrdreg s22  }
0xf: {  	s25 =	sadd.s32 s1, s24;
	s26 =	sor.u32 $0x200, s24;
	[dreg:$0x7] =	wrdreg s20  }
0x10: {  	s3 =	sor.u32 $0x400, s24;
	s22 =	sadd.s32 s2, s24;
	[dreg:$0x8] =	wrdreg s25  }
0x11: {  	s13 =	sor.u32 $0x600, s24;
	s7 =	smax.u32 s7, $0x1;
	[dreg:$0x14] =	wrdreg s22  }
0x12: {  	s15 =	sor.u32 $0x800, s24;
	s30 =	sadd.s32 s1, s26;
	[dreg:$0x19] =	wrdreg s7  }
0x13: {  	s17 =	sor.u32 $0xA00, s24;
	s9 =	sadd.s32 s2, s26;
	[dreg:$0x9] =	wrdreg s30  }
0x14: {  	s0 =	sadd.s32 $0x63800, s0;
	s5 =	sadd.s32 s1, s3;
	[dreg:$0xa] =	wrdreg s9  }
0x15: {  	s21 =	sor.u32 $0xC00, s24;
	s14 =	sadd.s32 s1, s13;
	[dreg:$0xb] =	wrdreg s5  }
0x16: {  	s23 =	sor.u32 $0xE00, s24;
	s16 =	sadd.s32 s1, s15;
	[dreg:$0xd] =	wrdreg s14  }
0x17: {  	s18 =	sadd.s32 s1, s17;
	s19 =	sadd.s32 s2, s17;
	[dreg:$0xf] =	wrdreg s16  }
0x18: {  	s0 =	sadd.s32 s10, s0;
	s24 =	sadd.s32 s1, s21;
	[dreg:$0x11] =	wrdreg s18  }
0x19: {  	s25 =	sadd.s32 s1, s23;
	s26 =	sor.u32 $0xC000, s6;
	[dreg:$0x12] =	wrdreg s19  }
0x1a: {  	s8 =	sadd.s32 s2, s23;
	s6 =	sor.u32 $0x8000, s6;
	[dreg:$0x13] =	wrdreg s0  }
0x1b: {  	s7 =	simm.s32 $0x9;
	s17 =	simm.s32 $0x40;
	[dreg:$0x15] =	wrdreg s24  }
0x1c: {  	s22 =	simm.s32 $0x200;
	s23 =	simm.s32 $0x600;
	[dreg:$0x17] =	wrdreg s25  }
0x1d: {  	s10 =	simm.s32 $0x7;
	s9 =	sadd.s32 s2, s3;
	[dreg:$0x18] =	wrdreg s8  }
0x1e: {  	s0 =	sadd.s32 s2, s21;
	[dreg:$0x1a] =	wrdreg s6;
	s6 =	sadd.s32 $0x163800, s31  }
0x1f: {  	s8 =	simm.s32 $0x80;
	s16 =	simm.s32 $0x3;
	s18 =	simm.s32 $0x800  }
0x20: {  	s19 =	simm.s32 $0x2C00;
	s25 =	simm.s32 $0x280;
	s3 =	simm.s32 $0x780  }
0x21: {  	s5 =	simm.s32 $0x7400;
	s24 =	simm.s32 $0x200;
	[dreg:$0xc] =	wrdreg s9  }
0x22: {  	s9 =	sadd.s32 s2, s13;
	[dreg:$0x16] =	wrdreg s0;
	s0 =	sshrl.u32 s26, $0x3  }
0x23: {  	s26 =	simm.s32 $0x680;
	s13 =	simm.s32 $0x8;
	[dreg:$0xe] =	wrdreg s9  }
.Ltmp0:
0x24: {  	s9 =	sadd.s32 s2, s15;
	s30 =	sadd.s32 s0, s1;
	(pc) =	sbr.rel .LBB2_1-.Ltmp0, $4  }
0x25: {  	s0 =	sadd.s32 s0, s2;
	s15 =	simm.s32 $0x1;
	[dreg:$0x10] =	wrdreg s9  }
0x26: {  	s1 =	simm.s32 $0x700;
	s2 =	simm.s32 $0x0;
	[dreg:$0x1b] =	wrdreg s30  }
0x27: {  	[dreg:$0x1c] =	wrdreg s0;
	s0 =	sshrl.u32 @!p0 s6, $0x3;
	s9 =	simm.s32 $0x380  }
0x28: {  	s6 =	simm.s32 $0x5;
	[dreg:$0x1d] =	wrdreg s0;
	s0 =	simm.s32 $0x2  }
.LBB2_4:
0x29: {  	_ =	swait.ge [sflag:s12], $0x2400  }
0x2a: {  	[sflag:s12] =	ssyncset.done $0x0  }
0x2b: {  	[sflag:s12] =	ssyncadd.s32 $0xFFFFDC00  }
0x2c: {  	_ =	swait.ge [sflag:s13], $0x2400  }
0x2d: {  	[sflag:s13] =	ssyncset.done $0x0  }
0x2e: {  	s3 =	simm.s32 $0x780;
	[sflag:s13] =	ssyncadd.s32 $0xFFFFDC00  }
0x2f: {  	[spmem:s31] =	stream.indirect.scatter.add.f32 [tilespmem:s29], [sflag:$0x9], $0x90, s3, s8, $0xb8;
	[tilespmem:$0x1FBC8] =	vst v63  }
0x30: {  	_ =	swait.ge [sflag:s7], $0x4800  }
0x31: {  	[sflag:s7] =	ssyncset.done $0x0  }
0x32: {  	[sflag:s7] =	ssyncadd.s32 $0xFFFFB800  }
0x33: {  	[bflag:$0x0] =	sbarrier.arrive $0xFFFF  }
0x34: {  	s2 =	sld [smem:$0x7FD]  }
0x35: {  	s20 =	rddreg [dreg:$0x7]  }
0x36: {  	s14 =	rddreg [dreg:$0x13]  }
0x37: {  	[hbm:s14], [sflag:s20] =	dma.local [spmem:s2], $0x2C70  }
0x38: {  	_ =	swait.ge [sflag:s7], $0x2C70  }
0x39: {  	s22 =	rddreg [dreg:$0x1f]  }
0x3a: {  	s30 =	rddreg [dreg:$0x19];
	s2 =	sadd.s32 $0x1, s22  }
0x3b: {  	p1 =	sne.s32 s2, s30  }
.Ltmp1:
0x3c: {  	_ = 	snop;
	(pc) =	sbr.rel @!p1 .LBB2_5-.Ltmp1, $3  }
0x3d: {  	_ =	sdelay $0x1  }
0x3e: {  	[sflag:s7] =	ssyncset.done $0x0  }
0x3f: {  	[sflag:s7] =	ssyncadd.s32 $0xFFFFD390;
	s22 =	simm.s32 $0x200  }
.LBB2_1:
0x40: {  	[dreg:$0x1f] =	wrdreg s2  }
0x41: {  	s14 =	rddreg [dreg:$0x5]  }
0x42: {  	s21 =	rddreg [dreg:$0x6];
	s14 =	sshrl.u32 s14, $0x3  }
0x43: {  	[smem:$0x7FD] =	sst s14  }
0x44: {  	[spmem:s14], [sflag:s20] =	dma.local [hbm:s21], $0x2C70  }
0x45: {  	_ =	swait.ge [sflag:s7], $0x2C70  }
0x46: {  	[sflag:s7] =	ssyncset.done $0x0;
	s14 =	rddreg [dreg:$0x4]  }
0x47: {  	s21 =	rddreg [dreg:$0x1d];
	[sflag:s7] =	ssyncadd.s32 $0xFFFFD390  }
0x48: {  	[spmem:s21], [sflag:s20] =	dma.local @!p0 [hbm:s14], $0x90  }
0x49: {  	s14 =	simm.s32 @!p0 $0x9  }
0x4a: {  	_ =	swait.ge @!p0 [sflag:s14], $0x90  }
0x4b: {  	[sflag:s14] =	ssyncset.done @!p0 $0x0  }
0x4c: {  	s2 =	simm.s32 $0x0;
	s21 =	rddreg [dreg:$0x8];
	[sflag:s14] =	ssyncadd.s32 @!p0 $0xFFFFFF70  }
0x4d: {  	[tilespmem:s2], [sflag:$0x1] =	stream.linear.gather [hbm4b:s21+s2], $0x80, $0x38;
	[tilespmem:$0x1FBC8] =	vst v63  }
0x4e: {  	s20 =	rddreg [dreg:$0x14];
	s21 =	simm.s32 $0x400  }
0x4f: {  	[tilespmem:s21], [sflag:$0x3] =	stream.linear.gather [hbm4b:s20+s2], $0x80, $0x38;
	[tilespmem:$0x1FBC8] =	vst v63  }
0x50: {  	s21 =	rddreg [dreg:$0x9]  }
0x51: {  	[tilespmem:s8], [sflag:$0x1] =	stream.linear.gather [hbm4b:s21+s2], $0x80, $0x38;
	[tilespmem:$0x1FBC8] =	vst v63  }
0x52: {  	s20 =	rddreg [dreg:$0xa];
	s21 =	simm.s32 $0x480  }
0x53: {  	[tilespmem:s21], [sflag:$0x3] =	stream.linear.gather [hbm4b:s20+s2], $0x80, $0x38;
	[tilespmem:$0x1FBC8] =	vst v63  }
0x54: {  	s20 =	rddreg [dreg:$0xb];
	s21 =	simm.s32 $0x100  }
0x55: {  	[tilespmem:s21], [sflag:$0x1] =	stream.linear.gather [hbm4b:s20+s2], $0x80, $0x38;
	[tilespmem:$0x1FBC8] =	vst v63  }
0x56: {  	s20 =	rddreg [dreg:$0xc];
	s21 =	simm.s32 $0x500  }
0x57: {  	[tilespmem:s21], [sflag:$0x3] =	stream.linear.gather [hbm4b:s20+s2], $0x80, $0x38;
	[tilespmem:$0x1FBC8] =	vst v63  }
0x58: {  	s20 =	rddreg [dreg:$0xd];
	s21 =	simm.s32 $0x180  }
0x59: {  	[tilespmem:s21], [sflag:$0x1] =	stream.linear.gather [hbm4b:s20+s2], $0x80, $0x38;
	[tilespmem:$0x1FBC8] =	vst v63  }
0x5a: {  	s20 =	rddreg [dreg:$0xe];
	s21 =	simm.s32 $0x580  }
0x5b: {  	[tilespmem:s21], [sflag:$0x3] =	stream.linear.gather [hbm4b:s20+s2], $0x80, $0x38;
	[tilespmem:$0x1FBC8] =	vst v63  }
0x5c: {  	[bflag:$0x0] =	sbarrier.arrive $0xFFFF  }
0x5d: {  	_ =	swait.ge [sflag:s15], $0x80  }
0x5e: {  	[sflag:s15] =	ssyncset.done $0x0  }
0x5f: {  	[sflag:s15] =	ssyncadd.s32 $0xFFFFFF80  }
0x60: {  	_ =	swait.ge [sflag:s16], $0x80  }
0x61: {  	[sflag:s16] =	ssyncset.done $0x0  }
0x62: {  	[sflag:s16] =	ssyncadd.s32 $0xFFFFFF80  }
0x63: {  	_ =	swait.ge [sflag:s15], $0x80  }
0x64: {  	[sflag:s15] =	ssyncset.done $0x0  }
0x65: {  	[sflag:s15] =	ssyncadd.s32 $0xFFFFFF80  }
0x66: {  	_ =	swait.ge [sflag:s16], $0x80  }
0x67: {  	[sflag:s16] =	ssyncset.done $0x0  }
0x68: {  	[sflag:s16] =	ssyncadd.s32 $0xFFFFFF80  }
0x69: {  	_ =	swait.ge [sflag:s15], $0x80  }
0x6a: {  	[sflag:s15] =	ssyncset.done $0x0  }
0x6b: {  	[sflag:s15] =	ssyncadd.s32 $0xFFFFFF80  }
0x6c: {  	_ =	swait.ge [sflag:s16], $0x80  }
0x6d: {  	[sflag:s16] =	ssyncset.done $0x0  }
0x6e: {  	[sflag:s16] =	ssyncadd.s32 $0xFFFFFF80  }
0x6f: {  	_ =	swait.ge [sflag:s15], $0x80  }
0x70: {  	[sflag:s15] =	ssyncset.done $0x0  }
0x71: {  	[sflag:s15] =	ssyncadd.s32 $0xFFFFFF80  }
0x72: {  	_ =	swait.ge [sflag:s16], $0x80  }
0x73: {  	[sflag:s16] =	ssyncset.done $0x0  }
0x74: {  	[sflag:s16] =	ssyncadd.s32 $0xFFFFFF80  }
0x75: {  	[tilespmem:s18], [sflag:$0x5] =	stream.indirect.gather [hbm4b:s4+s17], $0x90, s2, s17, $0xb8;
	[tilespmem:$0x1FBC8] =	vst v63  }
0x76: {  	_ = 	snop  }
0x77: {  	[tilespmem:s19], [sflag:$0x7] =	stream.indirect.gather [hbm4b:s4+s17], $0x90, s17, s17, $0xb8;
	[tilespmem:$0x1FBC8] =	vst v63  }
0x78: {  	s20 =	rddreg [dreg:$0xf]  }
0x79: {  	[tilespmem:s22], [sflag:$0x2] =	stream.linear.gather [hbm4b:s20+s2], $0x80, $0x38;
	[tilespmem:$0x1FBC8] =	vst v63  }
0x7a: {  	s21 =	rddreg [dreg:$0x10]  }
0x7b: {  	[tilespmem:s23], [sflag:$0x4] =	stream.linear.gather [hbm4b:s21+s2], $0x80, $0x38;
	[tilespmem:$0x1FBC8] =	vst v63  }
0x7c: {  	s23 =	rddreg [dreg:$0x11]  }
0x7d: {  	[tilespmem:s25], [sflag:$0x2] =	stream.linear.gather [hbm4b:s23+s2], $0x80, $0x38;
	[tilespmem:$0x1FBC8] =	vst v63  }
0x7e: {  	s25 =	rddreg [dreg:$0x12]  }
0x7f: {  	[tilespmem:s26], [sflag:$0x4] =	stream.linear.gather [hbm4b:s25+s2], $0x80, $0x38;
	[tilespmem:$0x1FBC8] =	vst v63  }
0x80: {  	s20 =	rddreg [dreg:$0x15]  }
0x81: {  	[tilespmem:s28], [sflag:$0x2] =	stream.linear.gather [hbm4b:s20+s2], $0x80, $0x38;
	[tilespmem:$0x1FBC8] =	vst v63  }
0x82: {  	s21 =	rddreg [dreg:$0x16]  }
0x83: {  	[tilespmem:s1], [sflag:$0x4] =	stream.linear.gather [hbm4b:s21+s2], $0x80, $0x38;
	[tilespmem:$0x1FBC8] =	vst v63  }
0x84: {  	s23 =	rddreg [dreg:$0x17]  }
0x85: {  	[tilespmem:s9], [sflag:$0x2] =	stream.linear.gather [hbm4b:s23+s2], $0x80, $0x38;
	[tilespmem:$0x1FBC8] =	vst v63  }
0x86: {  	s25 =	rddreg [dreg:$0x18]  }
0x87: {  	[tilespmem:s3], [sflag:$0x4] =	stream.linear.gather [hbm4b:s25+s2], $0x80, $0x38;
	[tilespmem:$0x1FBC8] =	vst v63  }
0x88: {  	s14 =	simm.s32 $0x0;
	s30 =	rddreg [dreg:$0x1a];
	s26 =	simm.s32 $0xC0  }
0x89: {  	[tilespmem:s29], [sflag:$0x6] =	stream.indirect.gather [hbm4b:s4+s17], $0x90, s8, s17, $0xb8;
	[tilespmem:$0x1FBC8] =	vst v63  }
0x8a: {  	s28 =	simm.s32 $0x680;
	s1 =	simm.s32 $0x300;
	s9 =	simm.s32 $0x700  }
0x8b: {  	[tilespmem:s5], [sflag:$0x8] =	stream.indirect.gather [hbm4b:s4+s17], $0x90, s26, s17, $0xb8;
	[tilespmem:$0x1FBC8] =	vst v63  }
0x8c: {  	s25 =	simm.s32 $0x600;
	s2 =	simm.s32 $0x380;
	s26 =	simm.s32 $0x280  }
.LBB2_2:
0x8d: {  	_ =	swait.ge [sflag:s6], $0x2400  }
0x8e: {  	[sflag:s6] =	ssyncset.done $0x0  }
0x8f: {  	[sflag:s6] =	ssyncadd.s32 $0xFFFFDC00  }
0x90: {  	_ =	swait.ge [sflag:s10], $0x2400  }
0x91: {  	[sflag:s10] =	ssyncset.done $0x0  }
0x92: {  	s20 =	simm.s32 $0x400;
	[sflag:s10] =	ssyncadd.s32 $0xFFFFDC00  }
0x93: {  	[spmem:s31] =	stream.indirect.scatter.add.f32 [tilespmem:s18], [sflag:$0x9], $0x90, s20, s8, $0xb8;
	[tilespmem:$0x1FBC8] =	vst v63  }
0x94: {  	_ =	swait.ge [sflag:s7], $0x4800  }
0x95: {  	[sflag:s7] =	ssyncset.done $0x0  }
0x96: {  	s23 =	simm.s32 $0x100;
	[sflag:s7] =	ssyncadd.s32 $0xFFFFB800  }
0x97: {  	[tilespmem:s18], [sflag:$0x5] =	stream.indirect.gather [hbm4b:s4+s17], $0x90, s23, s17, $0xb8;
	[tilespmem:$0x1FBC8] =	vst v63  }
0x98: {  	s3 =	simm.s32 $0x140  }
0x99: {  	[tilespmem:s19], [sflag:$0x7] =	stream.indirect.gather [hbm4b:s4+s17], $0x90, s3, s17, $0xb8;
	[tilespmem:$0x1FBC8] =	vst v63  }
0x9a: {  	_ =	swait.ge [sflag:s12], $0x2400  }
0x9b: {  	[sflag:s12] =	ssyncset.done $0x0  }
0x9c: {  	[sflag:s12] =	ssyncadd.s32 $0xFFFFDC00  }
0x9d: {  	_ =	swait.ge [sflag:s13], $0x2400  }
0x9e: {  	[sflag:s13] =	ssyncset.done $0x0  }
0x9f: {  	s3 =	simm.s32 $0x480;
	[sflag:s13] =	ssyncadd.s32 $0xFFFFDC00  }
0xa0: {  	[spmem:s31] =	stream.indirect.scatter.add.f32 [tilespmem:s29], [sflag:$0x9], $0x90, s3, s8, $0xb8;
	[tilespmem:$0x1FBC8] =	vst v63  }
0xa1: {  	_ =	swait.ge [sflag:s7], $0x4800  }
0xa2: {  	[sflag:s7] =	ssyncset.done $0x0  }
0xa3: {  	s21 =	simm.s32 $0x180;
	[sflag:s7] =	ssyncadd.s32 $0xFFFFB800  }
0xa4: {  	[tilespmem:s29], [sflag:$0x6] =	stream.indirect.gather [hbm4b:s4+s17], $0x90, s21, s17, $0xb8;
	[tilespmem:$0x1FBC8] =	vst v63  }
0xa5: {  	s23 =	simm.s32 $0x1C0  }
0xa6: {  	[tilespmem:s5], [sflag:$0x8] =	stream.indirect.gather [hbm4b:s4+s17], $0x90, s23, s17, $0xb8;
	[tilespmem:$0x1FBC8] =	vst v63  }
0xa7: {  	_ =	swait.ge [sflag:s6], $0x2400  }
0xa8: {  	[sflag:s6] =	ssyncset.done $0x0  }
0xa9: {  	[sflag:s6] =	ssyncadd.s32 $0xFFFFDC00  }
0xaa: {  	_ =	swait.ge [sflag:s10], $0x2400  }
0xab: {  	[sflag:s10] =	ssyncset.done $0x0  }
0xac: {  	s5 =	simm.s32 $0x500;
	[sflag:s10] =	ssyncadd.s32 $0xFFFFDC00  }
0xad: {  	[spmem:s31] =	stream.indirect.scatter.add.f32 [tilespmem:s18], [sflag:$0x9], $0x90, s5, s8, $0xb8;
	[tilespmem:$0x1FBC8] =	vst v63  }
0xae: {  	_ =	swait.ge [sflag:s7], $0x4800  }
0xaf: {  	[sflag:s7] =	ssyncset.done $0x0  }
0xb0: {  	[sflag:s7] =	ssyncadd.s32 $0xFFFFB800  }
0xb1: {  	_ =	swait.ge [sflag:s0], $0x80  }
0xb2: {  	[sflag:s0] =	ssyncset.done $0x0  }
0xb3: {  	[sflag:s0] =	ssyncadd.s32 $0xFFFFFF80  }
0xb4: {  	_ =	swait.ge [sflag:s11], $0x80  }
0xb5: {  	[sflag:s11] =	ssyncset.done $0x0  }
0xb6: {  	[sflag:s11] =	ssyncadd.s32 $0xFFFFFF80  }
0xb7: {  	_ =	swait.ge [sflag:s0], $0x80  }
0xb8: {  	[sflag:s0] =	ssyncset.done $0x0  }
0xb9: {  	[sflag:s0] =	ssyncadd.s32 $0xFFFFFF80  }
0xba: {  	_ =	swait.ge [sflag:s11], $0x80  }
0xbb: {  	[sflag:s11] =	ssyncset.done $0x0  }
0xbc: {  	[sflag:s11] =	ssyncadd.s32 $0xFFFFFF80  }
0xbd: {  	_ =	swait.ge [sflag:s0], $0x80  }
0xbe: {  	[sflag:s0] =	ssyncset.done $0x0  }
0xbf: {  	[sflag:s0] =	ssyncadd.s32 $0xFFFFFF80  }
0xc0: {  	_ =	swait.ge [sflag:s11], $0x80  }
0xc1: {  	[sflag:s11] =	ssyncset.done $0x0  }
0xc2: {  	[sflag:s11] =	ssyncadd.s32 $0xFFFFFF80  }
0xc3: {  	_ =	swait.ge [sflag:s0], $0x80  }
0xc4: {  	[sflag:s0] =	ssyncset.done $0x0  }
0xc5: {  	[sflag:s0] =	ssyncadd.s32 $0xFFFFFF80  }
0xc6: {  	_ =	swait.ge [sflag:s11], $0x80  }
0xc7: {  	[sflag:s11] =	ssyncset.done $0x0  }
0xc8: {  	[sflag:s11] =	ssyncadd.s32 $0xFFFFFF80  }
0xc9: {  	[tilespmem:s18], [sflag:$0x5] =	stream.indirect.gather [hbm4b:s4+s17], $0x90, s22, s17, $0xb8;
	[tilespmem:$0x1FBC8] =	vst v63  }
0xca: {  	s21 =	simm.s32 $0x240  }
0xcb: {  	[tilespmem:s19], [sflag:$0x7] =	stream.indirect.gather [hbm4b:s4+s17], $0x90, s21, s17, $0xb8;
	[tilespmem:$0x1FBC8] =	vst v63  }
0xcc: {  	_ =	swait.ge [sflag:s12], $0x2400  }
0xcd: {  	[sflag:s12] =	ssyncset.done $0x0  }
0xce: {  	[sflag:s12] =	ssyncadd.s32 $0xFFFFDC00  }
0xcf: {  	_ =	swait.ge [sflag:s13], $0x2400  }
0xd0: {  	[sflag:s13] =	ssyncset.done $0x0  }
0xd1: {  	s22 =	simm.s32 $0x580;
	[sflag:s13] =	ssyncadd.s32 $0xFFFFDC00  }
0xd2: {  	[spmem:s31] =	stream.indirect.scatter.add.f32 [tilespmem:s29], [sflag:$0x9], $0x90, s22, s8, $0xb8;
	[tilespmem:$0x1FBC8] =	vst v63  }
0xd3: {  	_ =	swait.ge [sflag:s7], $0x4800  }
0xd4: {  	[sflag:s7] =	ssyncset.done $0x0  }
0xd5: {  	p1 =	seq.s32 s14, $0x9000;
	[sflag:s7] =	ssyncadd.s32 $0xFFFFB800  }
0xd6: {  	s5 =	smov.u32 s31;
	s31 =	sshrl.u32 @!p1 s30, $0x3;
	s19 =	rddreg [dreg:$0x1]  }
0xd7: {  	s21 =	simm.s32 @!p1 $0x0;
	s3 =	rddreg [dreg:$0x1e];
	s20 =	sadd.s32 @!p1 s19, s31  }
0xd8: {  	[tilespmem:s21], [sflag:$0x1] =	stream.linear.gather @!p1 [hbm4b:s20+s21], $0x80, $0x38;
	[tilespmem:$0x1FBC8] =	vst v63  }
0xd9: {  	s22 =	simm.s32 @!p1 $0x400;
	s20 =	sadd.s32 @!p1 s3, s31  }
0xda: {  	[tilespmem:s22], [sflag:$0x3] =	stream.linear.gather @!p1 [hbm4b:s20+s21], $0x80, $0x38;
	[tilespmem:$0x1FBC8] =	vst v63  }
0xdb: {  	s20 =	sor.u32 @!p1 $0x200, s31  }
0xdc: {  	s23 =	simm.s32 @!p1 $0x80;
	s22 =	sadd.s32 @!p1 s19, s20  }
0xdd: {  	[tilespmem:s23], [sflag:$0x1] =	stream.linear.gather @!p1 [hbm4b:s22+s21], $0x80, $0x38;
	[tilespmem:$0x1FBC8] =	vst v63  }
0xde: {  	s20 =	sadd.s32 @!p1 s3, s20;
	s22 =	simm.s32 @!p1 $0x480  }
0xdf: {  	[tilespmem:s22], [sflag:$0x3] =	stream.linear.gather @!p1 [hbm4b:s20+s21], $0x80, $0x38;
	[tilespmem:$0x1FBC8] =	vst v63  }
0xe0: {  	s20 =	sor.u32 @!p1 $0x400, s31  }
0xe1: {  	s23 =	simm.s32 @!p1 $0x100;
	s22 =	sadd.s32 @!p1 s19, s20  }
0xe2: {  	[tilespmem:s23], [sflag:$0x1] =	stream.linear.gather @!p1 [hbm4b:s22+s21], $0x80, $0x38;
	[tilespmem:$0x1FBC8] =	vst v63  }
0xe3: {  	s20 =	sadd.s32 @!p1 s3, s20;
	s22 =	simm.s32 @!p1 $0x500  }
0xe4: {  	[tilespmem:s22], [sflag:$0x3] =	stream.linear.gather @!p1 [hbm4b:s20+s21], $0x80, $0x38;
	[tilespmem:$0x1FBC8] =	vst v63  }
0xe5: {  	s20 =	sor.u32 @!p1 $0x600, s31  }
0xe6: {  	s23 =	simm.s32 @!p1 $0x180;
	s22 =	sadd.s32 @!p1 s19, s20  }
0xe7: {  	[tilespmem:s23], [sflag:$0x1] =	stream.linear.gather @!p1 [hbm4b:s22+s21], $0x80, $0x38;
	[tilespmem:$0x1FBC8] =	vst v63  }
0xe8: {  	s20 =	sadd.s32 @!p1 s3, s20;
	s22 =	simm.s32 @!p1 $0x580  }
0xe9: {  	[tilespmem:s22], [sflag:$0x3] =	stream.linear.gather @!p1 [hbm4b:s20+s21], $0x80, $0x38;
	[tilespmem:$0x1FBC8] =	vst v63  }
0xea: {  	_ = 	snop  }
0xeb: {  	[tilespmem:s29], [sflag:$0x6] =	stream.indirect.gather [hbm4b:s4+s17], $0x90, s26, s17, $0xb8;
	[tilespmem:$0x1FBC8] =	vst v63  }
0xec: {  	s31 =	smov.u32 s5;
	s5 =	simm.s32 $0x7400;
	s23 =	simm.s32 $0x2C0  }
0xed: {  	[tilespmem:s5], [sflag:$0x8] =	stream.indirect.gather [hbm4b:s4+s17], $0x90, s23, s17, $0xb8;
	[tilespmem:$0x1FBC8] =	vst v63  }
0xee: {  	_ =	swait.ge [sflag:s6], $0x2400  }
0xef: {  	[sflag:s6] =	ssyncset.done $0x0  }
0xf0: {  	[sflag:s6] =	ssyncadd.s32 $0xFFFFDC00  }
0xf1: {  	_ =	swait.ge [sflag:s10], $0x2400  }
0xf2: {  	[sflag:s10] =	ssyncset.done $0x0  }
0xf3: {  	[sflag:s10] =	ssyncadd.s32 $0xFFFFDC00  }
0xf4: {  	[spmem:s31] =	stream.indirect.scatter.add.f32 [tilespmem:s18], [sflag:$0x9], $0x90, s25, s8, $0xb8;
	[tilespmem:$0x1FBC8] =	vst v63  }
0xf5: {  	_ =	swait.ge [sflag:s7], $0x4800  }
0xf6: {  	[sflag:s7] =	ssyncset.done $0x0  }
0xf7: {  	[sflag:s7] =	ssyncadd.s32 $0xFFFFB800  }
0xf8: {  	[tilespmem:s18], [sflag:$0x5] =	stream.indirect.gather [hbm4b:s4+s17], $0x90, s1, s17, $0xb8;
	[tilespmem:$0x1FBC8] =	vst v63  }
0xf9: {  	s19 =	simm.s32 $0x2C00;
	s25 =	simm.s32 $0x340  }
0xfa: {  	[tilespmem:s19], [sflag:$0x7] =	stream.indirect.gather [hbm4b:s4+s17], $0x90, s25, s17, $0xb8;
	[tilespmem:$0x1FBC8] =	vst v63  }
0xfb: {  	_ =	swait.ge [sflag:s12], $0x2400  }
0xfc: {  	[sflag:s12] =	ssyncset.done $0x0  }
0xfd: {  	[sflag:s12] =	ssyncadd.s32 $0xFFFFDC00  }
0xfe: {  	_ =	swait.ge [sflag:s13], $0x2400  }
0xff: {  	[sflag:s13] =	ssyncset.done $0x0  }
0x100: {  	[sflag:s13] =	ssyncadd.s32 $0xFFFFDC00  }
0x101: {  	[spmem:s31] =	stream.indirect.scatter.add.f32 [tilespmem:s29], [sflag:$0x9], $0x90, s28, s8, $0xb8;
	[tilespmem:$0x1FBC8] =	vst v63  }
0x102: {  	_ =	swait.ge [sflag:s7], $0x4800  }
0x103: {  	[sflag:s7] =	ssyncset.done $0x0  }
0x104: {  	[sflag:s7] =	ssyncadd.s32 $0xFFFFB800  }
0x105: {  	[tilespmem:s29], [sflag:$0x6] =	stream.indirect.gather [hbm4b:s4+s17], $0x90, s2, s17, $0xb8;
	[tilespmem:$0x1FBC8] =	vst v63  }
0x106: {  	s26 =	simm.s32 $0x3C0  }
0x107: {  	[tilespmem:s5], [sflag:$0x8] =	stream.indirect.gather [hbm4b:s4+s17], $0x90, s26, s17, $0xb8;
	[tilespmem:$0x1FBC8] =	vst v63  }
0x108: {  	_ =	swait.ge [sflag:s6], $0x2400  }
0x109: {  	[sflag:s6] =	ssyncset.done $0x0  }
0x10a: {  	[sflag:s6] =	ssyncadd.s32 $0xFFFFDC00  }
0x10b: {  	_ =	swait.ge [sflag:s10], $0x2400  }
0x10c: {  	[sflag:s10] =	ssyncset.done $0x0  }
.Ltmp2:
0x10d: {  	[sflag:s10] =	ssyncadd.s32 $0xFFFFDC00;
	(pc) =	sbr.rel @p1 .LBB2_4-.Ltmp2, $4  }
0x10e: {  	[spmem:s31] =	stream.indirect.scatter.add.f32 [tilespmem:s18], [sflag:$0x9], $0x90, s9, s8, $0xb8;
	[tilespmem:$0x1FBC8] =	vst v63  }
0x10f: {  	s23 =	simm.s32 $0x600;
	s1 =	simm.s32 $0x700;
	_ =	swait.ge [sflag:s7], $0x4800  }
0x110: {  	s25 =	simm.s32 $0x280;
	s28 =	simm.s32 $0x300;
	[sflag:s7] =	ssyncset.done $0x0  }
0x111: {  	s26 =	simm.s32 $0x680;
	s9 =	simm.s32 $0x380;
	[sflag:s7] =	ssyncadd.s32 $0xFFFFB800  }
0x112: {  	_ =	swait.ge [sflag:s15], $0x80  }
0x113: {  	[sflag:s15] =	ssyncset.done $0x0  }
0x114: {  	[sflag:s15] =	ssyncadd.s32 $0xFFFFFF80  }
0x115: {  	_ =	swait.ge [sflag:s16], $0x80  }
0x116: {  	[sflag:s16] =	ssyncset.done $0x0  }
0x117: {  	[sflag:s16] =	ssyncadd.s32 $0xFFFFFF80  }
0x118: {  	_ =	swait.ge [sflag:s15], $0x80  }
0x119: {  	[sflag:s15] =	ssyncset.done $0x0  }
0x11a: {  	[sflag:s15] =	ssyncadd.s32 $0xFFFFFF80  }
0x11b: {  	_ =	swait.ge [sflag:s16], $0x80  }
0x11c: {  	[sflag:s16] =	ssyncset.done $0x0  }
0x11d: {  	[sflag:s16] =	ssyncadd.s32 $0xFFFFFF80  }
0x11e: {  	_ =	swait.ge [sflag:s15], $0x80  }
0x11f: {  	[sflag:s15] =	ssyncset.done $0x0  }
0x120: {  	[sflag:s15] =	ssyncadd.s32 $0xFFFFFF80  }
0x121: {  	_ =	swait.ge [sflag:s16], $0x80  }
0x122: {  	[sflag:s16] =	ssyncset.done $0x0  }
0x123: {  	[sflag:s16] =	ssyncadd.s32 $0xFFFFFF80  }
0x124: {  	_ =	swait.ge [sflag:s15], $0x80  }
0x125: {  	[sflag:s15] =	ssyncset.done $0x0  }
0x126: {  	[sflag:s15] =	ssyncadd.s32 $0xFFFFFF80  }
0x127: {  	_ =	swait.ge [sflag:s16], $0x80  }
0x128: {  	[sflag:s16] =	ssyncset.done $0x0  }
0x129: {  	s2 =	simm.s32 $0x0;
	[sflag:s16] =	ssyncadd.s32 $0xFFFFFF80  }
0x12a: {  	[tilespmem:s18], [sflag:$0x5] =	stream.indirect.gather [hbm4b:s4+s17], $0x90, s2, s17, $0xb8;
	[tilespmem:$0x1FBC8] =	vst v63  }
0x12b: {  	_ = 	snop  }
0x12c: {  	[tilespmem:s19], [sflag:$0x7] =	stream.indirect.gather [hbm4b:s4+s17], $0x90, s17, s17, $0xb8;
	[tilespmem:$0x1FBC8] =	vst v63  }
0x12d: {  	_ =	swait.ge [sflag:s12], $0x2400  }
0x12e: {  	[sflag:s12] =	ssyncset.done $0x0  }
0x12f: {  	[sflag:s12] =	ssyncadd.s32 $0xFFFFDC00  }
0x130: {  	_ =	swait.ge [sflag:s13], $0x2400  }
0x131: {  	[sflag:s13] =	ssyncset.done $0x0  }
0x132: {  	s3 =	simm.s32 $0x780;
	[sflag:s13] =	ssyncadd.s32 $0xFFFFDC00  }
0x133: {  	[spmem:s31] =	stream.indirect.scatter.add.f32 [tilespmem:s29], [sflag:$0x9], $0x90, s3, s8, $0xb8;
	[tilespmem:$0x1FBC8] =	vst v63  }
0x134: {  	_ =	swait.ge [sflag:s7], $0x4800  }
0x135: {  	[sflag:s7] =	ssyncset.done $0x0;
	s20 =	rddreg [dreg:$0x1b]  }
0x136: {  	s21 =	rddreg [dreg:$0x1c];
	[sflag:s7] =	ssyncadd.s32 $0xFFFFB800;
	s20 =	sadd.s32 s14, s20  }
0x137: {  	[tilespmem:s24], [sflag:$0x2] =	stream.linear.gather [hbm4b:s20+s2], $0x80, $0x38;
	[tilespmem:$0x1FBC8] =	vst v63  }
0x138: {  	s21 =	sadd.s32 s14, s21  }
0x139: {  	[tilespmem:s23], [sflag:$0x4] =	stream.linear.gather [hbm4b:s21+s2], $0x80, $0x38;
	[tilespmem:$0x1FBC8] =	vst v63  }
0x13a: {  	s22 =	sadd.s32 $0x200, s20  }
0x13b: {  	[tilespmem:s25], [sflag:$0x2] =	stream.linear.gather [hbm4b:s22+s2], $0x80, $0x38;
	[tilespmem:$0x1FBC8] =	vst v63  }
0x13c: {  	s25 =	sadd.s32 $0x200, s21  }
0x13d: {  	[tilespmem:s26], [sflag:$0x4] =	stream.linear.gather [hbm4b:s25+s2], $0x80, $0x38;
	[tilespmem:$0x1FBC8] =	vst v63  }
0x13e: {  	s26 =	sadd.s32 $0x400, s20  }
0x13f: {  	[tilespmem:s28], [sflag:$0x2] =	stream.linear.gather [hbm4b:s26+s2], $0x80, $0x38;
	[tilespmem:$0x1FBC8] =	vst v63  }
0x140: {  	s23 =	sadd.s32 $0x400, s21  }
0x141: {  	[tilespmem:s1], [sflag:$0x4] =	stream.linear.gather [hbm4b:s23+s2], $0x80, $0x38;
	[tilespmem:$0x1FBC8] =	vst v63  }
0x142: {  	s20 =	sadd.s32 $0x600, s20  }
0x143: {  	[tilespmem:s9], [sflag:$0x2] =	stream.linear.gather [hbm4b:s20+s2], $0x80, $0x38;
	[tilespmem:$0x1FBC8] =	vst v63  }
0x144: {  	s30 =	sadd.s32 $0x8000, s30;
	s14 =	sadd.s32 $0x1000, s14;
	s25 =	sadd.s32 $0x600, s21  }
0x145: {  	[tilespmem:s3], [sflag:$0x4] =	stream.linear.gather [hbm4b:s25+s2], $0x80, $0x38;
	[tilespmem:$0x1FBC8] =	vst v63  }
.Ltmp3:
0x146: {  	s22 =	simm.s32 $0x200;
	s26 =	simm.s32 $0xC0;
	(pc) =	sbr.rel .LBB2_2-.Ltmp3, $4  }
0x147: {  	[tilespmem:s29], [sflag:$0x6] =	stream.indirect.gather [hbm4b:s4+s17], $0x90, s8, s17, $0xb8;
	[tilespmem:$0x1FBC8] =	vst v63  }
0x148: {  	s28 =	simm.s32 $0x680;
	s1 =	simm.s32 $0x300;
	s9 =	simm.s32 $0x700  }
0x149: {  	[tilespmem:s5], [sflag:$0x8] =	stream.indirect.gather [hbm4b:s4+s17], $0x90, s26, s17, $0xb8;
	[tilespmem:$0x1FBC8] =	vst v63  }
0x14a: {  	s25 =	simm.s32 $0x600;
	s2 =	simm.s32 $0x380;
	s26 =	simm.s32 $0x280  }
.LBB2_5:
0x14b: {  	_ =	sfence.sel $0x180000  }
0x14c: {  	[bflag:$0x0] =	sbarrier.arrive $0xFFFF  }
0x14d: {  	_ =	strace $0x90000047  }
0x14e: {  	[bflag:$0x2] =	sbarrier.arrive $0xFFFF  }
0x14f: {  	s0 =	rddreg [dreg:$0x3]  }
0x150: {  	s0 =	sadd.s32 @!p0 $0x100000, s0  }
0x151: {  	[sflag:s0] =	ssyncadd.tile.s32 @!p0 $0x1;
	_ =	shalt  }
.Lfunc_end2:
_tile_overlayer_lowered:
.L_overlay_start_2:
0x152: {  	(tag) =	ssettag $0x2  }
0x153: {  	s0 =	rddreg [dreg:$0x0];
	s2 =	stileid.u32  }
0x154: {  	s1 =	rddreg [dreg:$0x1];
	p0 =	sne.s32 s2, $0x0  }
0x155: {  	s3 =	rddreg [dreg:$0x2];
	[bflag:$0x3] =	sbarrier.arrive $0xFFFF;
	s2 =	simm.s32 @!p0 $0x1C09  }
0x156: {  	[timem:s3], [sflag:s2] =	dma.local @!p0 [hbm:s0], s1  }
0x157: {  	s0 =	simm.s32 @!p0 $0x9  }
0x158: {  	_ =	swait.ge @!p0 [sflag:s0], s1  }
0x159: {  	s1 =	ssub.s32 @!p0 $0x0, s1;
	[sflag:s0] =	ssyncset.done @!p0 $0x0  }
0x15a: {  	[sflag:s0] =	ssyncadd.s32 @!p0 s1  }
0x15b: {  	[bflag:$0x3] =	sbarrier.arrive $0xFFFF  }
0x15c: {  	_ =	shalt  }

</sc_bundles>
